<compile_context>
chip_gen: v7x
topology: tpu7x:2x2x1
jax: 0.10.2.dev20260603
libtpu: 0.0.44.dev20260713+nightly
codegen_flags: <defaults>
</compile_context>

<pallas_src>
import functools

import numpy as np
import jax
import jax.numpy as jnp
from jax import lax
from jax.experimental import pallas as pl
from jax.experimental.pallas import tpu as pltpu
from jax.experimental.pallas import tpu_sc as plsc

_B = 16384
_R = 128
_L = 64
_PHASE1 = 7
_STEPS = {-4: 1342177, -3: 671089, -2: 335544, -1: 167772,
          0: 83886, 1: 41943, 2: 20972, 3: 10486}
_RECIP = {e: float(np.nextafter(np.nextafter(np.float32(1.0 / s),
                                             np.float32(2.0)),
                                np.float32(2.0)))
          for e, s in _STEPS.items()}

_NC = 2
_NS = 16
_CH = _B // (_NC * _NS)
_V = 16


def _mlp_body(xt_ref, w1_ref, b1_ref, w2_ref, b2_ref, out_ref):
    f32 = jnp.float32
    x0 = xt_ref[0]
    x1 = xt_ref[1]
    acc = jnp.zeros((_R, _R), f32)
    for j in range(_L):
        h = jnp.maximum(x0 * w1_ref[0, j] + x1 * w1_ref[1, j] + b1_ref[j], 0.0)
        acc = acc + h * w2_ref[j, 0]
    z = acc + b2_ref[0]
    out_ref[...] = 1.0 / (1.0 + jnp.exp(-z))


def _count_vec(xv, bnd, bnd2):
    f32 = jnp.float32
    for _ in range(_PHASE1):
        xv = xv + f32(0.01)
        bi = xv <= bnd
        b2i = xv <= bnd2
        xv = xv * jnp.where(bi, jnp.where(b2i, f32(2.0), f32(3.0)), f32(1.0))
    k = jnp.full(xv.shape, _PHASE1, jnp.int32)
    for e in range(-4, 4):
        if e == 3:
            active = xv <= f32(10.0)
            m_target = 10 * (1 << 20) + 1
        else:
            active = xv < f32(2.0 ** (e + 1))
            m_target = 1 << 24
        s = _STEPS[e]
        m = (xv * f32(2.0 ** (23 - e))).astype(jnp.int32)
        diff = m_target - 1 - m
        q = (diff.astype(f32) * f32(_RECIP[e])).astype(jnp.int32)
        q = jnp.where(q * s > diff, q - 1, q)
        xj = (m + q * s).astype(f32) * f32(2.0 ** (e - 23))
        xn = xj + f32(0.01)
        xv = jnp.where(active, xn, xv)
        k = jnp.where(active, k + (q + 1), k)
    return k.astype(f32)


def _sc_loop_body(xt_hbm, b_hbm, c_hbm, x_v, b_v, c_v, sem0, sem1):
    wid = lax.axis_index("s") * _NC + lax.axis_index("c")
    base = wid * _CH
    cp0 = pltpu.async_copy(xt_hbm.at[:, pl.ds(base, _CH)], x_v, sem0)
    cp1 = pltpu.async_copy(b_hbm.at[pl.ds(base, _CH)], b_v, sem1)
    cp0.wait()
    cp1.wait()

    @plsc.parallel_loop(0, _CH // _V, unroll=1)
    def body(i):
        sl = pl.ds(i * _V, _V)
        bnd = b_v[sl]
        bnd2 = bnd - jnp.float32(0.001)
        c_v[0, sl] = _count_vec(x_v[0, sl], bnd, bnd2)
        c_v[1, sl] = _count_vec(x_v[1, sl], bnd, bnd2)

    pltpu.sync_copy(c_v, c_hbm.at[:, pl.ds(base, _CH)])


_sc_loop = functools.partial(
    pl.kernel,
    out_type=jax.ShapeDtypeStruct((2, _B), jnp.float32),
    mesh=plsc.VectorSubcoreMesh(core_axis_name="c", subcore_axis_name="s",
                                num_cores=_NC, num_subcores=_NS),
    scratch_types=[
        pltpu.VMEM((2, _CH), jnp.float32),
        pltpu.VMEM((_CH,), jnp.float32),
        pltpu.VMEM((2, _CH), jnp.float32),
        pltpu.SemaphoreType.DMA,
        pltpu.SemaphoreType.DMA,
    ],
)(_sc_loop_body)


def kernel(x, w1, b1, w2, b2):
    xt = x.T
    bound = pl.pallas_call(
        _mlp_body,
        out_shape=jax.ShapeDtypeStruct((_R, _R), jnp.float32),
        in_specs=[
            pl.BlockSpec(memory_space=pltpu.VMEM),
            pl.BlockSpec(memory_space=pltpu.SMEM),
            pl.BlockSpec(memory_space=pltpu.SMEM),
            pl.BlockSpec(memory_space=pltpu.SMEM),
            pl.BlockSpec(memory_space=pltpu.SMEM),
        ],
        out_specs=pl.BlockSpec(memory_space=pltpu.VMEM),
    )(xt.reshape(2, _R, _R), w1, b1, w2, b2)
    c = _sc_loop(xt, bound.reshape(_B))
    return c.T

# --- scband reference (transcript-rebuilt; emitter-appended) ---
"""Pipeline reference for scband-path-explosion-17231408792016 (READ-ONLY COPY).

The authoritative reference and input builder live on the scoring server;
editing this copy changes nothing except your own understanding.
"""

import jax, jax.numpy as jnp
import numpy as np

B = 16384
L = 64

def setup_inputs(seed: int = 0) -> dict:
    key = jax.random.key(seed)
    k0, k1, k2 = jax.random.split(key, 3)
    x = jax.random.uniform(k0, (B, 2), dtype=jnp.float32)  # positive starts so the loop terminates
    w1 = jax.random.normal(k1, (2, L), dtype=jnp.float32) * 0.5
    b1 = jnp.zeros((L,), dtype=jnp.float32)
    w2 = jax.random.normal(k2, (L, 1), dtype=jnp.float32) * 0.2
    b2 = jnp.zeros((1,), dtype=jnp.float32)
    return {"x": x, "w1": w1, "b1": b1, "w2": w2, "b2": b2}


def reference(x, w1, b1, w2, b2):
    # bound = LinearNNComplex(x) = sigmoid(relu(x @ w1 + b1) @ w2 + b2), shape [B, 1]
    bound = jax.nn.sigmoid(jnp.maximum(x @ w1 + b1, 0.0) @ w2 + b2)

    def cond_fn(state):
        xv, count = state
        return jnp.any(xv <= 10.0)

    def body_fn(state):
        xv, count = state
        while_idx = xv <= 10.0
        xv = jnp.where(while_idx, xv + 0.01, xv)
        bound_idx = xv <= bound              # broadcast [B,1] -> [B,2]
        bound2_idx = xv <= bound - 0.001
        bound3_idx = xv > bound - 0.001
        xv = jnp.where(jnp.logical_and(bound_idx, bound2_idx), xv * 2.0, xv)
        xv = jnp.where(jnp.logical_and(bound_idx, bound3_idx), xv * 3.0, xv)
        count = jnp.where(while_idx, count + 1.0, count)
        return (xv, count)

    count0 = jnp.zeros_like(x)
    x_final, count = jax.lax.while_loop(cond_fn, body_fn, (x, count0))
    # the torch code then does input[input > 3*bound - 0.001] *= 10.0 in-place,
    # but returns only count; replicate that (mutation does not affect the output)
    _ = jnp.where(x_final > 3.0 * bound - 0.001, x_final * 10.0, x_final)
    return count

if __name__ == "__main__":
    import jax
    _d = setup_inputs()
    print(jax.jit(kernel)(*tuple(_d.values())))

</pallas_src>

<mosaic_0001>
#map = affine_map<(d0, d1) -> (0, 0)>
#map1 = affine_map<(d0, d1) -> (0)>
module attributes {stable_mosaic.version = 14 : i64} {
  func.func @_sc_loop_body(%arg0: i32, %arg1: i32, %arg2: memref<2x16384xf32, #tpu.memory_space<hbm>>, %arg3: memref<16384xf32, #tpu.memory_space<hbm>>, %arg4: memref<2x16384xf32, #tpu.memory_space<hbm>>, %arg5: memref<2x512xf32, #tpu.memory_space<vmem>>, %arg6: memref<512xf32, #tpu.memory_space<vmem>>, %arg7: memref<2x512xf32, #tpu.memory_space<vmem>>, %arg8: memref<!tpu.dma_semaphore, #tpu.memory_space<semaphore_mem>>, %arg9: memref<!tpu.dma_semaphore, #tpu.memory_space<semaphore_mem>>) attributes {dimension_semantics = [#tpu.dimension_semantics<core_parallel>, #tpu.dimension_semantics<subcore_parallel>], iteration_bounds = array<i64: 2, 16>, scalar_prefetch = 0 : i64, scratch_operands = 5 : i64, tpu.core_type = #tpu.core_type<sc_vector_subcore>, window_params = [{transform_indices = #map}, {transform_indices = #map1}, {transform_indices = #map}]} {
    %mul3A = arith.constant 2 : i32
    %mul3A_0 = arith.muli %arg1, %mul3A : i32
    %add3A = arith.addi %mul3A_0, %arg0 : i32
    %mul3A_1 = arith.constant 512 : i32
    %mul3A_2 = arith.muli %add3A, %mul3A_1 : i32
    %dma_start3A = arith.constant 0 : i32
    %dma_start3A_3 = tpu.memref_slice %arg2[%dma_start3A, %mul3A_2] : memref<2x16384xf32, #tpu.memory_space<hbm>> -> memref<2x512xf32, #tpu.memory_space<hbm>>
    %dma_start3A_4 = arith.constant 0 : i32
    %dma_start3A_5 = tpu.memref_slice %arg2[%dma_start3A_4, %mul3A_2] : memref<2x16384xf32, #tpu.memory_space<hbm>> -> memref<2x512xf32, #tpu.memory_space<hbm>>
    tpu.enqueue_dma source(%dma_start3A_5 : memref<2x512xf32, #tpu.memory_space<hbm>>) target(%arg5 : memref<2x512xf32, #tpu.memory_space<vmem>>) target_semaphore(%arg8 : memref<!tpu.dma_semaphore, #tpu.memory_space<semaphore_mem>>)
    %dma_start3A_6 = tpu.memref_slice %arg3[%mul3A_2] : memref<16384xf32, #tpu.memory_space<hbm>> -> memref<512xf32, #tpu.memory_space<hbm>>
    %dma_start3A_7 = tpu.memref_slice %arg3[%mul3A_2] : memref<16384xf32, #tpu.memory_space<hbm>> -> memref<512xf32, #tpu.memory_space<hbm>>
    tpu.enqueue_dma source(%dma_start3A_7 : memref<512xf32, #tpu.memory_space<hbm>>) target(%arg6 : memref<512xf32, #tpu.memory_space<vmem>>) target_semaphore(%arg9 : memref<!tpu.dma_semaphore, #tpu.memory_space<semaphore_mem>>)
    %dma_wait3A = arith.constant 0 : i32
    %dma_wait3A_8 = tpu.memref_slice %arg2[%dma_wait3A, %mul3A_2] : memref<2x16384xf32, #tpu.memory_space<hbm>> -> memref<2x512xf32, #tpu.memory_space<hbm>>
    %dma_wait3A_9 = arith.constant 0 : i32
    %dma_wait3A_10 = tpu.memref_slice %arg2[%dma_wait3A_9, %mul3A_2] : memref<2x16384xf32, #tpu.memory_space<hbm>> -> memref<2x512xf32, #tpu.memory_space<hbm>>
    tpu.wait_dma2 semaphore(%arg8 : memref<!tpu.dma_semaphore, #tpu.memory_space<semaphore_mem>>) src(%dma_wait3A_10 : memref<2x512xf32, #tpu.memory_space<hbm>>) dst(%arg5 : memref<2x512xf32, #tpu.memory_space<vmem>>)
    %dma_wait3A_11 = tpu.memref_slice %arg3[%mul3A_2] : memref<16384xf32, #tpu.memory_space<hbm>> -> memref<512xf32, #tpu.memory_space<hbm>>
    %dma_wait3A_12 = tpu.memref_slice %arg3[%mul3A_2] : memref<16384xf32, #tpu.memory_space<hbm>> -> memref<512xf32, #tpu.memory_space<hbm>>
    tpu.wait_dma2 semaphore(%arg9 : memref<!tpu.dma_semaphore, #tpu.memory_space<semaphore_mem>>) src(%dma_wait3A_12 : memref<512xf32, #tpu.memory_space<hbm>>) dst(%arg6 : memref<512xf32, #tpu.memory_space<vmem>>)
    %parallel_loop3A = arith.constant 0 : i32
    %parallel_loop3A_13 = arith.constant 32 : i32
    %parallel_loop3A_14 = arith.constant 1 : i32
    scf.for %parallel_loop3A_15 = %parallel_loop3A to %parallel_loop3A_13 step %parallel_loop3A_14  : i32 {
      %parallel_loop3A_16 = arith.constant 16 : i32
      %parallel_loop3A_17 = arith.muli %parallel_loop3A_15, %parallel_loop3A_16 : i32
      %parallel_loop3A_18 = arith.index_cast %parallel_loop3A_17 : i32 to index
      %parallel_loop3A_19 = tpu.vector_load %arg6[%parallel_loop3A_18] {strides = array<i32>} : memref<512xf32, #tpu.memory_space<vmem>>, vector<16xf32>,
      %parallel_loop3A_20 = vector.shape_cast %parallel_loop3A_19 : vector<16xf32> to vector<16xf32>
      %parallel_loop3A_21 = arith.constant 1.000000e-03 : f32
      %parallel_loop3A_22 = vector.broadcast %parallel_loop3A_21 : f32 to vector<16xf32>
      %parallel_loop3A_23 = arith.subf %parallel_loop3A_20, %parallel_loop3A_22 : vector<16xf32>
      %parallel_loop3A_24 = arith.constant 0 : i32
      %parallel_loop3A_25 = arith.index_cast %parallel_loop3A_24 : i32 to index
      %parallel_loop3A_26 = arith.index_cast %parallel_loop3A_17 : i32 to index
      %parallel_loop3A_27 = tpu.vector_load %arg5[%parallel_loop3A_25, %parallel_loop3A_26] {strides = array<i32>} : memref<2x512xf32, #tpu.memory_space<vmem>>, vector<1x16xf32>,
      %parallel_loop3A_28 = vector.shape_cast %parallel_loop3A_27 : vector<1x16xf32> to vector<16xf32>
      %parallel_loop3A_29 = arith.constant 0.00999999977 : f32
      %parallel_loop3A_30 = vector.broadcast %parallel_loop3A_29 : f32 to vector<16xf32>
      %parallel_loop3A_31 = arith.addf %parallel_loop3A_28, %parallel_loop3A_30 : vector<16xf32>
      %parallel_loop3A_32 = arith.cmpf ole, %parallel_loop3A_31, %parallel_loop3A_20 : vector<16xf32>
      %parallel_loop3A_33 = arith.cmpf ole, %parallel_loop3A_31, %parallel_loop3A_23 : vector<16xf32>
      %parallel_loop3A_34 = arith.constant 2.000000e+00 : f32
      %parallel_loop3A_35 = arith.constant 3.000000e+00 : f32
      %parallel_loop3A_36 = vector.broadcast %parallel_loop3A_34 : f32 to vector<16xf32>
      %parallel_loop3A_37 = vector.broadcast %parallel_loop3A_35 : f32 to vector<16xf32>
      %parallel_loop3A_38 = arith.select %parallel_loop3A_33, %parallel_loop3A_36, %parallel_loop3A_37 : vector<16xi1>, vector<16xf32>
      %parallel_loop3A_39 = arith.constant 1.000000e+00 : f32
      %parallel_loop3A_40 = vector.broadcast %parallel_loop3A_39 : f32 to vector<16xf32>
      %parallel_loop3A_41 = arith.select %parallel_loop3A_32, %parallel_loop3A_38, %parallel_loop3A_40 : vector<16xi1>, vector<16xf32>
      %parallel_loop3A_42 = arith.mulf %parallel_loop3A_31, %parallel_loop3A_41 : vector<16xf32>
      %parallel_loop3A_43 = arith.constant 0.00999999977 : f32
      %parallel_loop3A_44 = vector.broadcast %parallel_loop3A_43 : f32 to vector<16xf32>
      %parallel_loop3A_45 = arith.addf %parallel_loop3A_42, %parallel_loop3A_44 : vector<16xf32>
      %parallel_loop3A_46 = arith.cmpf ole, %parallel_loop3A_45, %parallel_loop3A_20 : vector<16xf32>
      %parallel_loop3A_47 = arith.cmpf ole, %parallel_loop3A_45, %parallel_loop3A_23 : vector<16xf32>
      %parallel_loop3A_48 = arith.constant 2.000000e+00 : f32
      %parallel_loop3A_49 = arith.constant 3.000000e+00 : f32
      %parallel_loop3A_50 = vector.broadcast %parallel_loop3A_48 : f32 to vector<16xf32>
      %parallel_loop3A_51 = vector.broadcast %parallel_loop3A_49 : f32 to vector<16xf32>
      %parallel_loop3A_52 = arith.select %parallel_loop3A_47, %parallel_loop3A_50, %parallel_loop3A_51 : vector<16xi1>, vector<16xf32>
      %parallel_loop3A_53 = arith.constant 1.000000e+00 : f32
      %parallel_loop3A_54 = vector.broadcast %parallel_loop3A_53 : f32 to vector<16xf32>
      %parallel_loop3A_55 = arith.select %parallel_loop3A_46, %parallel_loop3A_52, %parallel_loop3A_54 : vector<16xi1>, vector<16xf32>
      %parallel_loop3A_56 = arith.mulf %parallel_loop3A_45, %parallel_loop3A_55 : vector<16xf32>
      %parallel_loop3A_57 = arith.constant 0.00999999977 : f32
      %parallel_loop3A_58 = vector.broadcast %parallel_loop3A_57 : f32 to vector<16xf32>
      %parallel_loop3A_59 = arith.addf %parallel_loop3A_56, %parallel_loop3A_58 : vector<16xf32>
      %parallel_loop3A_60 = arith.cmpf ole, %parallel_loop3A_59, %parallel_loop3A_20 : vector<16xf32>
      %parallel_loop3A_61 = arith.cmpf ole, %parallel_loop3A_59, %parallel_loop3A_23 : vector<16xf32>
      %parallel_loop3A_62 = arith.constant 2.000000e+00 : f32
      %parallel_loop3A_63 = arith.constant 3.000000e+00 : f32
      %parallel_loop3A_64 = vector.broadcast %parallel_loop3A_62 : f32 to vector<16xf32>
      %parallel_loop3A_65 = vector.broadcast %parallel_loop3A_63 : f32 to vector<16xf32>
      %parallel_loop3A_66 = arith.select %parallel_loop3A_61, %parallel_loop3A_64, %parallel_loop3A_65 : vector<16xi1>, vector<16xf32>
      %parallel_loop3A_67 = arith.constant 1.000000e+00 : f32
      %parallel_loop3A_68 = vector.broadcast %parallel_loop3A_67 : f32 to vector<16xf32>
      %parallel_loop3A_69 = arith.select %parallel_loop3A_60, %parallel_loop3A_66, %parallel_loop3A_68 : vector<16xi1>, vector<16xf32>
      %parallel_loop3A_70 = arith.mulf %parallel_loop3A_59, %parallel_loop3A_69 : vector<16xf32>
      %parallel_loop3A_71 = arith.constant 0.00999999977 : f32
      %parallel_loop3A_72 = vector.broadcast %parallel_loop3A_71 : f32 to vector<16xf32>
      %parallel_loop3A_73 = arith.addf %parallel_loop3A_70, %parallel_loop3A_72 : vector<16xf32>
      %parallel_loop3A_74 = arith.cmpf ole, %parallel_loop3A_73, %parallel_loop3A_20 : vector<16xf32>
      %parallel_loop3A_75 = arith.cmpf ole, %parallel_loop3A_73, %parallel_loop3A_23 : vector<16xf32>
      %parallel_loop3A_76 = arith.constant 2.000000e+00 : f32
      %parallel_loop3A_77 = arith.constant 3.000000e+00 : f32
      %parallel_loop3A_78 = vector.broadcast %parallel_loop3A_76 : f32 to vector<16xf32>
      %parallel_loop3A_79 = vector.broadcast %parallel_loop3A_77 : f32 to vector<16xf32>
      %parallel_loop3A_80 = arith.select %parallel_loop3A_75, %parallel_loop3A_78, %parallel_loop3A_79 : vector<16xi1>, vector<16xf32>
      %parallel_loop3A_81 = arith.constant 1.000000e+00 : f32
      %parallel_loop3A_82 = vector.broadcast %parallel_loop3A_81 : f32 to vector<16xf32>
      %parallel_loop3A_83 = arith.select %parallel_loop3A_74, %parallel_loop3A_80, %parallel_loop3A_82 : vector<16xi1>, vector<16xf32>
      %parallel_loop3A_84 = arith.mulf %parallel_loop3A_73, %parallel_loop3A_83 : vector<16xf32>
      %parallel_loop3A_85 = arith.constant 0.00999999977 : f32
      %parallel_loop3A_86 = vector.broadcast %parallel_loop3A_85 : f32 to vector<16xf32>
      %parallel_loop3A_87 = arith.addf %parallel_loop3A_84, %parallel_loop3A_86 : vector<16xf32>
      %parallel_loop3A_88 = arith.cmpf ole, %parallel_loop3A_87, %parallel_loop3A_20 : vector<16xf32>
      %parallel_loop3A_89 = arith.cmpf ole, %parallel_loop3A_87, %parallel_loop3A_23 : vector<16xf32>
      %parallel_loop3A_90 = arith.constant 2.000000e+00 : f32
      %parallel_loop3A_91 = arith.constant 3.000000e+00 : f32
      %parallel_loop3A_92 = vector.broadcast %parallel_loop3A_90 : f32 to vector<16xf32>
      %parallel_loop3A_93 = vector.broadcast %parallel_loop3A_91 : f32 to vector<16xf32>
      %parallel_loop3A_94 = arith.select %parallel_loop3A_89, %parallel_loop3A_92, %parallel_loop3A_93 : vector<16xi1>, vector<16xf32>
      %parallel_loop3A_95 = arith.constant 1.000000e+00 : f32
      %parallel_loop3A_96 = vector.broadcast %parallel_loop3A_95 : f32 to vector<16xf32>
      %parallel_loop3A_97 = arith.select %parallel_loop3A_88, %parallel_loop3A_94, %parallel_loop3A_96 : vector<16xi1>, vector<16xf32>
      %parallel_loop3A_98 = arith.mulf %parallel_loop3A_87, %parallel_loop3A_97 : vector<16xf32>
      %parallel_loop3A_99 = arith.constant 0.00999999977 : f32
      %parallel_loop3A_100 = vector.broadcast %parallel_loop3A_99 : f32 to vector<16xf32>
      %parallel_loop3A_101 = arith.addf %parallel_loop3A_98, %parallel_loop3A_100 : vector<16xf32>
      %parallel_loop3A_102 = arith.cmpf ole, %parallel_loop3A_101, %parallel_loop3A_20 : vector<16xf32>
      %parallel_loop3A_103 = arith.cmpf ole, %parallel_loop3A_101, %parallel_loop3A_23 : vector<16xf32>
      %parallel_loop3A_104 = arith.constant 2.000000e+00 : f32
      %parallel_loop3A_105 = arith.constant 3.000000e+00 : f32
      %parallel_loop3A_106 = vector.broadcast %parallel_loop3A_104 : f32 to vector<16xf32>
      %parallel_loop3A_107 = vector.broadcast %parallel_loop3A_105 : f32 to vector<16xf32>
      %parallel_loop3A_108 = arith.select %parallel_loop3A_103, %parallel_loop3A_106, %parallel_loop3A_107 : vector<16xi1>, vector<16xf32>
      %parallel_loop3A_109 = arith.constant 1.000000e+00 : f32
      %parallel_loop3A_110 = vector.broadcast %parallel_loop3A_109 : f32 to vector<16xf32>
      %parallel_loop3A_111 = arith.select %parallel_loop3A_102, %parallel_loop3A_108, %parallel_loop3A_110 : vector<16xi1>, vector<16xf32>
      %parallel_loop3A_112 = arith.mulf %parallel_loop3A_101, %parallel_loop3A_111 : vector<16xf32>
      %parallel_loop3A_113 = arith.constant 0.00999999977 : f32
      %parallel_loop3A_114 = vector.broadcast %parallel_loop3A_113 : f32 to vector<16xf32>
      %parallel_loop3A_115 = arith.addf %parallel_loop3A_112, %parallel_loop3A_114 : vector<16xf32>
      %parallel_loop3A_116 = arith.cmpf ole, %parallel_loop3A_115, %parallel_loop3A_20 : vector<16xf32>
      %parallel_loop3A_117 = arith.cmpf ole, %parallel_loop3A_115, %parallel_loop3A_23 : vector<16xf32>
      %parallel_loop3A_118 = arith.constant 2.000000e+00 : f32
      %parallel_loop3A_119 = arith.constant 3.000000e+00 : f32
      %parallel_loop3A_120 = vector.broadcast %parallel_loop3A_118 : f32 to vector<16xf32>
      %parallel_loop3A_121 = vector.broadcast %parallel_loop3A_119 : f32 to vector<16xf32>
      %parallel_loop3A_122 = arith.select %parallel_loop3A_117, %parallel_loop3A_120, %parallel_loop3A_121 : vector<16xi1>, vector<16xf32>
      %parallel_loop3A_123 = arith.constant 1.000000e+00 : f32
      %parallel_loop3A_124 = vector.broadcast %parallel_loop3A_123 : f32 to vector<16xf32>
      %parallel_loop3A_125 = arith.select %parallel_loop3A_116, %parallel_loop3A_122, %parallel_loop3A_124 : vector<16xi1>, vector<16xf32>
      %parallel_loop3A_126 = arith.mulf %parallel_loop3A_115, %parallel_loop3A_125 : vector<16xf32>
      %parallel_loop3A_127 = arith.constant 7 : i32
      %parallel_loop3A_128 = vector.broadcast %parallel_loop3A_127 : i32 to vector<16xi32>
      %parallel_loop3A_129 = arith.constant 1.250000e-01 : f32
      %parallel_loop3A_130 = vector.broadcast %parallel_loop3A_129 : f32 to vector<16xf32>
      %parallel_loop3A_131 = arith.cmpf olt, %parallel_loop3A_126, %parallel_loop3A_130 : vector<16xf32>
      %parallel_loop3A_132 = arith.constant 0x4D000000 : f32
      %parallel_loop3A_133 = vector.broadcast %parallel_loop3A_132 : f32 to vector<16xf32>
      %parallel_loop3A_134 = arith.mulf %parallel_loop3A_126, %parallel_loop3A_133 : vector<16xf32>
      %parallel_loop3A_135 = arith.fptosi %parallel_loop3A_134 : vector<16xf32> to vector<16xi32>
      %parallel_loop3A_136 = arith.constant 16777215 : i32
      %parallel_loop3A_137 = vector.broadcast %parallel_loop3A_136 : i32 to vector<16xi32>
      %parallel_loop3A_138 = arith.subi %parallel_loop3A_137, %parallel_loop3A_135 : vector<16xi32>
      %parallel_loop3A_139 = arith.sitofp %parallel_loop3A_138 : vector<16xi32> to vector<16xf32>
      %parallel_loop3A_140 = arith.constant 7.45058344E-7 : f32
      %parallel_loop3A_141 = vector.broadcast %parallel_loop3A_140 : f32 to vector<16xf32>
      %parallel_loop3A_142 = arith.mulf %parallel_loop3A_139, %parallel_loop3A_141 : vector<16xf32>
      %parallel_loop3A_143 = arith.fptosi %parallel_loop3A_142 : vector<16xf32> to vector<16xi32>
      %parallel_loop3A_144 = arith.constant 1342177 : i32
      %parallel_loop3A_145 = vector.broadcast %parallel_loop3A_144 : i32 to vector<16xi32>
      %parallel_loop3A_146 = arith.muli %parallel_loop3A_143, %parallel_loop3A_145 : vector<16xi32>
      %parallel_loop3A_147 = arith.cmpi sgt, %parallel_loop3A_146, %parallel_loop3A_138 : vector<16xi32>
      %parallel_loop3A_148 = arith.constant 1 : i32
      %parallel_loop3A_149 = vector.broadcast %parallel_loop3A_148 : i32 to vector<16xi32>
      %parallel_loop3A_150 = arith.subi %parallel_loop3A_143, %parallel_loop3A_149 : vector<16xi32>
      %parallel_loop3A_151 = arith.select %parallel_loop3A_147, %parallel_loop3A_150, %parallel_loop3A_143 : vector<16xi1>, vector<16xi32>
      %parallel_loop3A_152 = arith.constant 1342177 : i32
      %parallel_loop3A_153 = vector.broadcast %parallel_loop3A_152 : i32 to vector<16xi32>
      %parallel_loop3A_154 = arith.muli %parallel_loop3A_151, %parallel_loop3A_153 : vector<16xi32>
      %parallel_loop3A_155 = arith.addi %parallel_loop3A_135, %parallel_loop3A_154 : vector<16xi32>
      %parallel_loop3A_156 = arith.sitofp %parallel_loop3A_155 : vector<16xi32> to vector<16xf32>
      %parallel_loop3A_157 = arith.constant 7.4505806E-9 : f32
      %parallel_loop3A_158 = vector.broadcast %parallel_loop3A_157 : f32 to vector<16xf32>
      %parallel_loop3A_159 = arith.mulf %parallel_loop3A_156, %parallel_loop3A_158 : vector<16xf32>
      %parallel_loop3A_160 = arith.constant 0.00999999977 : f32
      %parallel_loop3A_161 = vector.broadcast %parallel_loop3A_160 : f32 to vector<16xf32>
      %parallel_loop3A_162 = arith.addf %parallel_loop3A_159, %parallel_loop3A_161 : vector<16xf32>
      %parallel_loop3A_163 = arith.select %parallel_loop3A_131, %parallel_loop3A_162, %parallel_loop3A_126 : vector<16xi1>, vector<16xf32>
      %parallel_loop3A_164 = arith.constant 1 : i32
      %parallel_loop3A_165 = vector.broadcast %parallel_loop3A_164 : i32 to vector<16xi32>
      %parallel_loop3A_166 = arith.addi %parallel_loop3A_151, %parallel_loop3A_165 : vector<16xi32>
      %parallel_loop3A_167 = arith.addi %parallel_loop3A_128, %parallel_loop3A_166 : vector<16xi32>
      %parallel_loop3A_168 = arith.select %parallel_loop3A_131, %parallel_loop3A_167, %parallel_loop3A_128 : vector<16xi1>, vector<16xi32>
      %parallel_loop3A_169 = arith.constant 2.500000e-01 : f32
      %parallel_loop3A_170 = vector.broadcast %parallel_loop3A_169 : f32 to vector<16xf32>
      %parallel_loop3A_171 = arith.cmpf olt, %parallel_loop3A_163, %parallel_loop3A_170 : vector<16xf32>
      %parallel_loop3A_172 = arith.constant 0x4C800000 : f32
      %parallel_loop3A_173 = vector.broadcast %parallel_loop3A_172 : f32 to vector<16xf32>
      %parallel_loop3A_174 = arith.mulf %parallel_loop3A_163, %parallel_loop3A_173 : vector<16xf32>
      %parallel_loop3A_175 = arith.fptosi %parallel_loop3A_174 : vector<16xf32> to vector<16xi32>
      %parallel_loop3A_176 = arith.constant 16777215 : i32
      %parallel_loop3A_177 = vector.broadcast %parallel_loop3A_176 : i32 to vector<16xi32>
      %parallel_loop3A_178 = arith.subi %parallel_loop3A_177, %parallel_loop3A_175 : vector<16xi32>
      %parallel_loop3A_179 = arith.sitofp %parallel_loop3A_178 : vector<16xi32> to vector<16xf32>
      %parallel_loop3A_180 = arith.constant 1.49011555E-6 : f32
      %parallel_loop3A_181 = vector.broadcast %parallel_loop3A_180 : f32 to vector<16xf32>
      %parallel_loop3A_182 = arith.mulf %parallel_loop3A_179, %parallel_loop3A_181 : vector<16xf32>
      %parallel_loop3A_183 = arith.fptosi %parallel_loop3A_182 : vector<16xf32> to vector<16xi32>
      %parallel_loop3A_184 = arith.constant 671089 : i32
      %parallel_loop3A_185 = vector.broadcast %parallel_loop3A_184 : i32 to vector<16xi32>
      %parallel_loop3A_186 = arith.muli %parallel_loop3A_183, %parallel_loop3A_185 : vector<16xi32>
      %parallel_loop3A_187 = arith.cmpi sgt, %parallel_loop3A_186, %parallel_loop3A_178 : vector<16xi32>
      %parallel_loop3A_188 = arith.constant 1 : i32
      %parallel_loop3A_189 = vector.broadcast %parallel_loop3A_188 : i32 to vector<16xi32>
      %parallel_loop3A_190 = arith.subi %parallel_loop3A_183, %parallel_loop3A_189 : vector<16xi32>
      %parallel_loop3A_191 = arith.select %parallel_loop3A_187, %parallel_loop3A_190, %parallel_loop3A_183 : vector<16xi1>, vector<16xi32>
      %parallel_loop3A_192 = arith.constant 671089 : i32
      %parallel_loop3A_193 = vector.broadcast %parallel_loop3A_192 : i32 to vector<16xi32>
      %parallel_loop3A_194 = arith.muli %parallel_loop3A_191, %parallel_loop3A_193 : vector<16xi32>
      %parallel_loop3A_195 = arith.addi %parallel_loop3A_175, %parallel_loop3A_194 : vector<16xi32>
      %parallel_loop3A_196 = arith.sitofp %parallel_loop3A_195 : vector<16xi32> to vector<16xf32>
      %parallel_loop3A_197 = arith.constant 1.49011612E-8 : f32
      %parallel_loop3A_198 = vector.broadcast %parallel_loop3A_197 : f32 to vector<16xf32>
      %parallel_loop3A_199 = arith.mulf %parallel_loop3A_196, %parallel_loop3A_198 : vector<16xf32>
      %parallel_loop3A_200 = arith.constant 0.00999999977 : f32
      %parallel_loop3A_201 = vector.broadcast %parallel_loop3A_200 : f32 to vector<16xf32>
      %parallel_loop3A_202 = arith.addf %parallel_loop3A_199, %parallel_loop3A_201 : vector<16xf32>
      %parallel_loop3A_203 = arith.select %parallel_loop3A_171, %parallel_loop3A_202, %parallel_loop3A_163 : vector<16xi1>, vector<16xf32>
      %parallel_loop3A_204 = arith.constant 1 : i32
      %parallel_loop3A_205 = vector.broadcast %parallel_loop3A_204 : i32 to vector<16xi32>
      %parallel_loop3A_206 = arith.addi %parallel_loop3A_191, %parallel_loop3A_205 : vector<16xi32>
      %parallel_loop3A_207 = arith.addi %parallel_loop3A_168, %parallel_loop3A_206 : vector<16xi32>
      %parallel_loop3A_208 = arith.select %parallel_loop3A_171, %parallel_loop3A_207, %parallel_loop3A_168 : vector<16xi1>, vector<16xi32>
      %parallel_loop3A_209 = arith.constant 5.000000e-01 : f32
      %parallel_loop3A_210 = vector.broadcast %parallel_loop3A_209 : f32 to vector<16xf32>
      %parallel_loop3A_211 = arith.cmpf olt, %parallel_loop3A_203, %parallel_loop3A_210 : vector<16xf32>
      %parallel_loop3A_212 = arith.constant 0x4C000000 : f32
      %parallel_loop3A_213 = vector.broadcast %parallel_loop3A_212 : f32 to vector<16xf32>
      %parallel_loop3A_214 = arith.mulf %parallel_loop3A_203, %parallel_loop3A_213 : vector<16xf32>
      %parallel_loop3A_215 = arith.fptosi %parallel_loop3A_214 : vector<16xf32> to vector<16xi32>
      %parallel_loop3A_216 = arith.constant 16777215 : i32
      %parallel_loop3A_217 = vector.broadcast %parallel_loop3A_216 : i32 to vector<16xi32>
      %parallel_loop3A_218 = arith.subi %parallel_loop3A_217, %parallel_loop3A_215 : vector<16xi32>
      %parallel_loop3A_219 = arith.sitofp %parallel_loop3A_218 : vector<16xi32> to vector<16xf32>
      %parallel_loop3A_220 = arith.constant 2.98023565E-6 : f32
      %parallel_loop3A_221 = vector.broadcast %parallel_loop3A_220 : f32 to vector<16xf32>
      %parallel_loop3A_222 = arith.mulf %parallel_loop3A_219, %parallel_loop3A_221 : vector<16xf32>
      %parallel_loop3A_223 = arith.fptosi %parallel_loop3A_222 : vector<16xf32> to vector<16xi32>
      %parallel_loop3A_224 = arith.constant 335544 : i32
      %parallel_loop3A_225 = vector.broadcast %parallel_loop3A_224 : i32 to vector<16xi32>
      %parallel_loop3A_226 = arith.muli %parallel_loop3A_223, %parallel_loop3A_225 : vector<16xi32>
      %parallel_loop3A_227 = arith.cmpi sgt, %parallel_loop3A_226, %parallel_loop3A_218 : vector<16xi32>
      %parallel_loop3A_228 = arith.constant 1 : i32
      %parallel_loop3A_229 = vector.broadcast %parallel_loop3A_228 : i32 to vector<16xi32>
      %parallel_loop3A_230 = arith.subi %parallel_loop3A_223, %parallel_loop3A_229 : vector<16xi32>
      %parallel_loop3A_231 = arith.select %parallel_loop3A_227, %parallel_loop3A_230, %parallel_loop3A_223 : vector<16xi1>, vector<16xi32>
      %parallel_loop3A_232 = arith.constant 335544 : i32
      %parallel_loop3A_233 = vector.broadcast %parallel_loop3A_232 : i32 to vector<16xi32>
      %parallel_loop3A_234 = arith.muli %parallel_loop3A_231, %parallel_loop3A_233 : vector<16xi32>
      %parallel_loop3A_235 = arith.addi %parallel_loop3A_215, %parallel_loop3A_234 : vector<16xi32>
      %parallel_loop3A_236 = arith.sitofp %parallel_loop3A_235 : vector<16xi32> to vector<16xf32>
      %parallel_loop3A_237 = arith.constant 2.98023224E-8 : f32
      %parallel_loop3A_238 = vector.broadcast %parallel_loop3A_237 : f32 to vector<16xf32>
      %parallel_loop3A_239 = arith.mulf %parallel_loop3A_236, %parallel_loop3A_238 : vector<16xf32>
      %parallel_loop3A_240 = arith.constant 0.00999999977 : f32
      %parallel_loop3A_241 = vector.broadcast %parallel_loop3A_240 : f32 to vector<16xf32>
      %parallel_loop3A_242 = arith.addf %parallel_loop3A_239, %parallel_loop3A_241 : vector<16xf32>
      %parallel_loop3A_243 = arith.select %parallel_loop3A_211, %parallel_loop3A_242, %parallel_loop3A_203 : vector<16xi1>, vector<16xf32>
      %parallel_loop3A_244 = arith.constant 1 : i32
      %parallel_loop3A_245 = vector.broadcast %parallel_loop3A_244 : i32 to vector<16xi32>
      %parallel_loop3A_246 = arith.addi %parallel_loop3A_231, %parallel_loop3A_245 : vector<16xi32>
      %parallel_loop3A_247 = arith.addi %parallel_loop3A_208, %parallel_loop3A_246 : vector<16xi32>
      %parallel_loop3A_248 = arith.select %parallel_loop3A_211, %parallel_loop3A_247, %parallel_loop3A_208 : vector<16xi1>, vector<16xi32>
      %parallel_loop3A_249 = arith.constant 1.000000e+00 : f32
      %parallel_loop3A_250 = vector.broadcast %parallel_loop3A_249 : f32 to vector<16xf32>
      %parallel_loop3A_251 = arith.cmpf olt, %parallel_loop3A_243, %parallel_loop3A_250 : vector<16xf32>
      %parallel_loop3A_252 = arith.constant 0x4B800000 : f32
      %parallel_loop3A_253 = vector.broadcast %parallel_loop3A_252 : f32 to vector<16xf32>
      %parallel_loop3A_254 = arith.mulf %parallel_loop3A_243, %parallel_loop3A_253 : vector<16xf32>
      %parallel_loop3A_255 = arith.fptosi %parallel_loop3A_254 : vector<16xf32> to vector<16xi32>
      %parallel_loop3A_256 = arith.constant 16777215 : i32
      %parallel_loop3A_257 = vector.broadcast %parallel_loop3A_256 : i32 to vector<16xi32>
      %parallel_loop3A_258 = arith.subi %parallel_loop3A_257, %parallel_loop3A_255 : vector<16xi32>
      %parallel_loop3A_259 = arith.sitofp %parallel_loop3A_258 : vector<16xi32> to vector<16xf32>
      %parallel_loop3A_260 = arith.constant 5.9604713E-6 : f32
      %parallel_loop3A_261 = vector.broadcast %parallel_loop3A_260 : f32 to vector<16xf32>
      %parallel_loop3A_262 = arith.mulf %parallel_loop3A_259, %parallel_loop3A_261 : vector<16xf32>
      %parallel_loop3A_263 = arith.fptosi %parallel_loop3A_262 : vector<16xf32> to vector<16xi32>
      %parallel_loop3A_264 = arith.constant 167772 : i32
      %parallel_loop3A_265 = vector.broadcast %parallel_loop3A_264 : i32 to vector<16xi32>
      %parallel_loop3A_266 = arith.muli %parallel_loop3A_263, %parallel_loop3A_265 : vector<16xi32>
      %parallel_loop3A_267 = arith.cmpi sgt, %parallel_loop3A_266, %parallel_loop3A_258 : vector<16xi32>
      %parallel_loop3A_268 = arith.constant 1 : i32
      %parallel_loop3A_269 = vector.broadcast %parallel_loop3A_268 : i32 to vector<16xi32>
      %parallel_loop3A_270 = arith.subi %parallel_loop3A_263, %parallel_loop3A_269 : vector<16xi32>
      %parallel_loop3A_271 = arith.select %parallel_loop3A_267, %parallel_loop3A_270, %parallel_loop3A_263 : vector<16xi1>, vector<16xi32>
      %parallel_loop3A_272 = arith.constant 167772 : i32
      %parallel_loop3A_273 = vector.broadcast %parallel_loop3A_272 : i32 to vector<16xi32>
      %parallel_loop3A_274 = arith.muli %parallel_loop3A_271, %parallel_loop3A_273 : vector<16xi32>
      %parallel_loop3A_275 = arith.addi %parallel_loop3A_255, %parallel_loop3A_274 : vector<16xi32>
      %parallel_loop3A_276 = arith.sitofp %parallel_loop3A_275 : vector<16xi32> to vector<16xf32>
      %parallel_loop3A_277 = arith.constant 5.96046448E-8 : f32
      %parallel_loop3A_278 = vector.broadcast %parallel_loop3A_277 : f32 to vector<16xf32>
      %parallel_loop3A_279 = arith.mulf %parallel_loop3A_276, %parallel_loop3A_278 : vector<16xf32>
      %parallel_loop3A_280 = arith.constant 0.00999999977 : f32
      %parallel_loop3A_281 = vector.broadcast %parallel_loop3A_280 : f32 to vector<16xf32>
      %parallel_loop3A_282 = arith.addf %parallel_loop3A_279, %parallel_loop3A_281 : vector<16xf32>
      %parallel_loop3A_283 = arith.select %parallel_loop3A_251, %parallel_loop3A_282, %parallel_loop3A_243 : vector<16xi1>, vector<16xf32>
      %parallel_loop3A_284 = arith.constant 1 : i32
      %parallel_loop3A_285 = vector.broadcast %parallel_loop3A_284 : i32 to vector<16xi32>
      %parallel_loop3A_286 = arith.addi %parallel_loop3A_271, %parallel_loop3A_285 : vector<16xi32>
      %parallel_loop3A_287 = arith.addi %parallel_loop3A_248, %parallel_loop3A_286 : vector<16xi32>
      %parallel_loop3A_288 = arith.select %parallel_loop3A_251, %parallel_loop3A_287, %parallel_loop3A_248 : vector<16xi1>, vector<16xi32>
      %parallel_loop3A_289 = arith.constant 2.000000e+00 : f32
      %parallel_loop3A_290 = vector.broadcast %parallel_loop3A_289 : f32 to vector<16xf32>
      %parallel_loop3A_291 = arith.cmpf olt, %parallel_loop3A_283, %parallel_loop3A_290 : vector<16xf32>
      %parallel_loop3A_292 = arith.constant 0x4B000000 : f32
      %parallel_loop3A_293 = vector.broadcast %parallel_loop3A_292 : f32 to vector<16xf32>
      %parallel_loop3A_294 = arith.mulf %parallel_loop3A_283, %parallel_loop3A_293 : vector<16xf32>
      %parallel_loop3A_295 = arith.fptosi %parallel_loop3A_294 : vector<16xf32> to vector<16xi32>
      %parallel_loop3A_296 = arith.constant 16777215 : i32
      %parallel_loop3A_297 = vector.broadcast %parallel_loop3A_296 : i32 to vector<16xi32>
      %parallel_loop3A_298 = arith.subi %parallel_loop3A_297, %parallel_loop3A_295 : vector<16xi32>
      %parallel_loop3A_299 = arith.sitofp %parallel_loop3A_298 : vector<16xi32> to vector<16xf32>
      %parallel_loop3A_300 = arith.constant 1.19209426E-5 : f32
      %parallel_loop3A_301 = vector.broadcast %parallel_loop3A_300 : f32 to vector<16xf32>
      %parallel_loop3A_302 = arith.mulf %parallel_loop3A_299, %parallel_loop3A_301 : vector<16xf32>
      %parallel_loop3A_303 = arith.fptosi %parallel_loop3A_302 : vector<16xf32> to vector<16xi32>
      %parallel_loop3A_304 = arith.constant 83886 : i32
      %parallel_loop3A_305 = vector.broadcast %parallel_loop3A_304 : i32 to vector<16xi32>
      %parallel_loop3A_306 = arith.muli %parallel_loop3A_303, %parallel_loop3A_305 : vector<16xi32>
      %parallel_loop3A_307 = arith.cmpi sgt, %parallel_loop3A_306, %parallel_loop3A_298 : vector<16xi32>
      %parallel_loop3A_308 = arith.constant 1 : i32
      %parallel_loop3A_309 = vector.broadcast %parallel_loop3A_308 : i32 to vector<16xi32>
      %parallel_loop3A_310 = arith.subi %parallel_loop3A_303, %parallel_loop3A_309 : vector<16xi32>
      %parallel_loop3A_311 = arith.select %parallel_loop3A_307, %parallel_loop3A_310, %parallel_loop3A_303 : vector<16xi1>, vector<16xi32>
      %parallel_loop3A_312 = arith.constant 83886 : i32
      %parallel_loop3A_313 = vector.broadcast %parallel_loop3A_312 : i32 to vector<16xi32>
      %parallel_loop3A_314 = arith.muli %parallel_loop3A_311, %parallel_loop3A_313 : vector<16xi32>
      %parallel_loop3A_315 = arith.addi %parallel_loop3A_295, %parallel_loop3A_314 : vector<16xi32>
      %parallel_loop3A_316 = arith.sitofp %parallel_loop3A_315 : vector<16xi32> to vector<16xf32>
      %parallel_loop3A_317 = arith.constant 1.1920929E-7 : f32
      %parallel_loop3A_318 = vector.broadcast %parallel_loop3A_317 : f32 to vector<16xf32>
      %parallel_loop3A_319 = arith.mulf %parallel_loop3A_316, %parallel_loop3A_318 : vector<16xf32>
      %parallel_loop3A_320 = arith.constant 0.00999999977 : f32
      %parallel_loop3A_321 = vector.broadcast %parallel_loop3A_320 : f32 to vector<16xf32>
      %parallel_loop3A_322 = arith.addf %parallel_loop3A_319, %parallel_loop3A_321 : vector<16xf32>
      %parallel_loop3A_323 = arith.select %parallel_loop3A_291, %parallel_loop3A_322, %parallel_loop3A_283 : vector<16xi1>, vector<16xf32>
      %parallel_loop3A_324 = arith.constant 1 : i32
      %parallel_loop3A_325 = vector.broadcast %parallel_loop3A_324 : i32 to vector<16xi32>
      %parallel_loop3A_326 = arith.addi %parallel_loop3A_311, %parallel_loop3A_325 : vector<16xi32>
      %parallel_loop3A_327 = arith.addi %parallel_loop3A_288, %parallel_loop3A_326 : vector<16xi32>
      %parallel_loop3A_328 = arith.select %parallel_loop3A_291, %parallel_loop3A_327, %parallel_loop3A_288 : vector<16xi1>, vector<16xi32>
      %parallel_loop3A_329 = arith.constant 4.000000e+00 : f32
      %parallel_loop3A_330 = vector.broadcast %parallel_loop3A_329 : f32 to vector<16xf32>
      %parallel_loop3A_331 = arith.cmpf olt, %parallel_loop3A_323, %parallel_loop3A_330 : vector<16xf32>
      %parallel_loop3A_332 = arith.constant 0x4A800000 : f32
      %parallel_loop3A_333 = vector.broadcast %parallel_loop3A_332 : f32 to vector<16xf32>
      %parallel_loop3A_334 = arith.mulf %parallel_loop3A_323, %parallel_loop3A_333 : vector<16xf32>
      %parallel_loop3A_335 = arith.fptosi %parallel_loop3A_334 : vector<16xf32> to vector<16xi32>
      %parallel_loop3A_336 = arith.constant 16777215 : i32
      %parallel_loop3A_337 = vector.broadcast %parallel_loop3A_336 : i32 to vector<16xi32>
      %parallel_loop3A_338 = arith.subi %parallel_loop3A_337, %parallel_loop3A_335 : vector<16xi32>
      %parallel_loop3A_339 = arith.sitofp %parallel_loop3A_338 : vector<16xi32> to vector<16xf32>
      %parallel_loop3A_340 = arith.constant 2.38418852E-5 : f32
      %parallel_loop3A_341 = vector.broadcast %parallel_loop3A_340 : f32 to vector<16xf32>
      %parallel_loop3A_342 = arith.mulf %parallel_loop3A_339, %parallel_loop3A_341 : vector<16xf32>
      %parallel_loop3A_343 = arith.fptosi %parallel_loop3A_342 : vector<16xf32> to vector<16xi32>
      %parallel_loop3A_344 = arith.constant 41943 : i32
      %parallel_loop3A_345 = vector.broadcast %parallel_loop3A_344 : i32 to vector<16xi32>
      %parallel_loop3A_346 = arith.muli %parallel_loop3A_343, %parallel_loop3A_345 : vector<16xi32>
      %parallel_loop3A_347 = arith.cmpi sgt, %parallel_loop3A_346, %parallel_loop3A_338 : vector<16xi32>
      %parallel_loop3A_348 = arith.constant 1 : i32
      %parallel_loop3A_349 = vector.broadcast %parallel_loop3A_348 : i32 to vector<16xi32>
      %parallel_loop3A_350 = arith.subi %parallel_loop3A_343, %parallel_loop3A_349 : vector<16xi32>
      %parallel_loop3A_351 = arith.select %parallel_loop3A_347, %parallel_loop3A_350, %parallel_loop3A_343 : vector<16xi1>, vector<16xi32>
      %parallel_loop3A_352 = arith.constant 41943 : i32
      %parallel_loop3A_353 = vector.broadcast %parallel_loop3A_352 : i32 to vector<16xi32>
      %parallel_loop3A_354 = arith.muli %parallel_loop3A_351, %parallel_loop3A_353 : vector<16xi32>
      %parallel_loop3A_355 = arith.addi %parallel_loop3A_335, %parallel_loop3A_354 : vector<16xi32>
      %parallel_loop3A_356 = arith.sitofp %parallel_loop3A_355 : vector<16xi32> to vector<16xf32>
      %parallel_loop3A_357 = arith.constant 2.38418579E-7 : f32
      %parallel_loop3A_358 = vector.broadcast %parallel_loop3A_357 : f32 to vector<16xf32>
      %parallel_loop3A_359 = arith.mulf %parallel_loop3A_356, %parallel_loop3A_358 : vector<16xf32>
      %parallel_loop3A_360 = arith.constant 0.00999999977 : f32
      %parallel_loop3A_361 = vector.broadcast %parallel_loop3A_360 : f32 to vector<16xf32>
      %parallel_loop3A_362 = arith.addf %parallel_loop3A_359, %parallel_loop3A_361 : vector<16xf32>
      %parallel_loop3A_363 = arith.select %parallel_loop3A_331, %parallel_loop3A_362, %parallel_loop3A_323 : vector<16xi1>, vector<16xf32>
      %parallel_loop3A_364 = arith.constant 1 : i32
      %parallel_loop3A_365 = vector.broadcast %parallel_loop3A_364 : i32 to vector<16xi32>
      %parallel_loop3A_366 = arith.addi %parallel_loop3A_351, %parallel_loop3A_365 : vector<16xi32>
      %parallel_loop3A_367 = arith.addi %parallel_loop3A_328, %parallel_loop3A_366 : vector<16xi32>
      %parallel_loop3A_368 = arith.select %parallel_loop3A_331, %parallel_loop3A_367, %parallel_loop3A_328 : vector<16xi1>, vector<16xi32>
      %parallel_loop3A_369 = arith.constant 8.000000e+00 : f32
      %parallel_loop3A_370 = vector.broadcast %parallel_loop3A_369 : f32 to vector<16xf32>
      %parallel_loop3A_371 = arith.cmpf olt, %parallel_loop3A_363, %parallel_loop3A_370 : vector<16xf32>
      %parallel_loop3A_372 = arith.constant 0x4A000000 : f32
      %parallel_loop3A_373 = vector.broadcast %parallel_loop3A_372 : f32 to vector<16xf32>
      %parallel_loop3A_374 = arith.mulf %parallel_loop3A_363, %parallel_loop3A_373 : vector<16xf32>
      %parallel_loop3A_375 = arith.fptosi %parallel_loop3A_374 : vector<16xf32> to vector<16xi32>
      %parallel_loop3A_376 = arith.constant 16777215 : i32
      %parallel_loop3A_377 = vector.broadcast %parallel_loop3A_376 : i32 to vector<16xi32>
      %parallel_loop3A_378 = arith.subi %parallel_loop3A_377, %parallel_loop3A_375 : vector<16xi32>
      %parallel_loop3A_379 = arith.sitofp %parallel_loop3A_378 : vector<16xi32> to vector<16xf32>
      %parallel_loop3A_380 = arith.constant 4.76826317E-5 : f32
      %parallel_loop3A_381 = vector.broadcast %parallel_loop3A_380 : f32 to vector<16xf32>
      %parallel_loop3A_382 = arith.mulf %parallel_loop3A_379, %parallel_loop3A_381 : vector<16xf32>
      %parallel_loop3A_383 = arith.fptosi %parallel_loop3A_382 : vector<16xf32> to vector<16xi32>
      %parallel_loop3A_384 = arith.constant 20972 : i32
      %parallel_loop3A_385 = vector.broadcast %parallel_loop3A_384 : i32 to vector<16xi32>
      %parallel_loop3A_386 = arith.muli %parallel_loop3A_383, %parallel_loop3A_385 : vector<16xi32>
      %parallel_loop3A_387 = arith.cmpi sgt, %parallel_loop3A_386, %parallel_loop3A_378 : vector<16xi32>
      %parallel_loop3A_388 = arith.constant 1 : i32
      %parallel_loop3A_389 = vector.broadcast %parallel_loop3A_388 : i32 to vector<16xi32>
      %parallel_loop3A_390 = arith.subi %parallel_loop3A_383, %parallel_loop3A_389 : vector<16xi32>
      %parallel_loop3A_391 = arith.select %parallel_loop3A_387, %parallel_loop3A_390, %parallel_loop3A_383 : vector<16xi1>, vector<16xi32>
      %parallel_loop3A_392 = arith.constant 20972 : i32
      %parallel_loop3A_393 = vector.broadcast %parallel_loop3A_392 : i32 to vector<16xi32>
      %parallel_loop3A_394 = arith.muli %parallel_loop3A_391, %parallel_loop3A_393 : vector<16xi32>
      %parallel_loop3A_395 = arith.addi %parallel_loop3A_375, %parallel_loop3A_394 : vector<16xi32>
      %parallel_loop3A_396 = arith.sitofp %parallel_loop3A_395 : vector<16xi32> to vector<16xf32>
      %parallel_loop3A_397 = arith.constant 4.76837158E-7 : f32
      %parallel_loop3A_398 = vector.broadcast %parallel_loop3A_397 : f32 to vector<16xf32>
      %parallel_loop3A_399 = arith.mulf %parallel_loop3A_396, %parallel_loop3A_398 : vector<16xf32>
      %parallel_loop3A_400 = arith.constant 0.00999999977 : f32
      %parallel_loop3A_401 = vector.broadcast %parallel_loop3A_400 : f32 to vector<16xf32>
      %parallel_loop3A_402 = arith.addf %parallel_loop3A_399, %parallel_loop3A_401 : vector<16xf32>
      %parallel_loop3A_403 = arith.select %parallel_loop3A_371, %parallel_loop3A_402, %parallel_loop3A_363 : vector<16xi1>, vector<16xf32>
      %parallel_loop3A_404 = arith.constant 1 : i32
      %parallel_loop3A_405 = vector.broadcast %parallel_loop3A_404 : i32 to vector<16xi32>
      %parallel_loop3A_406 = arith.addi %parallel_loop3A_391, %parallel_loop3A_405 : vector<16xi32>
      %parallel_loop3A_407 = arith.addi %parallel_loop3A_368, %parallel_loop3A_406 : vector<16xi32>
      %parallel_loop3A_408 = arith.select %parallel_loop3A_371, %parallel_loop3A_407, %parallel_loop3A_368 : vector<16xi1>, vector<16xi32>
      %parallel_loop3A_409 = arith.constant 1.000000e+01 : f32
      %parallel_loop3A_410 = vector.broadcast %parallel_loop3A_409 : f32 to vector<16xf32>
      %parallel_loop3A_411 = arith.cmpf ole, %parallel_loop3A_403, %parallel_loop3A_410 : vector<16xf32>
      %parallel_loop3A_412 = arith.constant 0x49800000 : f32
      %parallel_loop3A_413 = vector.broadcast %parallel_loop3A_412 : f32 to vector<16xf32>
      %parallel_loop3A_414 = arith.mulf %parallel_loop3A_403, %parallel_loop3A_413 : vector<16xf32>
      %parallel_loop3A_415 = arith.fptosi %parallel_loop3A_414 : vector<16xf32> to vector<16xi32>
      %parallel_loop3A_416 = arith.constant 10485760 : i32
      %parallel_loop3A_417 = vector.broadcast %parallel_loop3A_416 : i32 to vector<16xi32>
      %parallel_loop3A_418 = arith.subi %parallel_loop3A_417, %parallel_loop3A_415 : vector<16xi32>
      %parallel_loop3A_419 = arith.sitofp %parallel_loop3A_418 : vector<16xi32> to vector<16xf32>
      %parallel_loop3A_420 = arith.constant 9.53652634E-5 : f32
      %parallel_loop3A_421 = vector.broadcast %parallel_loop3A_420 : f32 to vector<16xf32>
      %parallel_loop3A_422 = arith.mulf %parallel_loop3A_419, %parallel_loop3A_421 : vector<16xf32>
      %parallel_loop3A_423 = arith.fptosi %parallel_loop3A_422 : vector<16xf32> to vector<16xi32>
      %parallel_loop3A_424 = arith.constant 10486 : i32
      %parallel_loop3A_425 = vector.broadcast %parallel_loop3A_424 : i32 to vector<16xi32>
      %parallel_loop3A_426 = arith.muli %parallel_loop3A_423, %parallel_loop3A_425 : vector<16xi32>
      %parallel_loop3A_427 = arith.cmpi sgt, %parallel_loop3A_426, %parallel_loop3A_418 : vector<16xi32>
      %parallel_loop3A_428 = arith.constant 1 : i32
      %parallel_loop3A_429 = vector.broadcast %parallel_loop3A_428 : i32 to vector<16xi32>
      %parallel_loop3A_430 = arith.subi %parallel_loop3A_423, %parallel_loop3A_429 : vector<16xi32>
      %parallel_loop3A_431 = arith.select %parallel_loop3A_427, %parallel_loop3A_430, %parallel_loop3A_423 : vector<16xi1>, vector<16xi32>
      %parallel_loop3A_432 = arith.constant 10486 : i32
      %parallel_loop3A_433 = vector.broadcast %parallel_loop3A_432 : i32 to vector<16xi32>
      %parallel_loop3A_434 = arith.muli %parallel_loop3A_431, %parallel_loop3A_433 : vector<16xi32>
      %parallel_loop3A_435 = arith.addi %parallel_loop3A_415, %parallel_loop3A_434 : vector<16xi32>
      %parallel_loop3A_436 = arith.sitofp %parallel_loop3A_435 : vector<16xi32> to vector<16xf32>
      %parallel_loop3A_437 = arith.constant 9.53674316E-7 : f32
      %parallel_loop3A_438 = vector.broadcast %parallel_loop3A_437 : f32 to vector<16xf32>
      %parallel_loop3A_439 = arith.mulf %parallel_loop3A_436, %parallel_loop3A_438 : vector<16xf32>
      %parallel_loop3A_440 = arith.constant 0.00999999977 : f32
      %parallel_loop3A_441 = vector.broadcast %parallel_loop3A_440 : f32 to vector<16xf32>
      %parallel_loop3A_442 = arith.addf %parallel_loop3A_439, %parallel_loop3A_441 : vector<16xf32>
      %parallel_loop3A_443 = arith.select %parallel_loop3A_411, %parallel_loop3A_442, %parallel_loop3A_403 : vector<16xi1>, vector<16xf32>
      %parallel_loop3A_444 = arith.constant 1 : i32
      %parallel_loop3A_445 = vector.broadcast %parallel_loop3A_444 : i32 to vector<16xi32>
      %parallel_loop3A_446 = arith.addi %parallel_loop3A_431, %parallel_loop3A_445 : vector<16xi32>
      %parallel_loop3A_447 = arith.addi %parallel_loop3A_408, %parallel_loop3A_446 : vector<16xi32>
      %parallel_loop3A_448 = arith.select %parallel_loop3A_411, %parallel_loop3A_447, %parallel_loop3A_408 : vector<16xi1>, vector<16xi32>
      %parallel_loop3A_449 = arith.sitofp %parallel_loop3A_448 : vector<16xi32> to vector<16xf32>
      %parallel_loop3A_450 = arith.constant 0 : i32
      %parallel_loop3A_451 = arith.index_cast %parallel_loop3A_450 : i32 to index
      %parallel_loop3A_452 = arith.index_cast %parallel_loop3A_17 : i32 to index
      %parallel_loop3A_453 = tpu.vector_load %arg7[%parallel_loop3A_451, %parallel_loop3A_452] {strides = array<i32>} : memref<2x512xf32, #tpu.memory_space<vmem>>, vector<1x16xf32>,
      %parallel_loop3A_454 = vector.shape_cast %parallel_loop3A_453 : vector<1x16xf32> to vector<16xf32>
      %parallel_loop3A_455 = vector.shape_cast %parallel_loop3A_449 : vector<16xf32> to vector<1x16xf32>
      tpu.vector_store %arg7[%parallel_loop3A_451, %parallel_loop3A_452], %parallel_loop3A_455 {strides = array<i32>} : memref<2x512xf32, #tpu.memory_space<vmem>>, vector<1x16xf32>,
      %parallel_loop3A_456 = arith.constant 1 : i32
      %parallel_loop3A_457 = arith.index_cast %parallel_loop3A_456 : i32 to index
      %parallel_loop3A_458 = arith.index_cast %parallel_loop3A_17 : i32 to index
      %parallel_loop3A_459 = tpu.vector_load %arg5[%parallel_loop3A_457, %parallel_loop3A_458] {strides = array<i32>} : memref<2x512xf32, #tpu.memory_space<vmem>>, vector<1x16xf32>,
      %parallel_loop3A_460 = vector.shape_cast %parallel_loop3A_459 : vector<1x16xf32> to vector<16xf32>
      %parallel_loop3A_461 = arith.constant 0.00999999977 : f32
      %parallel_loop3A_462 = vector.broadcast %parallel_loop3A_461 : f32 to vector<16xf32>
      %parallel_loop3A_463 = arith.addf %parallel_loop3A_460, %parallel_loop3A_462 : vector<16xf32>
      %parallel_loop3A_464 = arith.cmpf ole, %parallel_loop3A_463, %parallel_loop3A_20 : vector<16xf32>
      %parallel_loop3A_465 = arith.cmpf ole, %parallel_loop3A_463, %parallel_loop3A_23 : vector<16xf32>
      %parallel_loop3A_466 = arith.constant 2.000000e+00 : f32
      %parallel_loop3A_467 = arith.constant 3.000000e+00 : f32
      %parallel_loop3A_468 = vector.broadcast %parallel_loop3A_466 : f32 to vector<16xf32>
      %parallel_loop3A_469 = vector.broadcast %parallel_loop3A_467 : f32 to vector<16xf32>
      %parallel_loop3A_470 = arith.select %parallel_loop3A_465, %parallel_loop3A_468, %parallel_loop3A_469 : vector<16xi1>, vector<16xf32>
      %parallel_loop3A_471 = arith.constant 1.000000e+00 : f32
      %parallel_loop3A_472 = vector.broadcast %parallel_loop3A_471 : f32 to vector<16xf32>
      %parallel_loop3A_473 = arith.select %parallel_loop3A_464, %parallel_loop3A_470, %parallel_loop3A_472 : vector<16xi1>, vector<16xf32>
      %parallel_loop3A_474 = arith.mulf %parallel_loop3A_463, %parallel_loop3A_473 : vector<16xf32>
      %parallel_loop3A_475 = arith.constant 0.00999999977 : f32
      %parallel_loop3A_476 = vector.broadcast %parallel_loop3A_475 : f32 to vector<16xf32>
      %parallel_loop3A_477 = arith.addf %parallel_loop3A_474, %parallel_loop3A_476 : vector<16xf32>
      %parallel_loop3A_478 = arith.cmpf ole, %parallel_loop3A_477, %parallel_loop3A_20 : vector<16xf32>
      %parallel_loop3A_479 = arith.cmpf ole, %parallel_loop3A_477, %parallel_loop3A_23 : vector<16xf32>
      %parallel_loop3A_480 = arith.constant 2.000000e+00 : f32
      %parallel_loop3A_481 = arith.constant 3.000000e+00 : f32
      %parallel_loop3A_482 = vector.broadcast %parallel_loop3A_480 : f32 to vector<16xf32>
      %parallel_loop3A_483 = vector.broadcast %parallel_loop3A_481 : f32 to vector<16xf32>
      %parallel_loop3A_484 = arith.select %parallel_loop3A_479, %parallel_loop3A_482, %parallel_loop3A_483 : vector<16xi1>, vector<16xf32>
      %parallel_loop3A_485 = arith.constant 1.000000e+00 : f32
      %parallel_loop3A_486 = vector.broadcast %parallel_loop3A_485 : f32 to vector<16xf32>
      %parallel_loop3A_487 = arith.select %parallel_loop3A_478, %parallel_loop3A_484, %parallel_loop3A_486 : vector<16xi1>, vector<16xf32>
      %parallel_loop3A_488 = arith.mulf %parallel_loop3A_477, %parallel_loop3A_487 : vector<16xf32>
      %parallel_loop3A_489 = arith.constant 0.00999999977 : f32
      %parallel_loop3A_490 = vector.broadcast %parallel_loop3A_489 : f32 to vector<16xf32>
      %parallel_loop3A_491 = arith.addf %parallel_loop3A_488, %parallel_loop3A_490 : vector<16xf32>
      %parallel_loop3A_492 = arith.cmpf ole, %parallel_loop3A_491, %parallel_loop3A_20 : vector<16xf32>
      %parallel_loop3A_493 = arith.cmpf ole, %parallel_loop3A_491, %parallel_loop3A_23 : vector<16xf32>
      %parallel_loop3A_494 = arith.constant 2.000000e+00 : f32
      %parallel_loop3A_495 = arith.constant 3.000000e+00 : f32
      %parallel_loop3A_496 = vector.broadcast %parallel_loop3A_494 : f32 to vector<16xf32>
      %parallel_loop3A_497 = vector.broadcast %parallel_loop3A_495 : f32 to vector<16xf32>
      %parallel_loop3A_498 = arith.select %parallel_loop3A_493, %parallel_loop3A_496, %parallel_loop3A_497 : vector<16xi1>, vector<16xf32>
      %parallel_loop3A_499 = arith.constant 1.000000e+00 : f32
      %parallel_loop3A_500 = vector.broadcast %parallel_loop3A_499 : f32 to vector<16xf32>
      %parallel_loop3A_501 = arith.select %parallel_loop3A_492, %parallel_loop3A_498, %parallel_loop3A_500 : vector<16xi1>, vector<16xf32>
      %parallel_loop3A_502 = arith.mulf %parallel_loop3A_491, %parallel_loop3A_501 : vector<16xf32>
      %parallel_loop3A_503 = arith.constant 0.00999999977 : f32
      %parallel_loop3A_504 = vector.broadcast %parallel_loop3A_503 : f32 to vector<16xf32>
      %parallel_loop3A_505 = arith.addf %parallel_loop3A_502, %parallel_loop3A_504 : vector<16xf32>
      %parallel_loop3A_506 = arith.cmpf ole, %parallel_loop3A_505, %parallel_loop3A_20 : vector<16xf32>
      %parallel_loop3A_507 = arith.cmpf ole, %parallel_loop3A_505, %parallel_loop3A_23 : vector<16xf32>
      %parallel_loop3A_508 = arith.constant 2.000000e+00 : f32
      %parallel_loop3A_509 = arith.constant 3.000000e+00 : f32
      %parallel_loop3A_510 = vector.broadcast %parallel_loop3A_508 : f32 to vector<16xf32>
      %parallel_loop3A_511 = vector.broadcast %parallel_loop3A_509 : f32 to vector<16xf32>
      %parallel_loop3A_512 = arith.select %parallel_loop3A_507, %parallel_loop3A_510, %parallel_loop3A_511 : vector<16xi1>, vector<16xf32>
      %parallel_loop3A_513 = arith.constant 1.000000e+00 : f32
      %parallel_loop3A_514 = vector.broadcast %parallel_loop3A_513 : f32 to vector<16xf32>
      %parallel_loop3A_515 = arith.select %parallel_loop3A_506, %parallel_loop3A_512, %parallel_loop3A_514 : vector<16xi1>, vector<16xf32>
      %parallel_loop3A_516 = arith.mulf %parallel_loop3A_505, %parallel_loop3A_515 : vector<16xf32>
      %parallel_loop3A_517 = arith.constant 0.00999999977 : f32
      %parallel_loop3A_518 = vector.broadcast %parallel_loop3A_517 : f32 to vector<16xf32>
      %parallel_loop3A_519 = arith.addf %parallel_loop3A_516, %parallel_loop3A_518 : vector<16xf32>
      %parallel_loop3A_520 = arith.cmpf ole, %parallel_loop3A_519, %parallel_loop3A_20 : vector<16xf32>
      %parallel_loop3A_521 = arith.cmpf ole, %parallel_loop3A_519, %parallel_loop3A_23 : vector<16xf32>
      %parallel_loop3A_522 = arith.constant 2.000000e+00 : f32
      %parallel_loop3A_523 = arith.constant 3.000000e+00 : f32
      %parallel_loop3A_524 = vector.broadcast %parallel_loop3A_522 : f32 to vector<16xf32>
      %parallel_loop3A_525 = vector.broadcast %parallel_loop3A_523 : f32 to vector<16xf32>
      %parallel_loop3A_526 = arith.select %parallel_loop3A_521, %parallel_loop3A_524, %parallel_loop3A_525 : vector<16xi1>, vector<16xf32>
      %parallel_loop3A_527 = arith.constant 1.000000e+00 : f32
      %parallel_loop3A_528 = vector.broadcast %parallel_loop3A_527 : f32 to vector<16xf32>
      %parallel_loop3A_529 = arith.select %parallel_loop3A_520, %parallel_loop3A_526, %parallel_loop3A_528 : vector<16xi1>, vector<16xf32>
      %parallel_loop3A_530 = arith.mulf %parallel_loop3A_519, %parallel_loop3A_529 : vector<16xf32>
      %parallel_loop3A_531 = arith.constant 0.00999999977 : f32
      %parallel_loop3A_532 = vector.broadcast %parallel_loop3A_531 : f32 to vector<16xf32>
      %parallel_loop3A_533 = arith.addf %parallel_loop3A_530, %parallel_loop3A_532 : vector<16xf32>
      %parallel_loop3A_534 = arith.cmpf ole, %parallel_loop3A_533, %parallel_loop3A_20 : vector<16xf32>
      %parallel_loop3A_535 = arith.cmpf ole, %parallel_loop3A_533, %parallel_loop3A_23 : vector<16xf32>
      %parallel_loop3A_536 = arith.constant 2.000000e+00 : f32
      %parallel_loop3A_537 = arith.constant 3.000000e+00 : f32
      %parallel_loop3A_538 = vector.broadcast %parallel_loop3A_536 : f32 to vector<16xf32>
      %parallel_loop3A_539 = vector.broadcast %parallel_loop3A_537 : f32 to vector<16xf32>
      %parallel_loop3A_540 = arith.select %parallel_loop3A_535, %parallel_loop3A_538, %parallel_loop3A_539 : vector<16xi1>, vector<16xf32>
      %parallel_loop3A_541 = arith.constant 1.000000e+00 : f32
      %parallel_loop3A_542 = vector.broadcast %parallel_loop3A_541 : f32 to vector<16xf32>
      %parallel_loop3A_543 = arith.select %parallel_loop3A_534, %parallel_loop3A_540, %parallel_loop3A_542 : vector<16xi1>, vector<16xf32>
      %parallel_loop3A_544 = arith.mulf %parallel_loop3A_533, %parallel_loop3A_543 : vector<16xf32>
      %parallel_loop3A_545 = arith.constant 0.00999999977 : f32
      %parallel_loop3A_546 = vector.broadcast %parallel_loop3A_545 : f32 to vector<16xf32>
      %parallel_loop3A_547 = arith.addf %parallel_loop3A_544, %parallel_loop3A_546 : vector<16xf32>
      %parallel_loop3A_548 = arith.cmpf ole, %parallel_loop3A_547, %parallel_loop3A_20 : vector<16xf32>
      %parallel_loop3A_549 = arith.cmpf ole, %parallel_loop3A_547, %parallel_loop3A_23 : vector<16xf32>
      %parallel_loop3A_550 = arith.constant 2.000000e+00 : f32
      %parallel_loop3A_551 = arith.constant 3.000000e+00 : f32
      %parallel_loop3A_552 = vector.broadcast %parallel_loop3A_550 : f32 to vector<16xf32>
      %parallel_loop3A_553 = vector.broadcast %parallel_loop3A_551 : f32 to vector<16xf32>
      %parallel_loop3A_554 = arith.select %parallel_loop3A_549, %parallel_loop3A_552, %parallel_loop3A_553 : vector<16xi1>, vector<16xf32>
      %parallel_loop3A_555 = arith.constant 1.000000e+00 : f32
      %parallel_loop3A_556 = vector.broadcast %parallel_loop3A_555 : f32 to vector<16xf32>
      %parallel_loop3A_557 = arith.select %parallel_loop3A_548, %parallel_loop3A_554, %parallel_loop3A_556 : vector<16xi1>, vector<16xf32>
      %parallel_loop3A_558 = arith.mulf %parallel_loop3A_547, %parallel_loop3A_557 : vector<16xf32>
      %parallel_loop3A_559 = arith.constant 7 : i32
      %parallel_loop3A_560 = vector.broadcast %parallel_loop3A_559 : i32 to vector<16xi32>
      %parallel_loop3A_561 = arith.constant 1.250000e-01 : f32
      %parallel_loop3A_562 = vector.broadcast %parallel_loop3A_561 : f32 to vector<16xf32>
      %parallel_loop3A_563 = arith.cmpf olt, %parallel_loop3A_558, %parallel_loop3A_562 : vector<16xf32>
      %parallel_loop3A_564 = arith.constant 0x4D000000 : f32
      %parallel_loop3A_565 = vector.broadcast %parallel_loop3A_564 : f32 to vector<16xf32>
      %parallel_loop3A_566 = arith.mulf %parallel_loop3A_558, %parallel_loop3A_565 : vector<16xf32>
      %parallel_loop3A_567 = arith.fptosi %parallel_loop3A_566 : vector<16xf32> to vector<16xi32>
      %parallel_loop3A_568 = arith.constant 16777215 : i32
      %parallel_loop3A_569 = vector.broadcast %parallel_loop3A_568 : i32 to vector<16xi32>
      %parallel_loop3A_570 = arith.subi %parallel_loop3A_569, %parallel_loop3A_567 : vector<16xi32>
      %parallel_loop3A_571 = arith.sitofp %parallel_loop3A_570 : vector<16xi32> to vector<16xf32>
      %parallel_loop3A_572 = arith.constant 7.45058344E-7 : f32
      %parallel_loop3A_573 = vector.broadcast %parallel_loop3A_572 : f32 to vector<16xf32>
      %parallel_loop3A_574 = arith.mulf %parallel_loop3A_571, %parallel_loop3A_573 : vector<16xf32>
      %parallel_loop3A_575 = arith.fptosi %parallel_loop3A_574 : vector<16xf32> to vector<16xi32>
      %parallel_loop3A_576 = arith.constant 1342177 : i32
      %parallel_loop3A_577 = vector.broadcast %parallel_loop3A_576 : i32 to vector<16xi32>
      %parallel_loop3A_578 = arith.muli %parallel_loop3A_575, %parallel_loop3A_577 : vector<16xi32>
      %parallel_loop3A_579 = arith.cmpi sgt, %parallel_loop3A_578, %parallel_loop3A_570 : vector<16xi32>
      %parallel_loop3A_580 = arith.constant 1 : i32
      %parallel_loop3A_581 = vector.broadcast %parallel_loop3A_580 : i32 to vector<16xi32>
      %parallel_loop3A_582 = arith.subi %parallel_loop3A_575, %parallel_loop3A_581 : vector<16xi32>
      %parallel_loop3A_583 = arith.select %parallel_loop3A_579, %parallel_loop3A_582, %parallel_loop3A_575 : vector<16xi1>, vector<16xi32>
      %parallel_loop3A_584 = arith.constant 1342177 : i32
      %parallel_loop3A_585 = vector.broadcast %parallel_loop3A_584 : i32 to vector<16xi32>
      %parallel_loop3A_586 = arith.muli %parallel_loop3A_583, %parallel_loop3A_585 : vector<16xi32>
      %parallel_loop3A_587 = arith.addi %parallel_loop3A_567, %parallel_loop3A_586 : vector<16xi32>
      %parallel_loop3A_588 = arith.sitofp %parallel_loop3A_587 : vector<16xi32> to vector<16xf32>
      %parallel_loop3A_589 = arith.constant 7.4505806E-9 : f32
      %parallel_loop3A_590 = vector.broadcast %parallel_loop3A_589 : f32 to vector<16xf32>
      %parallel_loop3A_591 = arith.mulf %parallel_loop3A_588, %parallel_loop3A_590 : vector<16xf32>
      %parallel_loop3A_592 = arith.constant 0.00999999977 : f32
      %parallel_loop3A_593 = vector.broadcast %parallel_loop3A_592 : f32 to vector<16xf32>
      %parallel_loop3A_594 = arith.addf %parallel_loop3A_591, %parallel_loop3A_593 : vector<16xf32>
      %parallel_loop3A_595 = arith.select %parallel_loop3A_563, %parallel_loop3A_594, %parallel_loop3A_558 : vector<16xi1>, vector<16xf32>
      %parallel_loop3A_596 = arith.constant 1 : i32
      %parallel_loop3A_597 = vector.broadcast %parallel_loop3A_596 : i32 to vector<16xi32>
      %parallel_loop3A_598 = arith.addi %parallel_loop3A_583, %parallel_loop3A_597 : vector<16xi32>
      %parallel_loop3A_599 = arith.addi %parallel_loop3A_560, %parallel_loop3A_598 : vector<16xi32>
      %parallel_loop3A_600 = arith.select %parallel_loop3A_563, %parallel_loop3A_599, %parallel_loop3A_560 : vector<16xi1>, vector<16xi32>
      %parallel_loop3A_601 = arith.constant 2.500000e-01 : f32
      %parallel_loop3A_602 = vector.broadcast %parallel_loop3A_601 : f32 to vector<16xf32>
      %parallel_loop3A_603 = arith.cmpf olt, %parallel_loop3A_595, %parallel_loop3A_602 : vector<16xf32>
      %parallel_loop3A_604 = arith.constant 0x4C800000 : f32
      %parallel_loop3A_605 = vector.broadcast %parallel_loop3A_604 : f32 to vector<16xf32>
      %parallel_loop3A_606 = arith.mulf %parallel_loop3A_595, %parallel_loop3A_605 : vector<16xf32>
      %parallel_loop3A_607 = arith.fptosi %parallel_loop3A_606 : vector<16xf32> to vector<16xi32>
      %parallel_loop3A_608 = arith.constant 16777215 : i32
      %parallel_loop3A_609 = vector.broadcast %parallel_loop3A_608 : i32 to vector<16xi32>
      %parallel_loop3A_610 = arith.subi %parallel_loop3A_609, %parallel_loop3A_607 : vector<16xi32>
      %parallel_loop3A_611 = arith.sitofp %parallel_loop3A_610 : vector<16xi32> to vector<16xf32>
      %parallel_loop3A_612 = arith.constant 1.49011555E-6 : f32
      %parallel_loop3A_613 = vector.broadcast %parallel_loop3A_612 : f32 to vector<16xf32>
      %parallel_loop3A_614 = arith.mulf %parallel_loop3A_611, %parallel_loop3A_613 : vector<16xf32>
      %parallel_loop3A_615 = arith.fptosi %parallel_loop3A_614 : vector<16xf32> to vector<16xi32>
      %parallel_loop3A_616 = arith.constant 671089 : i32
      %parallel_loop3A_617 = vector.broadcast %parallel_loop3A_616 : i32 to vector<16xi32>
      %parallel_loop3A_618 = arith.muli %parallel_loop3A_615, %parallel_loop3A_617 : vector<16xi32>
      %parallel_loop3A_619 = arith.cmpi sgt, %parallel_loop3A_618, %parallel_loop3A_610 : vector<16xi32>
      %parallel_loop3A_620 = arith.constant 1 : i32
      %parallel_loop3A_621 = vector.broadcast %parallel_loop3A_620 : i32 to vector<16xi32>
      %parallel_loop3A_622 = arith.subi %parallel_loop3A_615, %parallel_loop3A_621 : vector<16xi32>
      %parallel_loop3A_623 = arith.select %parallel_loop3A_619, %parallel_loop3A_622, %parallel_loop3A_615 : vector<16xi1>, vector<16xi32>
      %parallel_loop3A_624 = arith.constant 671089 : i32
      %parallel_loop3A_625 = vector.broadcast %parallel_loop3A_624 : i32 to vector<16xi32>
      %parallel_loop3A_626 = arith.muli %parallel_loop3A_623, %parallel_loop3A_625 : vector<16xi32>
      %parallel_loop3A_627 = arith.addi %parallel_loop3A_607, %parallel_loop3A_626 : vector<16xi32>
      %parallel_loop3A_628 = arith.sitofp %parallel_loop3A_627 : vector<16xi32> to vector<16xf32>
      %parallel_loop3A_629 = arith.constant 1.49011612E-8 : f32
      %parallel_loop3A_630 = vector.broadcast %parallel_loop3A_629 : f32 to vector<16xf32>
      %parallel_loop3A_631 = arith.mulf %parallel_loop3A_628, %parallel_loop3A_630 : vector<16xf32>
      %parallel_loop3A_632 = arith.constant 0.00999999977 : f32
      %parallel_loop3A_633 = vector.broadcast %parallel_loop3A_632 : f32 to vector<16xf32>
      %parallel_loop3A_634 = arith.addf %parallel_loop3A_631, %parallel_loop3A_633 : vector<16xf32>
      %parallel_loop3A_635 = arith.select %parallel_loop3A_603, %parallel_loop3A_634, %parallel_loop3A_595 : vector<16xi1>, vector<16xf32>
      %parallel_loop3A_636 = arith.constant 1 : i32
      %parallel_loop3A_637 = vector.broadcast %parallel_loop3A_636 : i32 to vector<16xi32>
      %parallel_loop3A_638 = arith.addi %parallel_loop3A_623, %parallel_loop3A_637 : vector<16xi32>
      %parallel_loop3A_639 = arith.addi %parallel_loop3A_600, %parallel_loop3A_638 : vector<16xi32>
      %parallel_loop3A_640 = arith.select %parallel_loop3A_603, %parallel_loop3A_639, %parallel_loop3A_600 : vector<16xi1>, vector<16xi32>
      %parallel_loop3A_641 = arith.constant 5.000000e-01 : f32
      %parallel_loop3A_642 = vector.broadcast %parallel_loop3A_641 : f32 to vector<16xf32>
      %parallel_loop3A_643 = arith.cmpf olt, %parallel_loop3A_635, %parallel_loop3A_642 : vector<16xf32>
      %parallel_loop3A_644 = arith.constant 0x4C000000 : f32
      %parallel_loop3A_645 = vector.broadcast %parallel_loop3A_644 : f32 to vector<16xf32>
      %parallel_loop3A_646 = arith.mulf %parallel_loop3A_635, %parallel_loop3A_645 : vector<16xf32>
      %parallel_loop3A_647 = arith.fptosi %parallel_loop3A_646 : vector<16xf32> to vector<16xi32>
      %parallel_loop3A_648 = arith.constant 16777215 : i32
      %parallel_loop3A_649 = vector.broadcast %parallel_loop3A_648 : i32 to vector<16xi32>
      %parallel_loop3A_650 = arith.subi %parallel_loop3A_649, %parallel_loop3A_647 : vector<16xi32>
      %parallel_loop3A_651 = arith.sitofp %parallel_loop3A_650 : vector<16xi32> to vector<16xf32>
      %parallel_loop3A_652 = arith.constant 2.98023565E-6 : f32
      %parallel_loop3A_653 = vector.broadcast %parallel_loop3A_652 : f32 to vector<16xf32>
      %parallel_loop3A_654 = arith.mulf %parallel_loop3A_651, %parallel_loop3A_653 : vector<16xf32>
      %parallel_loop3A_655 = arith.fptosi %parallel_loop3A_654 : vector<16xf32> to vector<16xi32>
      %parallel_loop3A_656 = arith.constant 335544 : i32
      %parallel_loop3A_657 = vector.broadcast %parallel_loop3A_656 : i32 to vector<16xi32>
      %parallel_loop3A_658 = arith.muli %parallel_loop3A_655, %parallel_loop3A_657 : vector<16xi32>
      %parallel_loop3A_659 = arith.cmpi sgt, %parallel_loop3A_658, %parallel_loop3A_650 : vector<16xi32>
      %parallel_loop3A_660 = arith.constant 1 : i32
      %parallel_loop3A_661 = vector.broadcast %parallel_loop3A_660 : i32 to vector<16xi32>
      %parallel_loop3A_662 = arith.subi %parallel_loop3A_655, %parallel_loop3A_661 : vector<16xi32>
      %parallel_loop3A_663 = arith.select %parallel_loop3A_659, %parallel_loop3A_662, %parallel_loop3A_655 : vector<16xi1>, vector<16xi32>
      %parallel_loop3A_664 = arith.constant 335544 : i32
      %parallel_loop3A_665 = vector.broadcast %parallel_loop3A_664 : i32 to vector<16xi32>
      %parallel_loop3A_666 = arith.muli %parallel_loop3A_663, %parallel_loop3A_665 : vector<16xi32>
      %parallel_loop3A_667 = arith.addi %parallel_loop3A_647, %parallel_loop3A_666 : vector<16xi32>
      %parallel_loop3A_668 = arith.sitofp %parallel_loop3A_667 : vector<16xi32> to vector<16xf32>
      %parallel_loop3A_669 = arith.constant 2.98023224E-8 : f32
      %parallel_loop3A_670 = vector.broadcast %parallel_loop3A_669 : f32 to vector<16xf32>
      %parallel_loop3A_671 = arith.mulf %parallel_loop3A_668, %parallel_loop3A_670 : vector<16xf32>
      %parallel_loop3A_672 = arith.constant 0.00999999977 : f32
      %parallel_loop3A_673 = vector.broadcast %parallel_loop3A_672 : f32 to vector<16xf32>
      %parallel_loop3A_674 = arith.addf %parallel_loop3A_671, %parallel_loop3A_673 : vector<16xf32>
      %parallel_loop3A_675 = arith.select %parallel_loop3A_643, %parallel_loop3A_674, %parallel_loop3A_635 : vector<16xi1>, vector<16xf32>
      %parallel_loop3A_676 = arith.constant 1 : i32
      %parallel_loop3A_677 = vector.broadcast %parallel_loop3A_676 : i32 to vector<16xi32>
      %parallel_loop3A_678 = arith.addi %parallel_loop3A_663, %parallel_loop3A_677 : vector<16xi32>
      %parallel_loop3A_679 = arith.addi %parallel_loop3A_640, %parallel_loop3A_678 : vector<16xi32>
      %parallel_loop3A_680 = arith.select %parallel_loop3A_643, %parallel_loop3A_679, %parallel_loop3A_640 : vector<16xi1>, vector<16xi32>
      %parallel_loop3A_681 = arith.constant 1.000000e+00 : f32
      %parallel_loop3A_682 = vector.broadcast %parallel_loop3A_681 : f32 to vector<16xf32>
      %parallel_loop3A_683 = arith.cmpf olt, %parallel_loop3A_675, %parallel_loop3A_682 : vector<16xf32>
      %parallel_loop3A_684 = arith.constant 0x4B800000 : f32
      %parallel_loop3A_685 = vector.broadcast %parallel_loop3A_684 : f32 to vector<16xf32>
      %parallel_loop3A_686 = arith.mulf %parallel_loop3A_675, %parallel_loop3A_685 : vector<16xf32>
      %parallel_loop3A_687 = arith.fptosi %parallel_loop3A_686 : vector<16xf32> to vector<16xi32>
      %parallel_loop3A_688 = arith.constant 16777215 : i32
      %parallel_loop3A_689 = vector.broadcast %parallel_loop3A_688 : i32 to vector<16xi32>
      %parallel_loop3A_690 = arith.subi %parallel_loop3A_689, %parallel_loop3A_687 : vector<16xi32>
      %parallel_loop3A_691 = arith.sitofp %parallel_loop3A_690 : vector<16xi32> to vector<16xf32>
      %parallel_loop3A_692 = arith.constant 5.9604713E-6 : f32
      %parallel_loop3A_693 = vector.broadcast %parallel_loop3A_692 : f32 to vector<16xf32>
      %parallel_loop3A_694 = arith.mulf %parallel_loop3A_691, %parallel_loop3A_693 : vector<16xf32>
      %parallel_loop3A_695 = arith.fptosi %parallel_loop3A_694 : vector<16xf32> to vector<16xi32>
      %parallel_loop3A_696 = arith.constant 167772 : i32
      %parallel_loop3A_697 = vector.broadcast %parallel_loop3A_696 : i32 to vector<16xi32>
      %parallel_loop3A_698 = arith.muli %parallel_loop3A_695, %parallel_loop3A_697 : vector<16xi32>
      %parallel_loop3A_699 = arith.cmpi sgt, %parallel_loop3A_698, %parallel_loop3A_690 : vector<16xi32>
      %parallel_loop3A_700 = arith.constant 1 : i32
      %parallel_loop3A_701 = vector.broadcast %parallel_loop3A_700 : i32 to vector<16xi32>
      %parallel_loop3A_702 = arith.subi %parallel_loop3A_695, %parallel_loop3A_701 : vector<16xi32>
      %parallel_loop3A_703 = arith.select %parallel_loop3A_699, %parallel_loop3A_702, %parallel_loop3A_695 : vector<16xi1>, vector<16xi32>
      %parallel_loop3A_704 = arith.constant 167772 : i32
      %parallel_loop3A_705 = vector.broadcast %parallel_loop3A_704 : i32 to vector<16xi32>
      %parallel_loop3A_706 = arith.muli %parallel_loop3A_703, %parallel_loop3A_705 : vector<16xi32>
      %parallel_loop3A_707 = arith.addi %parallel_loop3A_687, %parallel_loop3A_706 : vector<16xi32>
      %parallel_loop3A_708 = arith.sitofp %parallel_loop3A_707 : vector<16xi32> to vector<16xf32>
      %parallel_loop3A_709 = arith.constant 5.96046448E-8 : f32
      %parallel_loop3A_710 = vector.broadcast %parallel_loop3A_709 : f32 to vector<16xf32>
      %parallel_loop3A_711 = arith.mulf %parallel_loop3A_708, %parallel_loop3A_710 : vector<16xf32>
      %parallel_loop3A_712 = arith.constant 0.00999999977 : f32
      %parallel_loop3A_713 = vector.broadcast %parallel_loop3A_712 : f32 to vector<16xf32>
      %parallel_loop3A_714 = arith.addf %parallel_loop3A_711, %parallel_loop3A_713 : vector<16xf32>
      %parallel_loop3A_715 = arith.select %parallel_loop3A_683, %parallel_loop3A_714, %parallel_loop3A_675 : vector<16xi1>, vector<16xf32>
      %parallel_loop3A_716 = arith.constant 1 : i32
      %parallel_loop3A_717 = vector.broadcast %parallel_loop3A_716 : i32 to vector<16xi32>
      %parallel_loop3A_718 = arith.addi %parallel_loop3A_703, %parallel_loop3A_717 : vector<16xi32>
      %parallel_loop3A_719 = arith.addi %parallel_loop3A_680, %parallel_loop3A_718 : vector<16xi32>
      %parallel_loop3A_720 = arith.select %parallel_loop3A_683, %parallel_loop3A_719, %parallel_loop3A_680 : vector<16xi1>, vector<16xi32>
      %parallel_loop3A_721 = arith.constant 2.000000e+00 : f32
      %parallel_loop3A_722 = vector.broadcast %parallel_loop3A_721 : f32 to vector<16xf32>
      %parallel_loop3A_723 = arith.cmpf olt, %parallel_loop3A_715, %parallel_loop3A_722 : vector<16xf32>
      %parallel_loop3A_724 = arith.constant 0x4B000000 : f32
      %parallel_loop3A_725 = vector.broadcast %parallel_loop3A_724 : f32 to vector<16xf32>
      %parallel_loop3A_726 = arith.mulf %parallel_loop3A_715, %parallel_loop3A_725 : vector<16xf32>
      %parallel_loop3A_727 = arith.fptosi %parallel_loop3A_726 : vector<16xf32> to vector<16xi32>
      %parallel_loop3A_728 = arith.constant 16777215 : i32
      %parallel_loop3A_729 = vector.broadcast %parallel_loop3A_728 : i32 to vector<16xi32>
      %parallel_loop3A_730 = arith.subi %parallel_loop3A_729, %parallel_loop3A_727 : vector<16xi32>
      %parallel_loop3A_731 = arith.sitofp %parallel_loop3A_730 : vector<16xi32> to vector<16xf32>
      %parallel_loop3A_732 = arith.constant 1.19209426E-5 : f32
      %parallel_loop3A_733 = vector.broadcast %parallel_loop3A_732 : f32 to vector<16xf32>
      %parallel_loop3A_734 = arith.mulf %parallel_loop3A_731, %parallel_loop3A_733 : vector<16xf32>
      %parallel_loop3A_735 = arith.fptosi %parallel_loop3A_734 : vector<16xf32> to vector<16xi32>
      %parallel_loop3A_736 = arith.constant 83886 : i32
      %parallel_loop3A_737 = vector.broadcast %parallel_loop3A_736 : i32 to vector<16xi32>
      %parallel_loop3A_738 = arith.muli %parallel_loop3A_735, %parallel_loop3A_737 : vector<16xi32>
      %parallel_loop3A_739 = arith.cmpi sgt, %parallel_loop3A_738, %parallel_loop3A_730 : vector<16xi32>
      %parallel_loop3A_740 = arith.constant 1 : i32
      %parallel_loop3A_741 = vector.broadcast %parallel_loop3A_740 : i32 to vector<16xi32>
      %parallel_loop3A_742 = arith.subi %parallel_loop3A_735, %parallel_loop3A_741 : vector<16xi32>
      %parallel_loop3A_743 = arith.select %parallel_loop3A_739, %parallel_loop3A_742, %parallel_loop3A_735 : vector<16xi1>, vector<16xi32>
      %parallel_loop3A_744 = arith.constant 83886 : i32
      %parallel_loop3A_745 = vector.broadcast %parallel_loop3A_744 : i32 to vector<16xi32>
      %parallel_loop3A_746 = arith.muli %parallel_loop3A_743, %parallel_loop3A_745 : vector<16xi32>
      %parallel_loop3A_747 = arith.addi %parallel_loop3A_727, %parallel_loop3A_746 : vector<16xi32>
      %parallel_loop3A_748 = arith.sitofp %parallel_loop3A_747 : vector<16xi32> to vector<16xf32>
      %parallel_loop3A_749 = arith.constant 1.1920929E-7 : f32
      %parallel_loop3A_750 = vector.broadcast %parallel_loop3A_749 : f32 to vector<16xf32>
      %parallel_loop3A_751 = arith.mulf %parallel_loop3A_748, %parallel_loop3A_750 : vector<16xf32>
      %parallel_loop3A_752 = arith.constant 0.00999999977 : f32
      %parallel_loop3A_753 = vector.broadcast %parallel_loop3A_752 : f32 to vector<16xf32>
      %parallel_loop3A_754 = arith.addf %parallel_loop3A_751, %parallel_loop3A_753 : vector<16xf32>
      %parallel_loop3A_755 = arith.select %parallel_loop3A_723, %parallel_loop3A_754, %parallel_loop3A_715 : vector<16xi1>, vector<16xf32>
      %parallel_loop3A_756 = arith.constant 1 : i32
      %parallel_loop3A_757 = vector.broadcast %parallel_loop3A_756 : i32 to vector<16xi32>
      %parallel_loop3A_758 = arith.addi %parallel_loop3A_743, %parallel_loop3A_757 : vector<16xi32>
      %parallel_loop3A_759 = arith.addi %parallel_loop3A_720, %parallel_loop3A_758 : vector<16xi32>
      %parallel_loop3A_760 = arith.select %parallel_loop3A_723, %parallel_loop3A_759, %parallel_loop3A_720 : vector<16xi1>, vector<16xi32>
      %parallel_loop3A_761 = arith.constant 4.000000e+00 : f32
      %parallel_loop3A_762 = vector.broadcast %parallel_loop3A_761 : f32 to vector<16xf32>
      %parallel_loop3A_763 = arith.cmpf olt, %parallel_loop3A_755, %parallel_loop3A_762 : vector<16xf32>
      %parallel_loop3A_764 = arith.constant 0x4A800000 : f32
      %parallel_loop3A_765 = vector.broadcast %parallel_loop3A_764 : f32 to vector<16xf32>
      %parallel_loop3A_766 = arith.mulf %parallel_loop3A_755, %parallel_loop3A_765 : vector<16xf32>
      %parallel_loop3A_767 = arith.fptosi %parallel_loop3A_766 : vector<16xf32> to vector<16xi32>
      %parallel_loop3A_768 = arith.constant 16777215 : i32
      %parallel_loop3A_769 = vector.broadcast %parallel_loop3A_768 : i32 to vector<16xi32>
      %parallel_loop3A_770 = arith.subi %parallel_loop3A_769, %parallel_loop3A_767 : vector<16xi32>
      %parallel_loop3A_771 = arith.sitofp %parallel_loop3A_770 : vector<16xi32> to vector<16xf32>
      %parallel_loop3A_772 = arith.constant 2.38418852E-5 : f32
      %parallel_loop3A_773 = vector.broadcast %parallel_loop3A_772 : f32 to vector<16xf32>
      %parallel_loop3A_774 = arith.mulf %parallel_loop3A_771, %parallel_loop3A_773 : vector<16xf32>
      %parallel_loop3A_775 = arith.fptosi %parallel_loop3A_774 : vector<16xf32> to vector<16xi32>
      %parallel_loop3A_776 = arith.constant 41943 : i32
      %parallel_loop3A_777 = vector.broadcast %parallel_loop3A_776 : i32 to vector<16xi32>
      %parallel_loop3A_778 = arith.muli %parallel_loop3A_775, %parallel_loop3A_777 : vector<16xi32>
      %parallel_loop3A_779 = arith.cmpi sgt, %parallel_loop3A_778, %parallel_loop3A_770 : vector<16xi32>
      %parallel_loop3A_780 = arith.constant 1 : i32
      %parallel_loop3A_781 = vector.broadcast %parallel_loop3A_780 : i32 to vector<16xi32>
      %parallel_loop3A_782 = arith.subi %parallel_loop3A_775, %parallel_loop3A_781 : vector<16xi32>
      %parallel_loop3A_783 = arith.select %parallel_loop3A_779, %parallel_loop3A_782, %parallel_loop3A_775 : vector<16xi1>, vector<16xi32>
      %parallel_loop3A_784 = arith.constant 41943 : i32
      %parallel_loop3A_785 = vector.broadcast %parallel_loop3A_784 : i32 to vector<16xi32>
      %parallel_loop3A_786 = arith.muli %parallel_loop3A_783, %parallel_loop3A_785 : vector<16xi32>
      %parallel_loop3A_787 = arith.addi %parallel_loop3A_767, %parallel_loop3A_786 : vector<16xi32>
      %parallel_loop3A_788 = arith.sitofp %parallel_loop3A_787 : vector<16xi32> to vector<16xf32>
      %parallel_loop3A_789 = arith.constant 2.38418579E-7 : f32
      %parallel_loop3A_790 = vector.broadcast %parallel_loop3A_789 : f32 to vector<16xf32>
      %parallel_loop3A_791 = arith.mulf %parallel_loop3A_788, %parallel_loop3A_790 : vector<16xf32>
      %parallel_loop3A_792 = arith.constant 0.00999999977 : f32
      %parallel_loop3A_793 = vector.broadcast %parallel_loop3A_792 : f32 to vector<16xf32>
      %parallel_loop3A_794 = arith.addf %parallel_loop3A_791, %parallel_loop3A_793 : vector<16xf32>
      %parallel_loop3A_795 = arith.select %parallel_loop3A_763, %parallel_loop3A_794, %parallel_loop3A_755 : vector<16xi1>, vector<16xf32>
      %parallel_loop3A_796 = arith.constant 1 : i32
      %parallel_loop3A_797 = vector.broadcast %parallel_loop3A_796 : i32 to vector<16xi32>
      %parallel_loop3A_798 = arith.addi %parallel_loop3A_783, %parallel_loop3A_797 : vector<16xi32>
      %parallel_loop3A_799 = arith.addi %parallel_loop3A_760, %parallel_loop3A_798 : vector<16xi32>
      %parallel_loop3A_800 = arith.select %parallel_loop3A_763, %parallel_loop3A_799, %parallel_loop3A_760 : vector<16xi1>, vector<16xi32>
      %parallel_loop3A_801 = arith.constant 8.000000e+00 : f32
      %parallel_loop3A_802 = vector.broadcast %parallel_loop3A_801 : f32 to vector<16xf32>
      %parallel_loop3A_803 = arith.cmpf olt, %parallel_loop3A_795, %parallel_loop3A_802 : vector<16xf32>
      %parallel_loop3A_804 = arith.constant 0x4A000000 : f32
      %parallel_loop3A_805 = vector.broadcast %parallel_loop3A_804 : f32 to vector<16xf32>
      %parallel_loop3A_806 = arith.mulf %parallel_loop3A_795, %parallel_loop3A_805 : vector<16xf32>
      %parallel_loop3A_807 = arith.fptosi %parallel_loop3A_806 : vector<16xf32> to vector<16xi32>
      %parallel_loop3A_808 = arith.constant 16777215 : i32
      %parallel_loop3A_809 = vector.broadcast %parallel_loop3A_808 : i32 to vector<16xi32>
      %parallel_loop3A_810 = arith.subi %parallel_loop3A_809, %parallel_loop3A_807 : vector<16xi32>
      %parallel_loop3A_811 = arith.sitofp %parallel_loop3A_810 : vector<16xi32> to vector<16xf32>
      %parallel_loop3A_812 = arith.constant 4.76826317E-5 : f32
      %parallel_loop3A_813 = vector.broadcast %parallel_loop3A_812 : f32 to vector<16xf32>
      %parallel_loop3A_814 = arith.mulf %parallel_loop3A_811, %parallel_loop3A_813 : vector<16xf32>
      %parallel_loop3A_815 = arith.fptosi %parallel_loop3A_814 : vector<16xf32> to vector<16xi32>
      %parallel_loop3A_816 = arith.constant 20972 : i32
      %parallel_loop3A_817 = vector.broadcast %parallel_loop3A_816 : i32 to vector<16xi32>
      %parallel_loop3A_818 = arith.muli %parallel_loop3A_815, %parallel_loop3A_817 : vector<16xi32>
      %parallel_loop3A_819 = arith.cmpi sgt, %parallel_loop3A_818, %parallel_loop3A_810 : vector<16xi32>
      %parallel_loop3A_820 = arith.constant 1 : i32
      %parallel_loop3A_821 = vector.broadcast %parallel_loop3A_820 : i32 to vector<16xi32>
      %parallel_loop3A_822 = arith.subi %parallel_loop3A_815, %parallel_loop3A_821 : vector<16xi32>
      %parallel_loop3A_823 = arith.select %parallel_loop3A_819, %parallel_loop3A_822, %parallel_loop3A_815 : vector<16xi1>, vector<16xi32>
      %parallel_loop3A_824 = arith.constant 20972 : i32
      %parallel_loop3A_825 = vector.broadcast %parallel_loop3A_824 : i32 to vector<16xi32>
      %parallel_loop3A_826 = arith.muli %parallel_loop3A_823, %parallel_loop3A_825 : vector<16xi32>
      %parallel_loop3A_827 = arith.addi %parallel_loop3A_807, %parallel_loop3A_826 : vector<16xi32>
      %parallel_loop3A_828 = arith.sitofp %parallel_loop3A_827 : vector<16xi32> to vector<16xf32>
      %parallel_loop3A_829 = arith.constant 4.76837158E-7 : f32
      %parallel_loop3A_830 = vector.broadcast %parallel_loop3A_829 : f32 to vector<16xf32>
      %parallel_loop3A_831 = arith.mulf %parallel_loop3A_828, %parallel_loop3A_830 : vector<16xf32>
      %parallel_loop3A_832 = arith.constant 0.00999999977 : f32
      %parallel_loop3A_833 = vector.broadcast %parallel_loop3A_832 : f32 to vector<16xf32>
      %parallel_loop3A_834 = arith.addf %parallel_loop3A_831, %parallel_loop3A_833 : vector<16xf32>
      %parallel_loop3A_835 = arith.select %parallel_loop3A_803, %parallel_loop3A_834, %parallel_loop3A_795 : vector<16xi1>, vector<16xf32>
      %parallel_loop3A_836 = arith.constant 1 : i32
      %parallel_loop3A_837 = vector.broadcast %parallel_loop3A_836 : i32 to vector<16xi32>
      %parallel_loop3A_838 = arith.addi %parallel_loop3A_823, %parallel_loop3A_837 : vector<16xi32>
      %parallel_loop3A_839 = arith.addi %parallel_loop3A_800, %parallel_loop3A_838 : vector<16xi32>
      %parallel_loop3A_840 = arith.select %parallel_loop3A_803, %parallel_loop3A_839, %parallel_loop3A_800 : vector<16xi1>, vector<16xi32>
      %parallel_loop3A_841 = arith.constant 1.000000e+01 : f32
      %parallel_loop3A_842 = vector.broadcast %parallel_loop3A_841 : f32 to vector<16xf32>
      %parallel_loop3A_843 = arith.cmpf ole, %parallel_loop3A_835, %parallel_loop3A_842 : vector<16xf32>
      %parallel_loop3A_844 = arith.constant 0x49800000 : f32
      %parallel_loop3A_845 = vector.broadcast %parallel_loop3A_844 : f32 to vector<16xf32>
      %parallel_loop3A_846 = arith.mulf %parallel_loop3A_835, %parallel_loop3A_845 : vector<16xf32>
      %parallel_loop3A_847 = arith.fptosi %parallel_loop3A_846 : vector<16xf32> to vector<16xi32>
      %parallel_loop3A_848 = arith.constant 10485760 : i32
      %parallel_loop3A_849 = vector.broadcast %parallel_loop3A_848 : i32 to vector<16xi32>
      %parallel_loop3A_850 = arith.subi %parallel_loop3A_849, %parallel_loop3A_847 : vector<16xi32>
      %parallel_loop3A_851 = arith.sitofp %parallel_loop3A_850 : vector<16xi32> to vector<16xf32>
      %parallel_loop3A_852 = arith.constant 9.53652634E-5 : f32
      %parallel_loop3A_853 = vector.broadcast %parallel_loop3A_852 : f32 to vector<16xf32>
      %parallel_loop3A_854 = arith.mulf %parallel_loop3A_851, %parallel_loop3A_853 : vector<16xf32>
      %parallel_loop3A_855 = arith.fptosi %parallel_loop3A_854 : vector<16xf32> to vector<16xi32>
      %parallel_loop3A_856 = arith.constant 10486 : i32
      %parallel_loop3A_857 = vector.broadcast %parallel_loop3A_856 : i32 to vector<16xi32>
      %parallel_loop3A_858 = arith.muli %parallel_loop3A_855, %parallel_loop3A_857 : vector<16xi32>
      %parallel_loop3A_859 = arith.cmpi sgt, %parallel_loop3A_858, %parallel_loop3A_850 : vector<16xi32>
      %parallel_loop3A_860 = arith.constant 1 : i32
      %parallel_loop3A_861 = vector.broadcast %parallel_loop3A_860 : i32 to vector<16xi32>
      %parallel_loop3A_862 = arith.subi %parallel_loop3A_855, %parallel_loop3A_861 : vector<16xi32>
      %parallel_loop3A_863 = arith.select %parallel_loop3A_859, %parallel_loop3A_862, %parallel_loop3A_855 : vector<16xi1>, vector<16xi32>
      %parallel_loop3A_864 = arith.constant 10486 : i32
      %parallel_loop3A_865 = vector.broadcast %parallel_loop3A_864 : i32 to vector<16xi32>
      %parallel_loop3A_866 = arith.muli %parallel_loop3A_863, %parallel_loop3A_865 : vector<16xi32>
      %parallel_loop3A_867 = arith.addi %parallel_loop3A_847, %parallel_loop3A_866 : vector<16xi32>
      %parallel_loop3A_868 = arith.sitofp %parallel_loop3A_867 : vector<16xi32> to vector<16xf32>
      %parallel_loop3A_869 = arith.constant 9.53674316E-7 : f32
      %parallel_loop3A_870 = vector.broadcast %parallel_loop3A_869 : f32 to vector<16xf32>
      %parallel_loop3A_871 = arith.mulf %parallel_loop3A_868, %parallel_loop3A_870 : vector<16xf32>
      %parallel_loop3A_872 = arith.constant 0.00999999977 : f32
      %parallel_loop3A_873 = vector.broadcast %parallel_loop3A_872 : f32 to vector<16xf32>
      %parallel_loop3A_874 = arith.addf %parallel_loop3A_871, %parallel_loop3A_873 : vector<16xf32>
      %parallel_loop3A_875 = arith.select %parallel_loop3A_843, %parallel_loop3A_874, %parallel_loop3A_835 : vector<16xi1>, vector<16xf32>
      %parallel_loop3A_876 = arith.constant 1 : i32
      %parallel_loop3A_877 = vector.broadcast %parallel_loop3A_876 : i32 to vector<16xi32>
      %parallel_loop3A_878 = arith.addi %parallel_loop3A_863, %parallel_loop3A_877 : vector<16xi32>
      %parallel_loop3A_879 = arith.addi %parallel_loop3A_840, %parallel_loop3A_878 : vector<16xi32>
      %parallel_loop3A_880 = arith.select %parallel_loop3A_843, %parallel_loop3A_879, %parallel_loop3A_840 : vector<16xi1>, vector<16xi32>
      %parallel_loop3A_881 = arith.sitofp %parallel_loop3A_880 : vector<16xi32> to vector<16xf32>
      %parallel_loop3A_882 = arith.constant 1 : i32
      %parallel_loop3A_883 = arith.index_cast %parallel_loop3A_882 : i32 to index
      %parallel_loop3A_884 = arith.index_cast %parallel_loop3A_17 : i32 to index
      %parallel_loop3A_885 = tpu.vector_load %arg7[%parallel_loop3A_883, %parallel_loop3A_884] {strides = array<i32>} : memref<2x512xf32, #tpu.memory_space<vmem>>, vector<1x16xf32>,
      %parallel_loop3A_886 = vector.shape_cast %parallel_loop3A_885 : vector<1x16xf32> to vector<16xf32>
      %parallel_loop3A_887 = vector.shape_cast %parallel_loop3A_881 : vector<16xf32> to vector<1x16xf32>
      tpu.vector_store %arg7[%parallel_loop3A_883, %parallel_loop3A_884], %parallel_loop3A_887 {strides = array<i32>} : memref<2x512xf32, #tpu.memory_space<vmem>>, vector<1x16xf32>,
    } {sc.loop_unroll_factor = 1 : i64, sc.parallel_access}
    "tpu.region"() ({
      %run_scoped3A = tpu.sem_alloc : memref<!tpu.dma_semaphore, #tpu.memory_space<semaphore_mem>>
      %dma_start3A_15 = arith.constant 0 : i32
      %dma_start3A_16 = tpu.memref_slice %arg4[%dma_start3A_15, %mul3A_2] : memref<2x16384xf32, #tpu.memory_space<hbm>> -> memref<2x512xf32, #tpu.memory_space<hbm>>
      %dma_start3A_17 = arith.constant 0 : i32
      %dma_start3A_18 = tpu.memref_slice %arg4[%dma_start3A_17, %mul3A_2] : memref<2x16384xf32, #tpu.memory_space<hbm>> -> memref<2x512xf32, #tpu.memory_space<hbm>>
      tpu.enqueue_dma source(%arg7 : memref<2x512xf32, #tpu.memory_space<vmem>>) target(%dma_start3A_18 : memref<2x512xf32, #tpu.memory_space<hbm>>) target_semaphore(%run_scoped3A : memref<!tpu.dma_semaphore, #tpu.memory_space<semaphore_mem>>)
      %dma_wait3A_19 = arith.constant 0 : i32
      %dma_wait3A_20 = tpu.memref_slice %arg4[%dma_wait3A_19, %mul3A_2] : memref<2x16384xf32, #tpu.memory_space<hbm>> -> memref<2x512xf32, #tpu.memory_space<hbm>>
      %dma_wait3A_21 = arith.constant 0 : i32
      %dma_wait3A_22 = tpu.memref_slice %arg4[%dma_wait3A_21, %mul3A_2] : memref<2x16384xf32, #tpu.memory_space<hbm>> -> memref<2x512xf32, #tpu.memory_space<hbm>>
      tpu.wait_dma2 semaphore(%run_scoped3A : memref<!tpu.dma_semaphore, #tpu.memory_space<semaphore_mem>>) src(%arg7 : memref<2x512xf32, #tpu.memory_space<vmem>>) dst(%dma_wait3A_22 : memref<2x512xf32, #tpu.memory_space<hbm>>)
      tpu.yield
    }) : () -> ()
    return
  }
}

module attributes {stable_mosaic.version = 14 : i64} {
  func.func @_mlp_body(%arg0: memref<2x128x128xf32, #tpu.memory_space<vmem>>, %arg1: memref<2x64xf32, #tpu.memory_space<smem>>, %arg2: memref<64xf32, #tpu.memory_space<smem>>, %arg3: memref<64x1xf32, #tpu.memory_space<smem>>, %arg4: memref<1xf32, #tpu.memory_space<smem>>, %arg5: memref<128x128xf32, #tpu.memory_space<vmem>>) attributes {dimension_semantics = [], scalar_prefetch = 0 : i64, scratch_operands = 0 : i64, tpu.core_type = #tpu.core_type<tc>} {
    %get3A = arith.constant 0 : index
    %get3A_0 = arith.constant 0 : index
    %get3A_1 = arith.constant 0 : index
    %get3A_2 = vector.load %arg0[%get3A, %get3A_0, %get3A_1] : memref<2x128x128xf32, #tpu.memory_space<vmem>>, vector<1x128x128xf32>
    %get3A_3 = vector.shape_cast %get3A_2 : vector<1x128x128xf32> to vector<128x128xf32>
    %get3A_4 = arith.constant 1 : index
    %get3A_5 = arith.constant 0 : index
    %get3A_6 = arith.constant 0 : index
    %get3A_7 = vector.load %arg0[%get3A_4, %get3A_5, %get3A_6] : memref<2x128x128xf32, #tpu.memory_space<vmem>>, vector<1x128x128xf32>
    %get3A_8 = vector.shape_cast %get3A_7 : vector<1x128x128xf32> to vector<128x128xf32>
    %broadcast_in_dim3A = arith.constant 0.000000e+00 : f32
    %broadcast_in_dim3A_9 = vector.broadcast %broadcast_in_dim3A : f32 to vector<128x128xf32>
    %get3A_10 = arith.constant 0 : index
    %get3A_11 = arith.constant 0 : index
    %get3A_12 = memref.load %arg1[%get3A_10, %get3A_11] : memref<2x64xf32, #tpu.memory_space<smem>>
    %mul3A = vector.broadcast %get3A_12 : f32 to vector<128x128xf32>
    %mul3A_13 = arith.mulf %get3A_3, %mul3A : vector<128x128xf32>
    %get3A_14 = arith.constant 1 : index
    %get3A_15 = arith.constant 0 : index
    %get3A_16 = memref.load %arg1[%get3A_14, %get3A_15] : memref<2x64xf32, #tpu.memory_space<smem>>
    %mul3A_17 = vector.broadcast %get3A_16 : f32 to vector<128x128xf32>
    %mul3A_18 = arith.mulf %get3A_8, %mul3A_17 : vector<128x128xf32>
    %add3A = arith.addf %mul3A_13, %mul3A_18 : vector<128x128xf32>
    %get3A_19 = arith.constant 0 : index
    %get3A_20 = memref.load %arg2[%get3A_19] : memref<64xf32, #tpu.memory_space<smem>>
    %add3A_21 = vector.broadcast %get3A_20 : f32 to vector<128x128xf32>
    %add3A_22 = arith.addf %add3A, %add3A_21 : vector<128x128xf32>
    %max3A = arith.constant 0.000000e+00 : f32
    %max3A_23 = vector.broadcast %max3A : f32 to vector<128x128xf32>
    %max3A_24 = arith.maximumf %add3A_22, %max3A_23 : vector<128x128xf32>
    %get3A_25 = arith.constant 0 : index
    %get3A_26 = arith.constant 0 : index
    %get3A_27 = memref.load %arg3[%get3A_25, %get3A_26] : memref<64x1xf32, #tpu.memory_space<smem>>
    %mul3A_28 = vector.broadcast %get3A_27 : f32 to vector<128x128xf32>
    %mul3A_29 = arith.mulf %max3A_24, %mul3A_28 : vector<128x128xf32>
    %add3A_30 = arith.addf %broadcast_in_dim3A_9, %mul3A_29 : vector<128x128xf32>
    %get3A_31 = arith.constant 0 : index
    %get3A_32 = arith.constant 1 : index
    %get3A_33 = memref.load %arg1[%get3A_31, %get3A_32] : memref<2x64xf32, #tpu.memory_space<smem>>
    %mul3A_34 = vector.broadcast %get3A_33 : f32 to vector<128x128xf32>
    %mul3A_35 = arith.mulf %get3A_3, %mul3A_34 : vector<128x128xf32>
    %get3A_36 = arith.constant 1 : index
    %get3A_37 = arith.constant 1 : index
    %get3A_38 = memref.load %arg1[%get3A_36, %get3A_37] : memref<2x64xf32, #tpu.memory_space<smem>>
    %mul3A_39 = vector.broadcast %get3A_38 : f32 to vector<128x128xf32>
    %mul3A_40 = arith.mulf %get3A_8, %mul3A_39 : vector<128x128xf32>
    %add3A_41 = arith.addf %mul3A_35, %mul3A_40 : vector<128x128xf32>
    %get3A_42 = arith.constant 1 : index
    %get3A_43 = memref.load %arg2[%get3A_42] : memref<64xf32, #tpu.memory_space<smem>>
    %add3A_44 = vector.broadcast %get3A_43 : f32 to vector<128x128xf32>
    %add3A_45 = arith.addf %add3A_41, %add3A_44 : vector<128x128xf32>
    %max3A_46 = arith.constant 0.000000e+00 : f32
    %max3A_47 = vector.broadcast %max3A_46 : f32 to vector<128x128xf32>
    %max3A_48 = arith.maximumf %add3A_45, %max3A_47 : vector<128x128xf32>
    %get3A_49 = arith.constant 1 : index
    %get3A_50 = arith.constant 0 : index
    %get3A_51 = memref.load %arg3[%get3A_49, %get3A_50] : memref<64x1xf32, #tpu.memory_space<smem>>
    %mul3A_52 = vector.broadcast %get3A_51 : f32 to vector<128x128xf32>
    %mul3A_53 = arith.mulf %max3A_48, %mul3A_52 : vector<128x128xf32>
    %add3A_54 = arith.addf %add3A_30, %mul3A_53 : vector<128x128xf32>
    %get3A_55 = arith.constant 0 : index
    %get3A_56 = arith.constant 2 : index
    %get3A_57 = memref.load %arg1[%get3A_55, %get3A_56] : memref<2x64xf32, #tpu.memory_space<smem>>
    %mul3A_58 = vector.broadcast %get3A_57 : f32 to vector<128x128xf32>
    %mul3A_59 = arith.mulf %get3A_3, %mul3A_58 : vector<128x128xf32>
    %get3A_60 = arith.constant 1 : index
    %get3A_61 = arith.constant 2 : index
    %get3A_62 = memref.load %arg1[%get3A_60, %get3A_61] : memref<2x64xf32, #tpu.memory_space<smem>>
    %mul3A_63 = vector.broadcast %get3A_62 : f32 to vector<128x128xf32>
    %mul3A_64 = arith.mulf %get3A_8, %mul3A_63 : vector<128x128xf32>
    %add3A_65 = arith.addf %mul3A_59, %mul3A_64 : vector<128x128xf32>
    %get3A_66 = arith.constant 2 : index
    %get3A_67 = memref.load %arg2[%get3A_66] : memref<64xf32, #tpu.memory_space<smem>>
    %add3A_68 = vector.broadcast %get3A_67 : f32 to vector<128x128xf32>
    %add3A_69 = arith.addf %add3A_65, %add3A_68 : vector<128x128xf32>
    %max3A_70 = arith.constant 0.000000e+00 : f32
    %max3A_71 = vector.broadcast %max3A_70 : f32 to vector<128x128xf32>
    %max3A_72 = arith.maximumf %add3A_69, %max3A_71 : vector<128x128xf32>
    %get3A_73 = arith.constant 2 : index
    %get3A_74 = arith.constant 0 : index
    %get3A_75 = memref.load %arg3[%get3A_73, %get3A_74] : memref<64x1xf32, #tpu.memory_space<smem>>
    %mul3A_76 = vector.broadcast %get3A_75 : f32 to vector<128x128xf32>
    %mul3A_77 = arith.mulf %max3A_72, %mul3A_76 : vector<128x128xf32>
    %add3A_78 = arith.addf %add3A_54, %mul3A_77 : vector<128x128xf32>
    %get3A_79 = arith.constant 0 : index
    %get3A_80 = arith.constant 3 : index
    %get3A_81 = memref.load %arg1[%get3A_79, %get3A_80] : memref<2x64xf32, #tpu.memory_space<smem>>
    %mul3A_82 = vector.broadcast %get3A_81 : f32 to vector<128x128xf32>
    %mul3A_83 = arith.mulf %get3A_3, %mul3A_82 : vector<128x128xf32>
    %get3A_84 = arith.constant 1 : index
    %get3A_85 = arith.constant 3 : index
    %get3A_86 = memref.load %arg1[%get3A_84, %get3A_85] : memref<2x64xf32, #tpu.memory_space<smem>>
    %mul3A_87 = vector.broadcast %get3A_86 : f32 to vector<128x128xf32>
    %mul3A_88 = arith.mulf %get3A_8, %mul3A_87 : vector<128x128xf32>
    %add3A_89 = arith.addf %mul3A_83, %mul3A_88 : vector<128x128xf32>
    %get3A_90 = arith.constant 3 : index
    %get3A_91 = memref.load %arg2[%get3A_90] : memref<64xf32, #tpu.memory_space<smem>>
    %add3A_92 = vector.broadcast %get3A_91 : f32 to vector<128x128xf32>
    %add3A_93 = arith.addf %add3A_89, %add3A_92 : vector<128x128xf32>
    %max3A_94 = arith.constant 0.000000e+00 : f32
    %max3A_95 = vector.broadcast %max3A_94 : f32 to vector<128x128xf32>
    %max3A_96 = arith.maximumf %add3A_93, %max3A_95 : vector<128x128xf32>
    %get3A_97 = arith.constant 3 : index
    %get3A_98 = arith.constant 0 : index
    %get3A_99 = memref.load %arg3[%get3A_97, %get3A_98] : memref<64x1xf32, #tpu.memory_space<smem>>
    %mul3A_100 = vector.broadcast %get3A_99 : f32 to vector<128x128xf32>
    %mul3A_101 = arith.mulf %max3A_96, %mul3A_100 : vector<128x128xf32>
    %add3A_102 = arith.addf %add3A_78, %mul3A_101 : vector<128x128xf32>
    %get3A_103 = arith.constant 0 : index
    %get3A_104 = arith.constant 4 : index
    %get3A_105 = memref.load %arg1[%get3A_103, %get3A_104] : memref<2x64xf32, #tpu.memory_space<smem>>
    %mul3A_106 = vector.broadcast %get3A_105 : f32 to vector<128x128xf32>
    %mul3A_107 = arith.mulf %get3A_3, %mul3A_106 : vector<128x128xf32>
    %get3A_108 = arith.constant 1 : index
    %get3A_109 = arith.constant 4 : index
    %get3A_110 = memref.load %arg1[%get3A_108, %get3A_109] : memref<2x64xf32, #tpu.memory_space<smem>>
    %mul3A_111 = vector.broadcast %get3A_110 : f32 to vector<128x128xf32>
    %mul3A_112 = arith.mulf %get3A_8, %mul3A_111 : vector<128x128xf32>
    %add3A_113 = arith.addf %mul3A_107, %mul3A_112 : vector<128x128xf32>
    %get3A_114 = arith.constant 4 : index
    %get3A_115 = memref.load %arg2[%get3A_114] : memref<64xf32, #tpu.memory_space<smem>>
    %add3A_116 = vector.broadcast %get3A_115 : f32 to vector<128x128xf32>
    %add3A_117 = arith.addf %add3A_113, %add3A_116 : vector<128x128xf32>
    %max3A_118 = arith.constant 0.000000e+00 : f32
    %max3A_119 = vector.broadcast %max3A_118 : f32 to vector<128x128xf32>
    %max3A_120 = arith.maximumf %add3A_117, %max3A_119 : vector<128x128xf32>
    %get3A_121 = arith.constant 4 : index
    %get3A_122 = arith.constant 0 : index
    %get3A_123 = memref.load %arg3[%get3A_121, %get3A_122] : memref<64x1xf32, #tpu.memory_space<smem>>
    %mul3A_124 = vector.broadcast %get3A_123 : f32 to vector<128x128xf32>
    %mul3A_125 = arith.mulf %max3A_120, %mul3A_124 : vector<128x128xf32>
    %add3A_126 = arith.addf %add3A_102, %mul3A_125 : vector<128x128xf32>
    %get3A_127 = arith.constant 0 : index
    %get3A_128 = arith.constant 5 : index
    %get3A_129 = memref.load %arg1[%get3A_127, %get3A_128] : memref<2x64xf32, #tpu.memory_space<smem>>
    %mul3A_130 = vector.broadcast %get3A_129 : f32 to vector<128x128xf32>
    %mul3A_131 = arith.mulf %get3A_3, %mul3A_130 : vector<128x128xf32>
    %get3A_132 = arith.constant 1 : index
    %get3A_133 = arith.constant 5 : index
    %get3A_134 = memref.load %arg1[%get3A_132, %get3A_133] : memref<2x64xf32, #tpu.memory_space<smem>>
    %mul3A_135 = vector.broadcast %get3A_134 : f32 to vector<128x128xf32>
    %mul3A_136 = arith.mulf %get3A_8, %mul3A_135 : vector<128x128xf32>
    %add3A_137 = arith.addf %mul3A_131, %mul3A_136 : vector<128x128xf32>
    %get3A_138 = arith.constant 5 : index
    %get3A_139 = memref.load %arg2[%get3A_138] : memref<64xf32, #tpu.memory_space<smem>>
    %add3A_140 = vector.broadcast %get3A_139 : f32 to vector<128x128xf32>
    %add3A_141 = arith.addf %add3A_137, %add3A_140 : vector<128x128xf32>
    %max3A_142 = arith.constant 0.000000e+00 : f32
    %max3A_143 = vector.broadcast %max3A_142 : f32 to vector<128x128xf32>
    %max3A_144 = arith.maximumf %add3A_141, %max3A_143 : vector<128x128xf32>
    %get3A_145 = arith.constant 5 : index
    %get3A_146 = arith.constant 0 : index
    %get3A_147 = memref.load %arg3[%get3A_145, %get3A_146] : memref<64x1xf32, #tpu.memory_space<smem>>
    %mul3A_148 = vector.broadcast %get3A_147 : f32 to vector<128x128xf32>
    %mul3A_149 = arith.mulf %max3A_144, %mul3A_148 : vector<128x128xf32>
    %add3A_150 = arith.addf %add3A_126, %mul3A_149 : vector<128x128xf32>
    %get3A_151 = arith.constant 0 : index
    %get3A_152 = arith.constant 6 : index
    %get3A_153 = memref.load %arg1[%get3A_151, %get3A_152] : memref<2x64xf32, #tpu.memory_space<smem>>
    %mul3A_154 = vector.broadcast %get3A_153 : f32 to vector<128x128xf32>
    %mul3A_155 = arith.mulf %get3A_3, %mul3A_154 : vector<128x128xf32>
    %get3A_156 = arith.constant 1 : index
    %get3A_157 = arith.constant 6 : index
    %get3A_158 = memref.load %arg1[%get3A_156, %get3A_157] : memref<2x64xf32, #tpu.memory_space<smem>>
    %mul3A_159 = vector.broadcast %get3A_158 : f32 to vector<128x128xf32>
    %mul3A_160 = arith.mulf %get3A_8, %mul3A_159 : vector<128x128xf32>
    %add3A_161 = arith.addf %mul3A_155, %mul3A_160 : vector<128x128xf32>
    %get3A_162 = arith.constant 6 : index
    %get3A_163 = memref.load %arg2[%get3A_162] : memref<64xf32, #tpu.memory_space<smem>>
    %add3A_164 = vector.broadcast %get3A_163 : f32 to vector<128x128xf32>
    %add3A_165 = arith.addf %add3A_161, %add3A_164 : vector<128x128xf32>
    %max3A_166 = arith.constant 0.000000e+00 : f32
    %max3A_167 = vector.broadcast %max3A_166 : f32 to vector<128x128xf32>
    %max3A_168 = arith.maximumf %add3A_165, %max3A_167 : vector<128x128xf32>
    %get3A_169 = arith.constant 6 : index
    %get3A_170 = arith.constant 0 : index
    %get3A_171 = memref.load %arg3[%get3A_169, %get3A_170] : memref<64x1xf32, #tpu.memory_space<smem>>
    %mul3A_172 = vector.broadcast %get3A_171 : f32 to vector<128x128xf32>
    %mul3A_173 = arith.mulf %max3A_168, %mul3A_172 : vector<128x128xf32>
    %add3A_174 = arith.addf %add3A_150, %mul3A_173 : vector<128x128xf32>
    %get3A_175 = arith.constant 0 : index
    %get3A_176 = arith.constant 7 : index
    %get3A_177 = memref.load %arg1[%get3A_175, %get3A_176] : memref<2x64xf32, #tpu.memory_space<smem>>
    %mul3A_178 = vector.broadcast %get3A_177 : f32 to vector<128x128xf32>
    %mul3A_179 = arith.mulf %get3A_3, %mul3A_178 : vector<128x128xf32>
    %get3A_180 = arith.constant 1 : index
    %get3A_181 = arith.constant 7 : index
    %get3A_182 = memref.load %arg1[%get3A_180, %get3A_181] : memref<2x64xf32, #tpu.memory_space<smem>>
    %mul3A_183 = vector.broadcast %get3A_182 : f32 to vector<128x128xf32>
    %mul3A_184 = arith.mulf %get3A_8, %mul3A_183 : vector<128x128xf32>
    %add3A_185 = arith.addf %mul3A_179, %mul3A_184 : vector<128x128xf32>
    %get3A_186 = arith.constant 7 : index
    %get3A_187 = memref.load %arg2[%get3A_186] : memref<64xf32, #tpu.memory_space<smem>>
    %add3A_188 = vector.broadcast %get3A_187 : f32 to vector<128x128xf32>
    %add3A_189 = arith.addf %add3A_185, %add3A_188 : vector<128x128xf32>
    %max3A_190 = arith.constant 0.000000e+00 : f32
    %max3A_191 = vector.broadcast %max3A_190 : f32 to vector<128x128xf32>
    %max3A_192 = arith.maximumf %add3A_189, %max3A_191 : vector<128x128xf32>
    %get3A_193 = arith.constant 7 : index
    %get3A_194 = arith.constant 0 : index
    %get3A_195 = memref.load %arg3[%get3A_193, %get3A_194] : memref<64x1xf32, #tpu.memory_space<smem>>
    %mul3A_196 = vector.broadcast %get3A_195 : f32 to vector<128x128xf32>
    %mul3A_197 = arith.mulf %max3A_192, %mul3A_196 : vector<128x128xf32>
    %add3A_198 = arith.addf %add3A_174, %mul3A_197 : vector<128x128xf32>
    %get3A_199 = arith.constant 0 : index
    %get3A_200 = arith.constant 8 : index
    %get3A_201 = memref.load %arg1[%get3A_199, %get3A_200] : memref<2x64xf32, #tpu.memory_space<smem>>
    %mul3A_202 = vector.broadcast %get3A_201 : f32 to vector<128x128xf32>
    %mul3A_203 = arith.mulf %get3A_3, %mul3A_202 : vector<128x128xf32>
    %get3A_204 = arith.constant 1 : index
    %get3A_205 = arith.constant 8 : index
    %get3A_206 = memref.load %arg1[%get3A_204, %get3A_205] : memref<2x64xf32, #tpu.memory_space<smem>>
    %mul3A_207 = vector.broadcast %get3A_206 : f32 to vector<128x128xf32>
    %mul3A_208 = arith.mulf %get3A_8, %mul3A_207 : vector<128x128xf32>
    %add3A_209 = arith.addf %mul3A_203, %mul3A_208 : vector<128x128xf32>
    %get3A_210 = arith.constant 8 : index
    %get3A_211 = memref.load %arg2[%get3A_210] : memref<64xf32, #tpu.memory_space<smem>>
    %add3A_212 = vector.broadcast %get3A_211 : f32 to vector<128x128xf32>
    %add3A_213 = arith.addf %add3A_209, %add3A_212 : vector<128x128xf32>
    %max3A_214 = arith.constant 0.000000e+00 : f32
    %max3A_215 = vector.broadcast %max3A_214 : f32 to vector<128x128xf32>
    %max3A_216 = arith.maximumf %add3A_213, %max3A_215 : vector<128x128xf32>
    %get3A_217 = arith.constant 8 : index
    %get3A_218 = arith.constant 0 : index
    %get3A_219 = memref.load %arg3[%get3A_217, %get3A_218] : memref<64x1xf32, #tpu.memory_space<smem>>
    %mul3A_220 = vector.broadcast %get3A_219 : f32 to vector<128x128xf32>
    %mul3A_221 = arith.mulf %max3A_216, %mul3A_220 : vector<128x128xf32>
    %add3A_222 = arith.addf %add3A_198, %mul3A_221 : vector<128x128xf32>
    %get3A_223 = arith.constant 0 : index
    %get3A_224 = arith.constant 9 : index
    %get3A_225 = memref.load %arg1[%get3A_223, %get3A_224] : memref<2x64xf32, #tpu.memory_space<smem>>
    %mul3A_226 = vector.broadcast %get3A_225 : f32 to vector<128x128xf32>
    %mul3A_227 = arith.mulf %get3A_3, %mul3A_226 : vector<128x128xf32>
    %get3A_228 = arith.constant 1 : index
    %get3A_229 = arith.constant 9 : index
    %get3A_230 = memref.load %arg1[%get3A_228, %get3A_229] : memref<2x64xf32, #tpu.memory_space<smem>>
    %mul3A_231 = vector.broadcast %get3A_230 : f32 to vector<128x128xf32>
    %mul3A_232 = arith.mulf %get3A_8, %mul3A_231 : vector<128x128xf32>
    %add3A_233 = arith.addf %mul3A_227, %mul3A_232 : vector<128x128xf32>
    %get3A_234 = arith.constant 9 : index
    %get3A_235 = memref.load %arg2[%get3A_234] : memref<64xf32, #tpu.memory_space<smem>>
    %add3A_236 = vector.broadcast %get3A_235 : f32 to vector<128x128xf32>
    %add3A_237 = arith.addf %add3A_233, %add3A_236 : vector<128x128xf32>
    %max3A_238 = arith.constant 0.000000e+00 : f32
    %max3A_239 = vector.broadcast %max3A_238 : f32 to vector<128x128xf32>
    %max3A_240 = arith.maximumf %add3A_237, %max3A_239 : vector<128x128xf32>
    %get3A_241 = arith.constant 9 : index
    %get3A_242 = arith.constant 0 : index
    %get3A_243 = memref.load %arg3[%get3A_241, %get3A_242] : memref<64x1xf32, #tpu.memory_space<smem>>
    %mul3A_244 = vector.broadcast %get3A_243 : f32 to vector<128x128xf32>
    %mul3A_245 = arith.mulf %max3A_240, %mul3A_244 : vector<128x128xf32>
    %add3A_246 = arith.addf %add3A_222, %mul3A_245 : vector<128x128xf32>
    %get3A_247 = arith.constant 0 : index
    %get3A_248 = arith.constant 10 : index
    %get3A_249 = memref.load %arg1[%get3A_247, %get3A_248] : memref<2x64xf32, #tpu.memory_space<smem>>
    %mul3A_250 = vector.broadcast %get3A_249 : f32 to vector<128x128xf32>
    %mul3A_251 = arith.mulf %get3A_3, %mul3A_250 : vector<128x128xf32>
    %get3A_252 = arith.constant 1 : index
    %get3A_253 = arith.constant 10 : index
    %get3A_254 = memref.load %arg1[%get3A_252, %get3A_253] : memref<2x64xf32, #tpu.memory_space<smem>>
    %mul3A_255 = vector.broadcast %get3A_254 : f32 to vector<128x128xf32>
    %mul3A_256 = arith.mulf %get3A_8, %mul3A_255 : vector<128x128xf32>
    %add3A_257 = arith.addf %mul3A_251, %mul3A_256 : vector<128x128xf32>
    %get3A_258 = arith.constant 10 : index
    %get3A_259 = memref.load %arg2[%get3A_258] : memref<64xf32, #tpu.memory_space<smem>>
    %add3A_260 = vector.broadcast %get3A_259 : f32 to vector<128x128xf32>
    %add3A_261 = arith.addf %add3A_257, %add3A_260 : vector<128x128xf32>
    %max3A_262 = arith.constant 0.000000e+00 : f32
    %max3A_263 = vector.broadcast %max3A_262 : f32 to vector<128x128xf32>
    %max3A_264 = arith.maximumf %add3A_261, %max3A_263 : vector<128x128xf32>
    %get3A_265 = arith.constant 10 : index
    %get3A_266 = arith.constant 0 : index
    %get3A_267 = memref.load %arg3[%get3A_265, %get3A_266] : memref<64x1xf32, #tpu.memory_space<smem>>
    %mul3A_268 = vector.broadcast %get3A_267 : f32 to vector<128x128xf32>
    %mul3A_269 = arith.mulf %max3A_264, %mul3A_268 : vector<128x128xf32>
    %add3A_270 = arith.addf %add3A_246, %mul3A_269 : vector<128x128xf32>
    %get3A_271 = arith.constant 0 : index
    %get3A_272 = arith.constant 11 : index
    %get3A_273 = memref.load %arg1[%get3A_271, %get3A_272] : memref<2x64xf32, #tpu.memory_space<smem>>
    %mul3A_274 = vector.broadcast %get3A_273 : f32 to vector<128x128xf32>
    %mul3A_275 = arith.mulf %get3A_3, %mul3A_274 : vector<128x128xf32>
    %get3A_276 = arith.constant 1 : index
    %get3A_277 = arith.constant 11 : index
    %get3A_278 = memref.load %arg1[%get3A_276, %get3A_277] : memref<2x64xf32, #tpu.memory_space<smem>>
    %mul3A_279 = vector.broadcast %get3A_278 : f32 to vector<128x128xf32>
    %mul3A_280 = arith.mulf %get3A_8, %mul3A_279 : vector<128x128xf32>
    %add3A_281 = arith.addf %mul3A_275, %mul3A_280 : vector<128x128xf32>
    %get3A_282 = arith.constant 11 : index
    %get3A_283 = memref.load %arg2[%get3A_282] : memref<64xf32, #tpu.memory_space<smem>>
    %add3A_284 = vector.broadcast %get3A_283 : f32 to vector<128x128xf32>
    %add3A_285 = arith.addf %add3A_281, %add3A_284 : vector<128x128xf32>
    %max3A_286 = arith.constant 0.000000e+00 : f32
    %max3A_287 = vector.broadcast %max3A_286 : f32 to vector<128x128xf32>
    %max3A_288 = arith.maximumf %add3A_285, %max3A_287 : vector<128x128xf32>
    %get3A_289 = arith.constant 11 : index
    %get3A_290 = arith.constant 0 : index
    %get3A_291 = memref.load %arg3[%get3A_289, %get3A_290] : memref<64x1xf32, #tpu.memory_space<smem>>
    %mul3A_292 = vector.broadcast %get3A_291 : f32 to vector<128x128xf32>
    %mul3A_293 = arith.mulf %max3A_288, %mul3A_292 : vector<128x128xf32>
    %add3A_294 = arith.addf %add3A_270, %mul3A_293 : vector<128x128xf32>
    %get3A_295 = arith.constant 0 : index
    %get3A_296 = arith.constant 12 : index
    %get3A_297 = memref.load %arg1[%get3A_295, %get3A_296] : memref<2x64xf32, #tpu.memory_space<smem>>
    %mul3A_298 = vector.broadcast %get3A_297 : f32 to vector<128x128xf32>
    %mul3A_299 = arith.mulf %get3A_3, %mul3A_298 : vector<128x128xf32>
    %get3A_300 = arith.constant 1 : index
    %get3A_301 = arith.constant 12 : index
    %get3A_302 = memref.load %arg1[%get3A_300, %get3A_301] : memref<2x64xf32, #tpu.memory_space<smem>>
    %mul3A_303 = vector.broadcast %get3A_302 : f32 to vector<128x128xf32>
    %mul3A_304 = arith.mulf %get3A_8, %mul3A_303 : vector<128x128xf32>
    %add3A_305 = arith.addf %mul3A_299, %mul3A_304 : vector<128x128xf32>
    %get3A_306 = arith.constant 12 : index
    %get3A_307 = memref.load %arg2[%get3A_306] : memref<64xf32, #tpu.memory_space<smem>>
    %add3A_308 = vector.broadcast %get3A_307 : f32 to vector<128x128xf32>
    %add3A_309 = arith.addf %add3A_305, %add3A_308 : vector<128x128xf32>
    %max3A_310 = arith.constant 0.000000e+00 : f32
    %max3A_311 = vector.broadcast %max3A_310 : f32 to vector<128x128xf32>
    %max3A_312 = arith.maximumf %add3A_309, %max3A_311 : vector<128x128xf32>
    %get3A_313 = arith.constant 12 : index
    %get3A_314 = arith.constant 0 : index
    %get3A_315 = memref.load %arg3[%get3A_313, %get3A_314] : memref<64x1xf32, #tpu.memory_space<smem>>
    %mul3A_316 = vector.broadcast %get3A_315 : f32 to vector<128x128xf32>
    %mul3A_317 = arith.mulf %max3A_312, %mul3A_316 : vector<128x128xf32>
    %add3A_318 = arith.addf %add3A_294, %mul3A_317 : vector<128x128xf32>
    %get3A_319 = arith.constant 0 : index
    %get3A_320 = arith.constant 13 : index
    %get3A_321 = memref.load %arg1[%get3A_319, %get3A_320] : memref<2x64xf32, #tpu.memory_space<smem>>
    %mul3A_322 = vector.broadcast %get3A_321 : f32 to vector<128x128xf32>
    %mul3A_323 = arith.mulf %get3A_3, %mul3A_322 : vector<128x128xf32>
    %get3A_324 = arith.constant 1 : index
    %get3A_325 = arith.constant 13 : index
    %get3A_326 = memref.load %arg1[%get3A_324, %get3A_325] : memref<2x64xf32, #tpu.memory_space<smem>>
    %mul3A_327 = vector.broadcast %get3A_326 : f32 to vector<128x128xf32>
    %mul3A_328 = arith.mulf %get3A_8, %mul3A_327 : vector<128x128xf32>
    %add3A_329 = arith.addf %mul3A_323, %mul3A_328 : vector<128x128xf32>
    %get3A_330 = arith.constant 13 : index
    %get3A_331 = memref.load %arg2[%get3A_330] : memref<64xf32, #tpu.memory_space<smem>>
    %add3A_332 = vector.broadcast %get3A_331 : f32 to vector<128x128xf32>
    %add3A_333 = arith.addf %add3A_329, %add3A_332 : vector<128x128xf32>
    %max3A_334 = arith.constant 0.000000e+00 : f32
    %max3A_335 = vector.broadcast %max3A_334 : f32 to vector<128x128xf32>
    %max3A_336 = arith.maximumf %add3A_333, %max3A_335 : vector<128x128xf32>
    %get3A_337 = arith.constant 13 : index
    %get3A_338 = arith.constant 0 : index
    %get3A_339 = memref.load %arg3[%get3A_337, %get3A_338] : memref<64x1xf32, #tpu.memory_space<smem>>
    %mul3A_340 = vector.broadcast %get3A_339 : f32 to vector<128x128xf32>
    %mul3A_341 = arith.mulf %max3A_336, %mul3A_340 : vector<128x128xf32>
    %add3A_342 = arith.addf %add3A_318, %mul3A_341 : vector<128x128xf32>
    %get3A_343 = arith.constant 0 : index
    %get3A_344 = arith.constant 14 : index
    %get3A_345 = memref.load %arg1[%get3A_343, %get3A_344] : memref<2x64xf32, #tpu.memory_space<smem>>
    %mul3A_346 = vector.broadcast %get3A_345 : f32 to vector<128x128xf32>
    %mul3A_347 = arith.mulf %get3A_3, %mul3A_346 : vector<128x128xf32>
    %get3A_348 = arith.constant 1 : index
    %get3A_349 = arith.constant 14 : index
    %get3A_350 = memref.load %arg1[%get3A_348, %get3A_349] : memref<2x64xf32, #tpu.memory_space<smem>>
    %mul3A_351 = vector.broadcast %get3A_350 : f32 to vector<128x128xf32>
    %mul3A_352 = arith.mulf %get3A_8, %mul3A_351 : vector<128x128xf32>
    %add3A_353 = arith.addf %mul3A_347, %mul3A_352 : vector<128x128xf32>
    %get3A_354 = arith.constant 14 : index
    %get3A_355 = memref.load %arg2[%get3A_354] : memref<64xf32, #tpu.memory_space<smem>>
    %add3A_356 = vector.broadcast %get3A_355 : f32 to vector<128x128xf32>
    %add3A_357 = arith.addf %add3A_353, %add3A_356 : vector<128x128xf32>
    %max3A_358 = arith.constant 0.000000e+00 : f32
    %max3A_359 = vector.broadcast %max3A_358 : f32 to vector<128x128xf32>
    %max3A_360 = arith.maximumf %add3A_357, %max3A_359 : vector<128x128xf32>
    %get3A_361 = arith.constant 14 : index
    %get3A_362 = arith.constant 0 : index
    %get3A_363 = memref.load %arg3[%get3A_361, %get3A_362] : memref<64x1xf32, #tpu.memory_space<smem>>
    %mul3A_364 = vector.broadcast %get3A_363 : f32 to vector<128x128xf32>
    %mul3A_365 = arith.mulf %max3A_360, %mul3A_364 : vector<128x128xf32>
    %add3A_366 = arith.addf %add3A_342, %mul3A_365 : vector<128x128xf32>
    %get3A_367 = arith.constant 0 : index
    %get3A_368 = arith.constant 15 : index
    %get3A_369 = memref.load %arg1[%get3A_367, %get3A_368] : memref<2x64xf32, #tpu.memory_space<smem>>
    %mul3A_370 = vector.broadcast %get3A_369 : f32 to vector<128x128xf32>
    %mul3A_371 = arith.mulf %get3A_3, %mul3A_370 : vector<128x128xf32>
    %get3A_372 = arith.constant 1 : index
    %get3A_373 = arith.constant 15 : index
    %get3A_374 = memref.load %arg1[%get3A_372, %get3A_373] : memref<2x64xf32, #tpu.memory_space<smem>>
    %mul3A_375 = vector.broadcast %get3A_374 : f32 to vector<128x128xf32>
    %mul3A_376 = arith.mulf %get3A_8, %mul3A_375 : vector<128x128xf32>
    %add3A_377 = arith.addf %mul3A_371, %mul3A_376 : vector<128x128xf32>
    %get3A_378 = arith.constant 15 : index
    %get3A_379 = memref.load %arg2[%get3A_378] : memref<64xf32, #tpu.memory_space<smem>>
    %add3A_380 = vector.broadcast %get3A_379 : f32 to vector<128x128xf32>
    %add3A_381 = arith.addf %add3A_377, %add3A_380 : vector<128x128xf32>
    %max3A_382 = arith.constant 0.000000e+00 : f32
    %max3A_383 = vector.broadcast %max3A_382 : f32 to vector<128x128xf32>
    %max3A_384 = arith.maximumf %add3A_381, %max3A_383 : vector<128x128xf32>
    %get3A_385 = arith.constant 15 : index
    %get3A_386 = arith.constant 0 : index
    %get3A_387 = memref.load %arg3[%get3A_385, %get3A_386] : memref<64x1xf32, #tpu.memory_space<smem>>
    %mul3A_388 = vector.broadcast %get3A_387 : f32 to vector<128x128xf32>
    %mul3A_389 = arith.mulf %max3A_384, %mul3A_388 : vector<128x128xf32>
    %add3A_390 = arith.addf %add3A_366, %mul3A_389 : vector<128x128xf32>
    %get3A_391 = arith.constant 0 : index
    %get3A_392 = arith.constant 16 : index
    %get3A_393 = memref.load %arg1[%get3A_391, %get3A_392] : memref<2x64xf32, #tpu.memory_space<smem>>
    %mul3A_394 = vector.broadcast %get3A_393 : f32 to vector<128x128xf32>
    %mul3A_395 = arith.mulf %get3A_3, %mul3A_394 : vector<128x128xf32>
    %get3A_396 = arith.constant 1 : index
    %get3A_397 = arith.constant 16 : index
    %get3A_398 = memref.load %arg1[%get3A_396, %get3A_397] : memref<2x64xf32, #tpu.memory_space<smem>>
    %mul3A_399 = vector.broadcast %get3A_398 : f32 to vector<128x128xf32>
    %mul3A_400 = arith.mulf %get3A_8, %mul3A_399 : vector<128x128xf32>
    %add3A_401 = arith.addf %mul3A_395, %mul3A_400 : vector<128x128xf32>
    %get3A_402 = arith.constant 16 : index
    %get3A_403 = memref.load %arg2[%get3A_402] : memref<64xf32, #tpu.memory_space<smem>>
    %add3A_404 = vector.broadcast %get3A_403 : f32 to vector<128x128xf32>
    %add3A_405 = arith.addf %add3A_401, %add3A_404 : vector<128x128xf32>
    %max3A_406 = arith.constant 0.000000e+00 : f32
    %max3A_407 = vector.broadcast %max3A_406 : f32 to vector<128x128xf32>
    %max3A_408 = arith.maximumf %add3A_405, %max3A_407 : vector<128x128xf32>
    %get3A_409 = arith.constant 16 : index
    %get3A_410 = arith.constant 0 : index
    %get3A_411 = memref.load %arg3[%get3A_409, %get3A_410] : memref<64x1xf32, #tpu.memory_space<smem>>
    %mul3A_412 = vector.broadcast %get3A_411 : f32 to vector<128x128xf32>
    %mul3A_413 = arith.mulf %max3A_408, %mul3A_412 : vector<128x128xf32>
    %add3A_414 = arith.addf %add3A_390, %mul3A_413 : vector<128x128xf32>
    %get3A_415 = arith.constant 0 : index
    %get3A_416 = arith.constant 17 : index
    %get3A_417 = memref.load %arg1[%get3A_415, %get3A_416] : memref<2x64xf32, #tpu.memory_space<smem>>
    %mul3A_418 = vector.broadcast %get3A_417 : f32 to vector<128x128xf32>
    %mul3A_419 = arith.mulf %get3A_3, %mul3A_418 : vector<128x128xf32>
    %get3A_420 = arith.constant 1 : index
    %get3A_421 = arith.constant 17 : index
    %get3A_422 = memref.load %arg1[%get3A_420, %get3A_421] : memref<2x64xf32, #tpu.memory_space<smem>>
    %mul3A_423 = vector.broadcast %get3A_422 : f32 to vector<128x128xf32>
    %mul3A_424 = arith.mulf %get3A_8, %mul3A_423 : vector<128x128xf32>
    %add3A_425 = arith.addf %mul3A_419, %mul3A_424 : vector<128x128xf32>
    %get3A_426 = arith.constant 17 : index
    %get3A_427 = memref.load %arg2[%get3A_426] : memref<64xf32, #tpu.memory_space<smem>>
    %add3A_428 = vector.broadcast %get3A_427 : f32 to vector<128x128xf32>
    %add3A_429 = arith.addf %add3A_425, %add3A_428 : vector<128x128xf32>
    %max3A_430 = arith.constant 0.000000e+00 : f32
    %max3A_431 = vector.broadcast %max3A_430 : f32 to vector<128x128xf32>
    %max3A_432 = arith.maximumf %add3A_429, %max3A_431 : vector<128x128xf32>
    %get3A_433 = arith.constant 17 : index
    %get3A_434 = arith.constant 0 : index
    %get3A_435 = memref.load %arg3[%get3A_433, %get3A_434] : memref<64x1xf32, #tpu.memory_space<smem>>
    %mul3A_436 = vector.broadcast %get3A_435 : f32 to vector<128x128xf32>
    %mul3A_437 = arith.mulf %max3A_432, %mul3A_436 : vector<128x128xf32>
    %add3A_438 = arith.addf %add3A_414, %mul3A_437 : vector<128x128xf32>
    %get3A_439 = arith.constant 0 : index
    %get3A_440 = arith.constant 18 : index
    %get3A_441 = memref.load %arg1[%get3A_439, %get3A_440] : memref<2x64xf32, #tpu.memory_space<smem>>
    %mul3A_442 = vector.broadcast %get3A_441 : f32 to vector<128x128xf32>
    %mul3A_443 = arith.mulf %get3A_3, %mul3A_442 : vector<128x128xf32>
    %get3A_444 = arith.constant 1 : index
    %get3A_445 = arith.constant 18 : index
    %get3A_446 = memref.load %arg1[%get3A_444, %get3A_445] : memref<2x64xf32, #tpu.memory_space<smem>>
    %mul3A_447 = vector.broadcast %get3A_446 : f32 to vector<128x128xf32>
    %mul3A_448 = arith.mulf %get3A_8, %mul3A_447 : vector<128x128xf32>
    %add3A_449 = arith.addf %mul3A_443, %mul3A_448 : vector<128x128xf32>
    %get3A_450 = arith.constant 18 : index
    %get3A_451 = memref.load %arg2[%get3A_450] : memref<64xf32, #tpu.memory_space<smem>>
    %add3A_452 = vector.broadcast %get3A_451 : f32 to vector<128x128xf32>
    %add3A_453 = arith.addf %add3A_449, %add3A_452 : vector<128x128xf32>
    %max3A_454 = arith.constant 0.000000e+00 : f32
    %max3A_455 = vector.broadcast %max3A_454 : f32 to vector<128x128xf32>
    %max3A_456 = arith.maximumf %add3A_453, %max3A_455 : vector<128x128xf32>
    %get3A_457 = arith.constant 18 : index
    %get3A_458 = arith.constant 0 : index
    %get3A_459 = memref.load %arg3[%get3A_457, %get3A_458] : memref<64x1xf32, #tpu.memory_space<smem>>
    %mul3A_460 = vector.broadcast %get3A_459 : f32 to vector<128x128xf32>
    %mul3A_461 = arith.mulf %max3A_456, %mul3A_460 : vector<128x128xf32>
    %add3A_462 = arith.addf %add3A_438, %mul3A_461 : vector<128x128xf32>
    %get3A_463 = arith.constant 0 : index
    %get3A_464 = arith.constant 19 : index
    %get3A_465 = memref.load %arg1[%get3A_463, %get3A_464] : memref<2x64xf32, #tpu.memory_space<smem>>
    %mul3A_466 = vector.broadcast %get3A_465 : f32 to vector<128x128xf32>
    %mul3A_467 = arith.mulf %get3A_3, %mul3A_466 : vector<128x128xf32>
    %get3A_468 = arith.constant 1 : index
    %get3A_469 = arith.constant 19 : index
    %get3A_470 = memref.load %arg1[%get3A_468, %get3A_469] : memref<2x64xf32, #tpu.memory_space<smem>>
    %mul3A_471 = vector.broadcast %get3A_470 : f32 to vector<128x128xf32>
    %mul3A_472 = arith.mulf %get3A_8, %mul3A_471 : vector<128x128xf32>
    %add3A_473 = arith.addf %mul3A_467, %mul3A_472 : vector<128x128xf32>
    %get3A_474 = arith.constant 19 : index
    %get3A_475 = memref.load %arg2[%get3A_474] : memref<64xf32, #tpu.memory_space<smem>>
    %add3A_476 = vector.broadcast %get3A_475 : f32 to vector<128x128xf32>
    %add3A_477 = arith.addf %add3A_473, %add3A_476 : vector<128x128xf32>
    %max3A_478 = arith.constant 0.000000e+00 : f32
    %max3A_479 = vector.broadcast %max3A_478 : f32 to vector<128x128xf32>
    %max3A_480 = arith.maximumf %add3A_477, %max3A_479 : vector<128x128xf32>
    %get3A_481 = arith.constant 19 : index
    %get3A_482 = arith.constant 0 : index
    %get3A_483 = memref.load %arg3[%get3A_481, %get3A_482] : memref<64x1xf32, #tpu.memory_space<smem>>
    %mul3A_484 = vector.broadcast %get3A_483 : f32 to vector<128x128xf32>
    %mul3A_485 = arith.mulf %max3A_480, %mul3A_484 : vector<128x128xf32>
    %add3A_486 = arith.addf %add3A_462, %mul3A_485 : vector<128x128xf32>
    %get3A_487 = arith.constant 0 : index
    %get3A_488 = arith.constant 20 : index
    %get3A_489 = memref.load %arg1[%get3A_487, %get3A_488] : memref<2x64xf32, #tpu.memory_space<smem>>
    %mul3A_490 = vector.broadcast %get3A_489 : f32 to vector<128x128xf32>
    %mul3A_491 = arith.mulf %get3A_3, %mul3A_490 : vector<128x128xf32>
    %get3A_492 = arith.constant 1 : index
    %get3A_493 = arith.constant 20 : index
    %get3A_494 = memref.load %arg1[%get3A_492, %get3A_493] : memref<2x64xf32, #tpu.memory_space<smem>>
    %mul3A_495 = vector.broadcast %get3A_494 : f32 to vector<128x128xf32>
    %mul3A_496 = arith.mulf %get3A_8, %mul3A_495 : vector<128x128xf32>
    %add3A_497 = arith.addf %mul3A_491, %mul3A_496 : vector<128x128xf32>
    %get3A_498 = arith.constant 20 : index
    %get3A_499 = memref.load %arg2[%get3A_498] : memref<64xf32, #tpu.memory_space<smem>>
    %add3A_500 = vector.broadcast %get3A_499 : f32 to vector<128x128xf32>
    %add3A_501 = arith.addf %add3A_497, %add3A_500 : vector<128x128xf32>
    %max3A_502 = arith.constant 0.000000e+00 : f32
    %max3A_503 = vector.broadcast %max3A_502 : f32 to vector<128x128xf32>
    %max3A_504 = arith.maximumf %add3A_501, %max3A_503 : vector<128x128xf32>
    %get3A_505 = arith.constant 20 : index
    %get3A_506 = arith.constant 0 : index
    %get3A_507 = memref.load %arg3[%get3A_505, %get3A_506] : memref<64x1xf32, #tpu.memory_space<smem>>
    %mul3A_508 = vector.broadcast %get3A_507 : f32 to vector<128x128xf32>
    %mul3A_509 = arith.mulf %max3A_504, %mul3A_508 : vector<128x128xf32>
    %add3A_510 = arith.addf %add3A_486, %mul3A_509 : vector<128x128xf32>
    %get3A_511 = arith.constant 0 : index
    %get3A_512 = arith.constant 21 : index
    %get3A_513 = memref.load %arg1[%get3A_511, %get3A_512] : memref<2x64xf32, #tpu.memory_space<smem>>
    %mul3A_514 = vector.broadcast %get3A_513 : f32 to vector<128x128xf32>
    %mul3A_515 = arith.mulf %get3A_3, %mul3A_514 : vector<128x128xf32>
    %get3A_516 = arith.constant 1 : index
    %get3A_517 = arith.constant 21 : index
    %get3A_518 = memref.load %arg1[%get3A_516, %get3A_517] : memref<2x64xf32, #tpu.memory_space<smem>>
    %mul3A_519 = vector.broadcast %get3A_518 : f32 to vector<128x128xf32>
    %mul3A_520 = arith.mulf %get3A_8, %mul3A_519 : vector<128x128xf32>
    %add3A_521 = arith.addf %mul3A_515, %mul3A_520 : vector<128x128xf32>
    %get3A_522 = arith.constant 21 : index
    %get3A_523 = memref.load %arg2[%get3A_522] : memref<64xf32, #tpu.memory_space<smem>>
    %add3A_524 = vector.broadcast %get3A_523 : f32 to vector<128x128xf32>
    %add3A_525 = arith.addf %add3A_521, %add3A_524 : vector<128x128xf32>
    %max3A_526 = arith.constant 0.000000e+00 : f32
    %max3A_527 = vector.broadcast %max3A_526 : f32 to vector<128x128xf32>
    %max3A_528 = arith.maximumf %add3A_525, %max3A_527 : vector<128x128xf32>
    %get3A_529 = arith.constant 21 : index
    %get3A_530 = arith.constant 0 : index
    %get3A_531 = memref.load %arg3[%get3A_529, %get3A_530] : memref<64x1xf32, #tpu.memory_space<smem>>
    %mul3A_532 = vector.broadcast %get3A_531 : f32 to vector<128x128xf32>
    %mul3A_533 = arith.mulf %max3A_528, %mul3A_532 : vector<128x128xf32>
    %add3A_534 = arith.addf %add3A_510, %mul3A_533 : vector<128x128xf32>
    %get3A_535 = arith.constant 0 : index
    %get3A_536 = arith.constant 22 : index
    %get3A_537 = memref.load %arg1[%get3A_535, %get3A_536] : memref<2x64xf32, #tpu.memory_space<smem>>
    %mul3A_538 = vector.broadcast %get3A_537 : f32 to vector<128x128xf32>
    %mul3A_539 = arith.mulf %get3A_3, %mul3A_538 : vector<128x128xf32>
    %get3A_540 = arith.constant 1 : index
    %get3A_541 = arith.constant 22 : index
    %get3A_542 = memref.load %arg1[%get3A_540, %get3A_541] : memref<2x64xf32, #tpu.memory_space<smem>>
    %mul3A_543 = vector.broadcast %get3A_542 : f32 to vector<128x128xf32>
    %mul3A_544 = arith.mulf %get3A_8, %mul3A_543 : vector<128x128xf32>
    %add3A_545 = arith.addf %mul3A_539, %mul3A_544 : vector<128x128xf32>
    %get3A_546 = arith.constant 22 : index
    %get3A_547 = memref.load %arg2[%get3A_546] : memref<64xf32, #tpu.memory_space<smem>>
    %add3A_548 = vector.broadcast %get3A_547 : f32 to vector<128x128xf32>
    %add3A_549 = arith.addf %add3A_545, %add3A_548 : vector<128x128xf32>
    %max3A_550 = arith.constant 0.000000e+00 : f32
    %max3A_551 = vector.broadcast %max3A_550 : f32 to vector<128x128xf32>
    %max3A_552 = arith.maximumf %add3A_549, %max3A_551 : vector<128x128xf32>
    %get3A_553 = arith.constant 22 : index
    %get3A_554 = arith.constant 0 : index
    %get3A_555 = memref.load %arg3[%get3A_553, %get3A_554] : memref<64x1xf32, #tpu.memory_space<smem>>
    %mul3A_556 = vector.broadcast %get3A_555 : f32 to vector<128x128xf32>
    %mul3A_557 = arith.mulf %max3A_552, %mul3A_556 : vector<128x128xf32>
    %add3A_558 = arith.addf %add3A_534, %mul3A_557 : vector<128x128xf32>
    %get3A_559 = arith.constant 0 : index
    %get3A_560 = arith.constant 23 : index
    %get3A_561 = memref.load %arg1[%get3A_559, %get3A_560] : memref<2x64xf32, #tpu.memory_space<smem>>
    %mul3A_562 = vector.broadcast %get3A_561 : f32 to vector<128x128xf32>
    %mul3A_563 = arith.mulf %get3A_3, %mul3A_562 : vector<128x128xf32>
    %get3A_564 = arith.constant 1 : index
    %get3A_565 = arith.constant 23 : index
    %get3A_566 = memref.load %arg1[%get3A_564, %get3A_565] : memref<2x64xf32, #tpu.memory_space<smem>>
    %mul3A_567 = vector.broadcast %get3A_566 : f32 to vector<128x128xf32>
    %mul3A_568 = arith.mulf %get3A_8, %mul3A_567 : vector<128x128xf32>
    %add3A_569 = arith.addf %mul3A_563, %mul3A_568 : vector<128x128xf32>
    %get3A_570 = arith.constant 23 : index
    %get3A_571 = memref.load %arg2[%get3A_570] : memref<64xf32, #tpu.memory_space<smem>>
    %add3A_572 = vector.broadcast %get3A_571 : f32 to vector<128x128xf32>
    %add3A_573 = arith.addf %add3A_569, %add3A_572 : vector<128x128xf32>
    %max3A_574 = arith.constant 0.000000e+00 : f32
    %max3A_575 = vector.broadcast %max3A_574 : f32 to vector<128x128xf32>
    %max3A_576 = arith.maximumf %add3A_573, %max3A_575 : vector<128x128xf32>
    %get3A_577 = arith.constant 23 : index
    %get3A_578 = arith.constant 0 : index
    %get3A_579 = memref.load %arg3[%get3A_577, %get3A_578] : memref<64x1xf32, #tpu.memory_space<smem>>
    %mul3A_580 = vector.broadcast %get3A_579 : f32 to vector<128x128xf32>
    %mul3A_581 = arith.mulf %max3A_576, %mul3A_580 : vector<128x128xf32>
    %add3A_582 = arith.addf %add3A_558, %mul3A_581 : vector<128x128xf32>
    %get3A_583 = arith.constant 0 : index
    %get3A_584 = arith.constant 24 : index
    %get3A_585 = memref.load %arg1[%get3A_583, %get3A_584] : memref<2x64xf32, #tpu.memory_space<smem>>
    %mul3A_586 = vector.broadcast %get3A_585 : f32 to vector<128x128xf32>
    %mul3A_587 = arith.mulf %get3A_3, %mul3A_586 : vector<128x128xf32>
    %get3A_588 = arith.constant 1 : index
    %get3A_589 = arith.constant 24 : index
    %get3A_590 = memref.load %arg1[%get3A_588, %get3A_589] : memref<2x64xf32, #tpu.memory_space<smem>>
    %mul3A_591 = vector.broadcast %get3A_590 : f32 to vector<128x128xf32>
    %mul3A_592 = arith.mulf %get3A_8, %mul3A_591 : vector<128x128xf32>
    %add3A_593 = arith.addf %mul3A_587, %mul3A_592 : vector<128x128xf32>
    %get3A_594 = arith.constant 24 : index
    %get3A_595 = memref.load %arg2[%get3A_594] : memref<64xf32, #tpu.memory_space<smem>>
    %add3A_596 = vector.broadcast %get3A_595 : f32 to vector<128x128xf32>
    %add3A_597 = arith.addf %add3A_593, %add3A_596 : vector<128x128xf32>
    %max3A_598 = arith.constant 0.000000e+00 : f32
    %max3A_599 = vector.broadcast %max3A_598 : f32 to vector<128x128xf32>
    %max3A_600 = arith.maximumf %add3A_597, %max3A_599 : vector<128x128xf32>
    %get3A_601 = arith.constant 24 : index
    %get3A_602 = arith.constant 0 : index
    %get3A_603 = memref.load %arg3[%get3A_601, %get3A_602] : memref<64x1xf32, #tpu.memory_space<smem>>
    %mul3A_604 = vector.broadcast %get3A_603 : f32 to vector<128x128xf32>
    %mul3A_605 = arith.mulf %max3A_600, %mul3A_604 : vector<128x128xf32>
    %add3A_606 = arith.addf %add3A_582, %mul3A_605 : vector<128x128xf32>
    %get3A_607 = arith.constant 0 : index
    %get3A_608 = arith.constant 25 : index
    %get3A_609 = memref.load %arg1[%get3A_607, %get3A_608] : memref<2x64xf32, #tpu.memory_space<smem>>
    %mul3A_610 = vector.broadcast %get3A_609 : f32 to vector<128x128xf32>
    %mul3A_611 = arith.mulf %get3A_3, %mul3A_610 : vector<128x128xf32>
    %get3A_612 = arith.constant 1 : index
    %get3A_613 = arith.constant 25 : index
    %get3A_614 = memref.load %arg1[%get3A_612, %get3A_613] : memref<2x64xf32, #tpu.memory_space<smem>>
    %mul3A_615 = vector.broadcast %get3A_614 : f32 to vector<128x128xf32>
    %mul3A_616 = arith.mulf %get3A_8, %mul3A_615 : vector<128x128xf32>
    %add3A_617 = arith.addf %mul3A_611, %mul3A_616 : vector<128x128xf32>
    %get3A_618 = arith.constant 25 : index
    %get3A_619 = memref.load %arg2[%get3A_618] : memref<64xf32, #tpu.memory_space<smem>>
    %add3A_620 = vector.broadcast %get3A_619 : f32 to vector<128x128xf32>
    %add3A_621 = arith.addf %add3A_617, %add3A_620 : vector<128x128xf32>
    %max3A_622 = arith.constant 0.000000e+00 : f32
    %max3A_623 = vector.broadcast %max3A_622 : f32 to vector<128x128xf32>
    %max3A_624 = arith.maximumf %add3A_621, %max3A_623 : vector<128x128xf32>
    %get3A_625 = arith.constant 25 : index
    %get3A_626 = arith.constant 0 : index
    %get3A_627 = memref.load %arg3[%get3A_625, %get3A_626] : memref<64x1xf32, #tpu.memory_space<smem>>
    %mul3A_628 = vector.broadcast %get3A_627 : f32 to vector<128x128xf32>
    %mul3A_629 = arith.mulf %max3A_624, %mul3A_628 : vector<128x128xf32>
    %add3A_630 = arith.addf %add3A_606, %mul3A_629 : vector<128x128xf32>
    %get3A_631 = arith.constant 0 : index
    %get3A_632 = arith.constant 26 : index
    %get3A_633 = memref.load %arg1[%get3A_631, %get3A_632] : memref<2x64xf32, #tpu.memory_space<smem>>
    %mul3A_634 = vector.broadcast %get3A_633 : f32 to vector<128x128xf32>
    %mul3A_635 = arith.mulf %get3A_3, %mul3A_634 : vector<128x128xf32>
    %get3A_636 = arith.constant 1 : index
    %get3A_637 = arith.constant 26 : index
    %get3A_638 = memref.load %arg1[%get3A_636, %get3A_637] : memref<2x64xf32, #tpu.memory_space<smem>>
    %mul3A_639 = vector.broadcast %get3A_638 : f32 to vector<128x128xf32>
    %mul3A_640 = arith.mulf %get3A_8, %mul3A_639 : vector<128x128xf32>
    %add3A_641 = arith.addf %mul3A_635, %mul3A_640 : vector<128x128xf32>
    %get3A_642 = arith.constant 26 : index
    %get3A_643 = memref.load %arg2[%get3A_642] : memref<64xf32, #tpu.memory_space<smem>>
    %add3A_644 = vector.broadcast %get3A_643 : f32 to vector<128x128xf32>
    %add3A_645 = arith.addf %add3A_641, %add3A_644 : vector<128x128xf32>
    %max3A_646 = arith.constant 0.000000e+00 : f32
    %max3A_647 = vector.broadcast %max3A_646 : f32 to vector<128x128xf32>
    %max3A_648 = arith.maximumf %add3A_645, %max3A_647 : vector<128x128xf32>
    %get3A_649 = arith.constant 26 : index
    %get3A_650 = arith.constant 0 : index
    %get3A_651 = memref.load %arg3[%get3A_649, %get3A_650] : memref<64x1xf32, #tpu.memory_space<smem>>
    %mul3A_652 = vector.broadcast %get3A_651 : f32 to vector<128x128xf32>
    %mul3A_653 = arith.mulf %max3A_648, %mul3A_652 : vector<128x128xf32>
    %add3A_654 = arith.addf %add3A_630, %mul3A_653 : vector<128x128xf32>
    %get3A_655 = arith.constant 0 : index
    %get3A_656 = arith.constant 27 : index
    %get3A_657 = memref.load %arg1[%get3A_655, %get3A_656] : memref<2x64xf32, #tpu.memory_space<smem>>
    %mul3A_658 = vector.broadcast %get3A_657 : f32 to vector<128x128xf32>
    %mul3A_659 = arith.mulf %get3A_3, %mul3A_658 : vector<128x128xf32>
    %get3A_660 = arith.constant 1 : index
    %get3A_661 = arith.constant 27 : index
    %get3A_662 = memref.load %arg1[%get3A_660, %get3A_661] : memref<2x64xf32, #tpu.memory_space<smem>>
    %mul3A_663 = vector.broadcast %get3A_662 : f32 to vector<128x128xf32>
    %mul3A_664 = arith.mulf %get3A_8, %mul3A_663 : vector<128x128xf32>
    %add3A_665 = arith.addf %mul3A_659, %mul3A_664 : vector<128x128xf32>
    %get3A_666 = arith.constant 27 : index
    %get3A_667 = memref.load %arg2[%get3A_666] : memref<64xf32, #tpu.memory_space<smem>>
    %add3A_668 = vector.broadcast %get3A_667 : f32 to vector<128x128xf32>
    %add3A_669 = arith.addf %add3A_665, %add3A_668 : vector<128x128xf32>
    %max3A_670 = arith.constant 0.000000e+00 : f32
    %max3A_671 = vector.broadcast %max3A_670 : f32 to vector<128x128xf32>
    %max3A_672 = arith.maximumf %add3A_669, %max3A_671 : vector<128x128xf32>
    %get3A_673 = arith.constant 27 : index
    %get3A_674 = arith.constant 0 : index
    %get3A_675 = memref.load %arg3[%get3A_673, %get3A_674] : memref<64x1xf32, #tpu.memory_space<smem>>
    %mul3A_676 = vector.broadcast %get3A_675 : f32 to vector<128x128xf32>
    %mul3A_677 = arith.mulf %max3A_672, %mul3A_676 : vector<128x128xf32>
    %add3A_678 = arith.addf %add3A_654, %mul3A_677 : vector<128x128xf32>
    %get3A_679 = arith.constant 0 : index
    %get3A_680 = arith.constant 28 : index
    %get3A_681 = memref.load %arg1[%get3A_679, %get3A_680] : memref<2x64xf32, #tpu.memory_space<smem>>
    %mul3A_682 = vector.broadcast %get3A_681 : f32 to vector<128x128xf32>
    %mul3A_683 = arith.mulf %get3A_3, %mul3A_682 : vector<128x128xf32>
    %get3A_684 = arith.constant 1 : index
    %get3A_685 = arith.constant 28 : index
    %get3A_686 = memref.load %arg1[%get3A_684, %get3A_685] : memref<2x64xf32, #tpu.memory_space<smem>>
    %mul3A_687 = vector.broadcast %get3A_686 : f32 to vector<128x128xf32>
    %mul3A_688 = arith.mulf %get3A_8, %mul3A_687 : vector<128x128xf32>
    %add3A_689 = arith.addf %mul3A_683, %mul3A_688 : vector<128x128xf32>
    %get3A_690 = arith.constant 28 : index
    %get3A_691 = memref.load %arg2[%get3A_690] : memref<64xf32, #tpu.memory_space<smem>>
    %add3A_692 = vector.broadcast %get3A_691 : f32 to vector<128x128xf32>
    %add3A_693 = arith.addf %add3A_689, %add3A_692 : vector<128x128xf32>
    %max3A_694 = arith.constant 0.000000e+00 : f32
    %max3A_695 = vector.broadcast %max3A_694 : f32 to vector<128x128xf32>
    %max3A_696 = arith.maximumf %add3A_693, %max3A_695 : vector<128x128xf32>
    %get3A_697 = arith.constant 28 : index
    %get3A_698 = arith.constant 0 : index
    %get3A_699 = memref.load %arg3[%get3A_697, %get3A_698] : memref<64x1xf32, #tpu.memory_space<smem>>
    %mul3A_700 = vector.broadcast %get3A_699 : f32 to vector<128x128xf32>
    %mul3A_701 = arith.mulf %max3A_696, %mul3A_700 : vector<128x128xf32>
    %add3A_702 = arith.addf %add3A_678, %mul3A_701 : vector<128x128xf32>
    %get3A_703 = arith.constant 0 : index
    %get3A_704 = arith.constant 29 : index
    %get3A_705 = memref.load %arg1[%get3A_703, %get3A_704] : memref<2x64xf32, #tpu.memory_space<smem>>
    %mul3A_706 = vector.broadcast %get3A_705 : f32 to vector<128x128xf32>
    %mul3A_707 = arith.mulf %get3A_3, %mul3A_706 : vector<128x128xf32>
    %get3A_708 = arith.constant 1 : index
    %get3A_709 = arith.constant 29 : index
    %get3A_710 = memref.load %arg1[%get3A_708, %get3A_709] : memref<2x64xf32, #tpu.memory_space<smem>>
    %mul3A_711 = vector.broadcast %get3A_710 : f32 to vector<128x128xf32>
    %mul3A_712 = arith.mulf %get3A_8, %mul3A_711 : vector<128x128xf32>
    %add3A_713 = arith.addf %mul3A_707, %mul3A_712 : vector<128x128xf32>
    %get3A_714 = arith.constant 29 : index
    %get3A_715 = memref.load %arg2[%get3A_714] : memref<64xf32, #tpu.memory_space<smem>>
    %add3A_716 = vector.broadcast %get3A_715 : f32 to vector<128x128xf32>
    %add3A_717 = arith.addf %add3A_713, %add3A_716 : vector<128x128xf32>
    %max3A_718 = arith.constant 0.000000e+00 : f32
    %max3A_719 = vector.broadcast %max3A_718 : f32 to vector<128x128xf32>
    %max3A_720 = arith.maximumf %add3A_717, %max3A_719 : vector<128x128xf32>
    %get3A_721 = arith.constant 29 : index
    %get3A_722 = arith.constant 0 : index
    %get3A_723 = memref.load %arg3[%get3A_721, %get3A_722] : memref<64x1xf32, #tpu.memory_space<smem>>
    %mul3A_724 = vector.broadcast %get3A_723 : f32 to vector<128x128xf32>
    %mul3A_725 = arith.mulf %max3A_720, %mul3A_724 : vector<128x128xf32>
    %add3A_726 = arith.addf %add3A_702, %mul3A_725 : vector<128x128xf32>
    %get3A_727 = arith.constant 0 : index
    %get3A_728 = arith.constant 30 : index
    %get3A_729 = memref.load %arg1[%get3A_727, %get3A_728] : memref<2x64xf32, #tpu.memory_space<smem>>
    %mul3A_730 = vector.broadcast %get3A_729 : f32 to vector<128x128xf32>
    %mul3A_731 = arith.mulf %get3A_3, %mul3A_730 : vector<128x128xf32>
    %get3A_732 = arith.constant 1 : index
    %get3A_733 = arith.constant 30 : index
    %get3A_734 = memref.load %arg1[%get3A_732, %get3A_733] : memref<2x64xf32, #tpu.memory_space<smem>>
    %mul3A_735 = vector.broadcast %get3A_734 : f32 to vector<128x128xf32>
    %mul3A_736 = arith.mulf %get3A_8, %mul3A_735 : vector<128x128xf32>
    %add3A_737 = arith.addf %mul3A_731, %mul3A_736 : vector<128x128xf32>
    %get3A_738 = arith.constant 30 : index
    %get3A_739 = memref.load %arg2[%get3A_738] : memref<64xf32, #tpu.memory_space<smem>>
    %add3A_740 = vector.broadcast %get3A_739 : f32 to vector<128x128xf32>
    %add3A_741 = arith.addf %add3A_737, %add3A_740 : vector<128x128xf32>
    %max3A_742 = arith.constant 0.000000e+00 : f32
    %max3A_743 = vector.broadcast %max3A_742 : f32 to vector<128x128xf32>
    %max3A_744 = arith.maximumf %add3A_741, %max3A_743 : vector<128x128xf32>
    %get3A_745 = arith.constant 30 : index
    %get3A_746 = arith.constant 0 : index
    %get3A_747 = memref.load %arg3[%get3A_745, %get3A_746] : memref<64x1xf32, #tpu.memory_space<smem>>
    %mul3A_748 = vector.broadcast %get3A_747 : f32 to vector<128x128xf32>
    %mul3A_749 = arith.mulf %max3A_744, %mul3A_748 : vector<128x128xf32>
    %add3A_750 = arith.addf %add3A_726, %mul3A_749 : vector<128x128xf32>
    %get3A_751 = arith.constant 0 : index
    %get3A_752 = arith.constant 31 : index
    %get3A_753 = memref.load %arg1[%get3A_751, %get3A_752] : memref<2x64xf32, #tpu.memory_space<smem>>
    %mul3A_754 = vector.broadcast %get3A_753 : f32 to vector<128x128xf32>
    %mul3A_755 = arith.mulf %get3A_3, %mul3A_754 : vector<128x128xf32>
    %get3A_756 = arith.constant 1 : index
    %get3A_757 = arith.constant 31 : index
    %get3A_758 = memref.load %arg1[%get3A_756, %get3A_757] : memref<2x64xf32, #tpu.memory_space<smem>>
    %mul3A_759 = vector.broadcast %get3A_758 : f32 to vector<128x128xf32>
    %mul3A_760 = arith.mulf %get3A_8, %mul3A_759 : vector<128x128xf32>
    %add3A_761 = arith.addf %mul3A_755, %mul3A_760 : vector<128x128xf32>
    %get3A_762 = arith.constant 31 : index
    %get3A_763 = memref.load %arg2[%get3A_762] : memref<64xf32, #tpu.memory_space<smem>>
    %add3A_764 = vector.broadcast %get3A_763 : f32 to vector<128x128xf32>
    %add3A_765 = arith.addf %add3A_761, %add3A_764 : vector<128x128xf32>
    %max3A_766 = arith.constant 0.000000e+00 : f32
    %max3A_767 = vector.broadcast %max3A_766 : f32 to vector<128x128xf32>
    %max3A_768 = arith.maximumf %add3A_765, %max3A_767 : vector<128x128xf32>
    %get3A_769 = arith.constant 31 : index
    %get3A_770 = arith.constant 0 : index
    %get3A_771 = memref.load %arg3[%get3A_769, %get3A_770] : memref<64x1xf32, #tpu.memory_space<smem>>
    %mul3A_772 = vector.broadcast %get3A_771 : f32 to vector<128x128xf32>
    %mul3A_773 = arith.mulf %max3A_768, %mul3A_772 : vector<128x128xf32>
    %add3A_774 = arith.addf %add3A_750, %mul3A_773 : vector<128x128xf32>
    %get3A_775 = arith.constant 0 : index
    %get3A_776 = arith.constant 32 : index
    %get3A_777 = memref.load %arg1[%get3A_775, %get3A_776] : memref<2x64xf32, #tpu.memory_space<smem>>
    %mul3A_778 = vector.broadcast %get3A_777 : f32 to vector<128x128xf32>
    %mul3A_779 = arith.mulf %get3A_3, %mul3A_778 : vector<128x128xf32>
    %get3A_780 = arith.constant 1 : index
    %get3A_781 = arith.constant 32 : index
    %get3A_782 = memref.load %arg1[%get3A_780, %get3A_781] : memref<2x64xf32, #tpu.memory_space<smem>>
    %mul3A_783 = vector.broadcast %get3A_782 : f32 to vector<128x128xf32>
    %mul3A_784 = arith.mulf %get3A_8, %mul3A_783 : vector<128x128xf32>
    %add3A_785 = arith.addf %mul3A_779, %mul3A_784 : vector<128x128xf32>
    %get3A_786 = arith.constant 32 : index
    %get3A_787 = memref.load %arg2[%get3A_786] : memref<64xf32, #tpu.memory_space<smem>>
    %add3A_788 = vector.broadcast %get3A_787 : f32 to vector<128x128xf32>
    %add3A_789 = arith.addf %add3A_785, %add3A_788 : vector<128x128xf32>
    %max3A_790 = arith.constant 0.000000e+00 : f32
    %max3A_791 = vector.broadcast %max3A_790 : f32 to vector<128x128xf32>
    %max3A_792 = arith.maximumf %add3A_789, %max3A_791 : vector<128x128xf32>
    %get3A_793 = arith.constant 32 : index
    %get3A_794 = arith.constant 0 : index
    %get3A_795 = memref.load %arg3[%get3A_793, %get3A_794] : memref<64x1xf32, #tpu.memory_space<smem>>
    %mul3A_796 = vector.broadcast %get3A_795 : f32 to vector<128x128xf32>
    %mul3A_797 = arith.mulf %max3A_792, %mul3A_796 : vector<128x128xf32>
    %add3A_798 = arith.addf %add3A_774, %mul3A_797 : vector<128x128xf32>
    %get3A_799 = arith.constant 0 : index
    %get3A_800 = arith.constant 33 : index
    %get3A_801 = memref.load %arg1[%get3A_799, %get3A_800] : memref<2x64xf32, #tpu.memory_space<smem>>
    %mul3A_802 = vector.broadcast %get3A_801 : f32 to vector<128x128xf32>
    %mul3A_803 = arith.mulf %get3A_3, %mul3A_802 : vector<128x128xf32>
    %get3A_804 = arith.constant 1 : index
    %get3A_805 = arith.constant 33 : index
    %get3A_806 = memref.load %arg1[%get3A_804, %get3A_805] : memref<2x64xf32, #tpu.memory_space<smem>>
    %mul3A_807 = vector.broadcast %get3A_806 : f32 to vector<128x128xf32>
    %mul3A_808 = arith.mulf %get3A_8, %mul3A_807 : vector<128x128xf32>
    %add3A_809 = arith.addf %mul3A_803, %mul3A_808 : vector<128x128xf32>
    %get3A_810 = arith.constant 33 : index
    %get3A_811 = memref.load %arg2[%get3A_810] : memref<64xf32, #tpu.memory_space<smem>>
    %add3A_812 = vector.broadcast %get3A_811 : f32 to vector<128x128xf32>
    %add3A_813 = arith.addf %add3A_809, %add3A_812 : vector<128x128xf32>
    %max3A_814 = arith.constant 0.000000e+00 : f32
    %max3A_815 = vector.broadcast %max3A_814 : f32 to vector<128x128xf32>
    %max3A_816 = arith.maximumf %add3A_813, %max3A_815 : vector<128x128xf32>
    %get3A_817 = arith.constant 33 : index
    %get3A_818 = arith.constant 0 : index
    %get3A_819 = memref.load %arg3[%get3A_817, %get3A_818] : memref<64x1xf32, #tpu.memory_space<smem>>
    %mul3A_820 = vector.broadcast %get3A_819 : f32 to vector<128x128xf32>
    %mul3A_821 = arith.mulf %max3A_816, %mul3A_820 : vector<128x128xf32>
    %add3A_822 = arith.addf %add3A_798, %mul3A_821 : vector<128x128xf32>
    %get3A_823 = arith.constant 0 : index
    %get3A_824 = arith.constant 34 : index
    %get3A_825 = memref.load %arg1[%get3A_823, %get3A_824] : memref<2x64xf32, #tpu.memory_space<smem>>
    %mul3A_826 = vector.broadcast %get3A_825 : f32 to vector<128x128xf32>
    %mul3A_827 = arith.mulf %get3A_3, %mul3A_826 : vector<128x128xf32>
    %get3A_828 = arith.constant 1 : index
    %get3A_829 = arith.constant 34 : index
    %get3A_830 = memref.load %arg1[%get3A_828, %get3A_829] : memref<2x64xf32, #tpu.memory_space<smem>>
    %mul3A_831 = vector.broadcast %get3A_830 : f32 to vector<128x128xf32>
    %mul3A_832 = arith.mulf %get3A_8, %mul3A_831 : vector<128x128xf32>
    %add3A_833 = arith.addf %mul3A_827, %mul3A_832 : vector<128x128xf32>
    %get3A_834 = arith.constant 34 : index
    %get3A_835 = memref.load %arg2[%get3A_834] : memref<64xf32, #tpu.memory_space<smem>>
    %add3A_836 = vector.broadcast %get3A_835 : f32 to vector<128x128xf32>
    %add3A_837 = arith.addf %add3A_833, %add3A_836 : vector<128x128xf32>
    %max3A_838 = arith.constant 0.000000e+00 : f32
    %max3A_839 = vector.broadcast %max3A_838 : f32 to vector<128x128xf32>
    %max3A_840 = arith.maximumf %add3A_837, %max3A_839 : vector<128x128xf32>
    %get3A_841 = arith.constant 34 : index
    %get3A_842 = arith.constant 0 : index
    %get3A_843 = memref.load %arg3[%get3A_841, %get3A_842] : memref<64x1xf32, #tpu.memory_space<smem>>
    %mul3A_844 = vector.broadcast %get3A_843 : f32 to vector<128x128xf32>
    %mul3A_845 = arith.mulf %max3A_840, %mul3A_844 : vector<128x128xf32>
    %add3A_846 = arith.addf %add3A_822, %mul3A_845 : vector<128x128xf32>
    %get3A_847 = arith.constant 0 : index
    %get3A_848 = arith.constant 35 : index
    %get3A_849 = memref.load %arg1[%get3A_847, %get3A_848] : memref<2x64xf32, #tpu.memory_space<smem>>
    %mul3A_850 = vector.broadcast %get3A_849 : f32 to vector<128x128xf32>
    %mul3A_851 = arith.mulf %get3A_3, %mul3A_850 : vector<128x128xf32>
    %get3A_852 = arith.constant 1 : index
    %get3A_853 = arith.constant 35 : index
    %get3A_854 = memref.load %arg1[%get3A_852, %get3A_853] : memref<2x64xf32, #tpu.memory_space<smem>>
    %mul3A_855 = vector.broadcast %get3A_854 : f32 to vector<128x128xf32>
    %mul3A_856 = arith.mulf %get3A_8, %mul3A_855 : vector<128x128xf32>
    %add3A_857 = arith.addf %mul3A_851, %mul3A_856 : vector<128x128xf32>
    %get3A_858 = arith.constant 35 : index
    %get3A_859 = memref.load %arg2[%get3A_858] : memref<64xf32, #tpu.memory_space<smem>>
    %add3A_860 = vector.broadcast %get3A_859 : f32 to vector<128x128xf32>
    %add3A_861 = arith.addf %add3A_857, %add3A_860 : vector<128x128xf32>
    %max3A_862 = arith.constant 0.000000e+00 : f32
    %max3A_863 = vector.broadcast %max3A_862 : f32 to vector<128x128xf32>
    %max3A_864 = arith.maximumf %add3A_861, %max3A_863 : vector<128x128xf32>
    %get3A_865 = arith.constant 35 : index
    %get3A_866 = arith.constant 0 : index
    %get3A_867 = memref.load %arg3[%get3A_865, %get3A_866] : memref<64x1xf32, #tpu.memory_space<smem>>
    %mul3A_868 = vector.broadcast %get3A_867 : f32 to vector<128x128xf32>
    %mul3A_869 = arith.mulf %max3A_864, %mul3A_868 : vector<128x128xf32>
    %add3A_870 = arith.addf %add3A_846, %mul3A_869 : vector<128x128xf32>
    %get3A_871 = arith.constant 0 : index
    %get3A_872 = arith.constant 36 : index
    %get3A_873 = memref.load %arg1[%get3A_871, %get3A_872] : memref<2x64xf32, #tpu.memory_space<smem>>
    %mul3A_874 = vector.broadcast %get3A_873 : f32 to vector<128x128xf32>
    %mul3A_875 = arith.mulf %get3A_3, %mul3A_874 : vector<128x128xf32>
    %get3A_876 = arith.constant 1 : index
    %get3A_877 = arith.constant 36 : index
    %get3A_878 = memref.load %arg1[%get3A_876, %get3A_877] : memref<2x64xf32, #tpu.memory_space<smem>>
    %mul3A_879 = vector.broadcast %get3A_878 : f32 to vector<128x128xf32>
    %mul3A_880 = arith.mulf %get3A_8, %mul3A_879 : vector<128x128xf32>
    %add3A_881 = arith.addf %mul3A_875, %mul3A_880 : vector<128x128xf32>
    %get3A_882 = arith.constant 36 : index
    %get3A_883 = memref.load %arg2[%get3A_882] : memref<64xf32, #tpu.memory_space<smem>>
    %add3A_884 = vector.broadcast %get3A_883 : f32 to vector<128x128xf32>
    %add3A_885 = arith.addf %add3A_881, %add3A_884 : vector<128x128xf32>
    %max3A_886 = arith.constant 0.000000e+00 : f32
    %max3A_887 = vector.broadcast %max3A_886 : f32 to vector<128x128xf32>
    %max3A_888 = arith.maximumf %add3A_885, %max3A_887 : vector<128x128xf32>
    %get3A_889 = arith.constant 36 : index
    %get3A_890 = arith.constant 0 : index
    %get3A_891 = memref.load %arg3[%get3A_889, %get3A_890] : memref<64x1xf32, #tpu.memory_space<smem>>
    %mul3A_892 = vector.broadcast %get3A_891 : f32 to vector<128x128xf32>
    %mul3A_893 = arith.mulf %max3A_888, %mul3A_892 : vector<128x128xf32>
    %add3A_894 = arith.addf %add3A_870, %mul3A_893 : vector<128x128xf32>
    %get3A_895 = arith.constant 0 : index
    %get3A_896 = arith.constant 37 : index
    %get3A_897 = memref.load %arg1[%get3A_895, %get3A_896] : memref<2x64xf32, #tpu.memory_space<smem>>
    %mul3A_898 = vector.broadcast %get3A_897 : f32 to vector<128x128xf32>
    %mul3A_899 = arith.mulf %get3A_3, %mul3A_898 : vector<128x128xf32>
    %get3A_900 = arith.constant 1 : index
    %get3A_901 = arith.constant 37 : index
    %get3A_902 = memref.load %arg1[%get3A_900, %get3A_901] : memref<2x64xf32, #tpu.memory_space<smem>>
    %mul3A_903 = vector.broadcast %get3A_902 : f32 to vector<128x128xf32>
    %mul3A_904 = arith.mulf %get3A_8, %mul3A_903 : vector<128x128xf32>
    %add3A_905 = arith.addf %mul3A_899, %mul3A_904 : vector<128x128xf32>
    %get3A_906 = arith.constant 37 : index
    %get3A_907 = memref.load %arg2[%get3A_906] : memref<64xf32, #tpu.memory_space<smem>>
    %add3A_908 = vector.broadcast %get3A_907 : f32 to vector<128x128xf32>
    %add3A_909 = arith.addf %add3A_905, %add3A_908 : vector<128x128xf32>
    %max3A_910 = arith.constant 0.000000e+00 : f32
    %max3A_911 = vector.broadcast %max3A_910 : f32 to vector<128x128xf32>
    %max3A_912 = arith.maximumf %add3A_909, %max3A_911 : vector<128x128xf32>
    %get3A_913 = arith.constant 37 : index
    %get3A_914 = arith.constant 0 : index
    %get3A_915 = memref.load %arg3[%get3A_913, %get3A_914] : memref<64x1xf32, #tpu.memory_space<smem>>
    %mul3A_916 = vector.broadcast %get3A_915 : f32 to vector<128x128xf32>
    %mul3A_917 = arith.mulf %max3A_912, %mul3A_916 : vector<128x128xf32>
    %add3A_918 = arith.addf %add3A_894, %mul3A_917 : vector<128x128xf32>
    %get3A_919 = arith.constant 0 : index
    %get3A_920 = arith.constant 38 : index
    %get3A_921 = memref.load %arg1[%get3A_919, %get3A_920] : memref<2x64xf32, #tpu.memory_space<smem>>
    %mul3A_922 = vector.broadcast %get3A_921 : f32 to vector<128x128xf32>
    %mul3A_923 = arith.mulf %get3A_3, %mul3A_922 : vector<128x128xf32>
    %get3A_924 = arith.constant 1 : index
    %get3A_925 = arith.constant 38 : index
    %get3A_926 = memref.load %arg1[%get3A_924, %get3A_925] : memref<2x64xf32, #tpu.memory_space<smem>>
    %mul3A_927 = vector.broadcast %get3A_926 : f32 to vector<128x128xf32>
    %mul3A_928 = arith.mulf %get3A_8, %mul3A_927 : vector<128x128xf32>
    %add3A_929 = arith.addf %mul3A_923, %mul3A_928 : vector<128x128xf32>
    %get3A_930 = arith.constant 38 : index
    %get3A_931 = memref.load %arg2[%get3A_930] : memref<64xf32, #tpu.memory_space<smem>>
    %add3A_932 = vector.broadcast %get3A_931 : f32 to vector<128x128xf32>
    %add3A_933 = arith.addf %add3A_929, %add3A_932 : vector<128x128xf32>
    %max3A_934 = arith.constant 0.000000e+00 : f32
    %max3A_935 = vector.broadcast %max3A_934 : f32 to vector<128x128xf32>
    %max3A_936 = arith.maximumf %add3A_933, %max3A_935 : vector<128x128xf32>
    %get3A_937 = arith.constant 38 : index
    %get3A_938 = arith.constant 0 : index
    %get3A_939 = memref.load %arg3[%get3A_937, %get3A_938] : memref<64x1xf32, #tpu.memory_space<smem>>
    %mul3A_940 = vector.broadcast %get3A_939 : f32 to vector<128x128xf32>
    %mul3A_941 = arith.mulf %max3A_936, %mul3A_940 : vector<128x128xf32>
    %add3A_942 = arith.addf %add3A_918, %mul3A_941 : vector<128x128xf32>
    %get3A_943 = arith.constant 0 : index
    %get3A_944 = arith.constant 39 : index
    %get3A_945 = memref.load %arg1[%get3A_943, %get3A_944] : memref<2x64xf32, #tpu.memory_space<smem>>
    %mul3A_946 = vector.broadcast %get3A_945 : f32 to vector<128x128xf32>
    %mul3A_947 = arith.mulf %get3A_3, %mul3A_946 : vector<128x128xf32>
    %get3A_948 = arith.constant 1 : index
    %get3A_949 = arith.constant 39 : index
    %get3A_950 = memref.load %arg1[%get3A_948, %get3A_949] : memref<2x64xf32, #tpu.memory_space<smem>>
    %mul3A_951 = vector.broadcast %get3A_950 : f32 to vector<128x128xf32>
    %mul3A_952 = arith.mulf %get3A_8, %mul3A_951 : vector<128x128xf32>
    %add3A_953 = arith.addf %mul3A_947, %mul3A_952 : vector<128x128xf32>
    %get3A_954 = arith.constant 39 : index
    %get3A_955 = memref.load %arg2[%get3A_954] : memref<64xf32, #tpu.memory_space<smem>>
    %add3A_956 = vector.broadcast %get3A_955 : f32 to vector<128x128xf32>
    %add3A_957 = arith.addf %add3A_953, %add3A_956 : vector<128x128xf32>
    %max3A_958 = arith.constant 0.000000e+00 : f32
    %max3A_959 = vector.broadcast %max3A_958 : f32 to vector<128x128xf32>
    %max3A_960 = arith.maximumf %add3A_957, %max3A_959 : vector<128x128xf32>
    %get3A_961 = arith.constant 39 : index
    %get3A_962 = arith.constant 0 : index
    %get3A_963 = memref.load %arg3[%get3A_961, %get3A_962] : memref<64x1xf32, #tpu.memory_space<smem>>
    %mul3A_964 = vector.broadcast %get3A_963 : f32 to vector<128x128xf32>
    %mul3A_965 = arith.mulf %max3A_960, %mul3A_964 : vector<128x128xf32>
    %add3A_966 = arith.addf %add3A_942, %mul3A_965 : vector<128x128xf32>
    %get3A_967 = arith.constant 0 : index
    %get3A_968 = arith.constant 40 : index
    %get3A_969 = memref.load %arg1[%get3A_967, %get3A_968] : memref<2x64xf32, #tpu.memory_space<smem>>
    %mul3A_970 = vector.broadcast %get3A_969 : f32 to vector<128x128xf32>
    %mul3A_971 = arith.mulf %get3A_3, %mul3A_970 : vector<128x128xf32>
    %get3A_972 = arith.constant 1 : index
    %get3A_973 = arith.constant 40 : index
    %get3A_974 = memref.load %arg1[%get3A_972, %get3A_973] : memref<2x64xf32, #tpu.memory_space<smem>>
    %mul3A_975 = vector.broadcast %get3A_974 : f32 to vector<128x128xf32>
    %mul3A_976 = arith.mulf %get3A_8, %mul3A_975 : vector<128x128xf32>
    %add3A_977 = arith.addf %mul3A_971, %mul3A_976 : vector<128x128xf32>
    %get3A_978 = arith.constant 40 : index
    %get3A_979 = memref.load %arg2[%get3A_978] : memref<64xf32, #tpu.memory_space<smem>>
    %add3A_980 = vector.broadcast %get3A_979 : f32 to vector<128x128xf32>
    %add3A_981 = arith.addf %add3A_977, %add3A_980 : vector<128x128xf32>
    %max3A_982 = arith.constant 0.000000e+00 : f32
    %max3A_983 = vector.broadcast %max3A_982 : f32 to vector<128x128xf32>
    %max3A_984 = arith.maximumf %add3A_981, %max3A_983 : vector<128x128xf32>
    %get3A_985 = arith.constant 40 : index
    %get3A_986 = arith.constant 0 : index
    %get3A_987 = memref.load %arg3[%get3A_985, %get3A_986] : memref<64x1xf32, #tpu.memory_space<smem>>
    %mul3A_988 = vector.broadcast %get3A_987 : f32 to vector<128x128xf32>
    %mul3A_989 = arith.mulf %max3A_984, %mul3A_988 : vector<128x128xf32>
    %add3A_990 = arith.addf %add3A_966, %mul3A_989 : vector<128x128xf32>
    %get3A_991 = arith.constant 0 : index
    %get3A_992 = arith.constant 41 : index
    %get3A_993 = memref.load %arg1[%get3A_991, %get3A_992] : memref<2x64xf32, #tpu.memory_space<smem>>
    %mul3A_994 = vector.broadcast %get3A_993 : f32 to vector<128x128xf32>
    %mul3A_995 = arith.mulf %get3A_3, %mul3A_994 : vector<128x128xf32>
    %get3A_996 = arith.constant 1 : index
    %get3A_997 = arith.constant 41 : index
    %get3A_998 = memref.load %arg1[%get3A_996, %get3A_997] : memref<2x64xf32, #tpu.memory_space<smem>>
    %mul3A_999 = vector.broadcast %get3A_998 : f32 to vector<128x128xf32>
    %mul3A_1000 = arith.mulf %get3A_8, %mul3A_999 : vector<128x128xf32>
    %add3A_1001 = arith.addf %mul3A_995, %mul3A_1000 : vector<128x128xf32>
    %get3A_1002 = arith.constant 41 : index
    %get3A_1003 = memref.load %arg2[%get3A_1002] : memref<64xf32, #tpu.memory_space<smem>>
    %add3A_1004 = vector.broadcast %get3A_1003 : f32 to vector<128x128xf32>
    %add3A_1005 = arith.addf %add3A_1001, %add3A_1004 : vector<128x128xf32>
    %max3A_1006 = arith.constant 0.000000e+00 : f32
    %max3A_1007 = vector.broadcast %max3A_1006 : f32 to vector<128x128xf32>
    %max3A_1008 = arith.maximumf %add3A_1005, %max3A_1007 : vector<128x128xf32>
    %get3A_1009 = arith.constant 41 : index
    %get3A_1010 = arith.constant 0 : index
    %get3A_1011 = memref.load %arg3[%get3A_1009, %get3A_1010] : memref<64x1xf32, #tpu.memory_space<smem>>
    %mul3A_1012 = vector.broadcast %get3A_1011 : f32 to vector<128x128xf32>
    %mul3A_1013 = arith.mulf %max3A_1008, %mul3A_1012 : vector<128x128xf32>
    %add3A_1014 = arith.addf %add3A_990, %mul3A_1013 : vector<128x128xf32>
    %get3A_1015 = arith.constant 0 : index
    %get3A_1016 = arith.constant 42 : index
    %get3A_1017 = memref.load %arg1[%get3A_1015, %get3A_1016] : memref<2x64xf32, #tpu.memory_space<smem>>
    %mul3A_1018 = vector.broadcast %get3A_1017 : f32 to vector<128x128xf32>
    %mul3A_1019 = arith.mulf %get3A_3, %mul3A_1018 : vector<128x128xf32>
    %get3A_1020 = arith.constant 1 : index
    %get3A_1021 = arith.constant 42 : index
    %get3A_1022 = memref.load %arg1[%get3A_1020, %get3A_1021] : memref<2x64xf32, #tpu.memory_space<smem>>
    %mul3A_1023 = vector.broadcast %get3A_1022 : f32 to vector<128x128xf32>
    %mul3A_1024 = arith.mulf %get3A_8, %mul3A_1023 : vector<128x128xf32>
    %add3A_1025 = arith.addf %mul3A_1019, %mul3A_1024 : vector<128x128xf32>
    %get3A_1026 = arith.constant 42 : index
    %get3A_1027 = memref.load %arg2[%get3A_1026] : memref<64xf32, #tpu.memory_space<smem>>
    %add3A_1028 = vector.broadcast %get3A_1027 : f32 to vector<128x128xf32>
    %add3A_1029 = arith.addf %add3A_1025, %add3A_1028 : vector<128x128xf32>
    %max3A_1030 = arith.constant 0.000000e+00 : f32
    %max3A_1031 = vector.broadcast %max3A_1030 : f32 to vector<128x128xf32>
    %max3A_1032 = arith.maximumf %add3A_1029, %max3A_1031 : vector<128x128xf32>
    %get3A_1033 = arith.constant 42 : index
    %get3A_1034 = arith.constant 0 : index
    %get3A_1035 = memref.load %arg3[%get3A_1033, %get3A_1034] : memref<64x1xf32, #tpu.memory_space<smem>>
    %mul3A_1036 = vector.broadcast %get3A_1035 : f32 to vector<128x128xf32>
    %mul3A_1037 = arith.mulf %max3A_1032, %mul3A_1036 : vector<128x128xf32>
    %add3A_1038 = arith.addf %add3A_1014, %mul3A_1037 : vector<128x128xf32>
    %get3A_1039 = arith.constant 0 : index
    %get3A_1040 = arith.constant 43 : index
    %get3A_1041 = memref.load %arg1[%get3A_1039, %get3A_1040] : memref<2x64xf32, #tpu.memory_space<smem>>
    %mul3A_1042 = vector.broadcast %get3A_1041 : f32 to vector<128x128xf32>
    %mul3A_1043 = arith.mulf %get3A_3, %mul3A_1042 : vector<128x128xf32>
    %get3A_1044 = arith.constant 1 : index
    %get3A_1045 = arith.constant 43 : index
    %get3A_1046 = memref.load %arg1[%get3A_1044, %get3A_1045] : memref<2x64xf32, #tpu.memory_space<smem>>
    %mul3A_1047 = vector.broadcast %get3A_1046 : f32 to vector<128x128xf32>
    %mul3A_1048 = arith.mulf %get3A_8, %mul3A_1047 : vector<128x128xf32>
    %add3A_1049 = arith.addf %mul3A_1043, %mul3A_1048 : vector<128x128xf32>
    %get3A_1050 = arith.constant 43 : index
    %get3A_1051 = memref.load %arg2[%get3A_1050] : memref<64xf32, #tpu.memory_space<smem>>
    %add3A_1052 = vector.broadcast %get3A_1051 : f32 to vector<128x128xf32>
    %add3A_1053 = arith.addf %add3A_1049, %add3A_1052 : vector<128x128xf32>
    %max3A_1054 = arith.constant 0.000000e+00 : f32
    %max3A_1055 = vector.broadcast %max3A_1054 : f32 to vector<128x128xf32>
    %max3A_1056 = arith.maximumf %add3A_1053, %max3A_1055 : vector<128x128xf32>
    %get3A_1057 = arith.constant 43 : index
    %get3A_1058 = arith.constant 0 : index
    %get3A_1059 = memref.load %arg3[%get3A_1057, %get3A_1058] : memref<64x1xf32, #tpu.memory_space<smem>>
    %mul3A_1060 = vector.broadcast %get3A_1059 : f32 to vector<128x128xf32>
    %mul3A_1061 = arith.mulf %max3A_1056, %mul3A_1060 : vector<128x128xf32>
    %add3A_1062 = arith.addf %add3A_1038, %mul3A_1061 : vector<128x128xf32>
    %get3A_1063 = arith.constant 0 : index
    %get3A_1064 = arith.constant 44 : index
    %get3A_1065 = memref.load %arg1[%get3A_1063, %get3A_1064] : memref<2x64xf32, #tpu.memory_space<smem>>
    %mul3A_1066 = vector.broadcast %get3A_1065 : f32 to vector<128x128xf32>
    %mul3A_1067 = arith.mulf %get3A_3, %mul3A_1066 : vector<128x128xf32>
    %get3A_1068 = arith.constant 1 : index
    %get3A_1069 = arith.constant 44 : index
    %get3A_1070 = memref.load %arg1[%get3A_1068, %get3A_1069] : memref<2x64xf32, #tpu.memory_space<smem>>
    %mul3A_1071 = vector.broadcast %get3A_1070 : f32 to vector<128x128xf32>
    %mul3A_1072 = arith.mulf %get3A_8, %mul3A_1071 : vector<128x128xf32>
    %add3A_1073 = arith.addf %mul3A_1067, %mul3A_1072 : vector<128x128xf32>
    %get3A_1074 = arith.constant 44 : index
    %get3A_1075 = memref.load %arg2[%get3A_1074] : memref<64xf32, #tpu.memory_space<smem>>
    %add3A_1076 = vector.broadcast %get3A_1075 : f32 to vector<128x128xf32>
    %add3A_1077 = arith.addf %add3A_1073, %add3A_1076 : vector<128x128xf32>
    %max3A_1078 = arith.constant 0.000000e+00 : f32
    %max3A_1079 = vector.broadcast %max3A_1078 : f32 to vector<128x128xf32>
    %max3A_1080 = arith.maximumf %add3A_1077, %max3A_1079 : vector<128x128xf32>
    %get3A_1081 = arith.constant 44 : index
    %get3A_1082 = arith.constant 0 : index
    %get3A_1083 = memref.load %arg3[%get3A_1081, %get3A_1082] : memref<64x1xf32, #tpu.memory_space<smem>>
    %mul3A_1084 = vector.broadcast %get3A_1083 : f32 to vector<128x128xf32>
    %mul3A_1085 = arith.mulf %max3A_1080, %mul3A_1084 : vector<128x128xf32>
    %add3A_1086 = arith.addf %add3A_1062, %mul3A_1085 : vector<128x128xf32>
    %get3A_1087 = arith.constant 0 : index
    %get3A_1088 = arith.constant 45 : index
    %get3A_1089 = memref.load %arg1[%get3A_1087, %get3A_1088] : memref<2x64xf32, #tpu.memory_space<smem>>
    %mul3A_1090 = vector.broadcast %get3A_1089 : f32 to vector<128x128xf32>
    %mul3A_1091 = arith.mulf %get3A_3, %mul3A_1090 : vector<128x128xf32>
    %get3A_1092 = arith.constant 1 : index
    %get3A_1093 = arith.constant 45 : index
    %get3A_1094 = memref.load %arg1[%get3A_1092, %get3A_1093] : memref<2x64xf32, #tpu.memory_space<smem>>
    %mul3A_1095 = vector.broadcast %get3A_1094 : f32 to vector<128x128xf32>
    %mul3A_1096 = arith.mulf %get3A_8, %mul3A_1095 : vector<128x128xf32>
    %add3A_1097 = arith.addf %mul3A_1091, %mul3A_1096 : vector<128x128xf32>
    %get3A_1098 = arith.constant 45 : index
    %get3A_1099 = memref.load %arg2[%get3A_1098] : memref<64xf32, #tpu.memory_space<smem>>
    %add3A_1100 = vector.broadcast %get3A_1099 : f32 to vector<128x128xf32>
    %add3A_1101 = arith.addf %add3A_1097, %add3A_1100 : vector<128x128xf32>
    %max3A_1102 = arith.constant 0.000000e+00 : f32
    %max3A_1103 = vector.broadcast %max3A_1102 : f32 to vector<128x128xf32>
    %max3A_1104 = arith.maximumf %add3A_1101, %max3A_1103 : vector<128x128xf32>
    %get3A_1105 = arith.constant 45 : index
    %get3A_1106 = arith.constant 0 : index
    %get3A_1107 = memref.load %arg3[%get3A_1105, %get3A_1106] : memref<64x1xf32, #tpu.memory_space<smem>>
    %mul3A_1108 = vector.broadcast %get3A_1107 : f32 to vector<128x128xf32>
    %mul3A_1109 = arith.mulf %max3A_1104, %mul3A_1108 : vector<128x128xf32>
    %add3A_1110 = arith.addf %add3A_1086, %mul3A_1109 : vector<128x128xf32>
    %get3A_1111 = arith.constant 0 : index
    %get3A_1112 = arith.constant 46 : index
    %get3A_1113 = memref.load %arg1[%get3A_1111, %get3A_1112] : memref<2x64xf32, #tpu.memory_space<smem>>
    %mul3A_1114 = vector.broadcast %get3A_1113 : f32 to vector<128x128xf32>
    %mul3A_1115 = arith.mulf %get3A_3, %mul3A_1114 : vector<128x128xf32>
    %get3A_1116 = arith.constant 1 : index
    %get3A_1117 = arith.constant 46 : index
    %get3A_1118 = memref.load %arg1[%get3A_1116, %get3A_1117] : memref<2x64xf32, #tpu.memory_space<smem>>
    %mul3A_1119 = vector.broadcast %get3A_1118 : f32 to vector<128x128xf32>
    %mul3A_1120 = arith.mulf %get3A_8, %mul3A_1119 : vector<128x128xf32>
    %add3A_1121 = arith.addf %mul3A_1115, %mul3A_1120 : vector<128x128xf32>
    %get3A_1122 = arith.constant 46 : index
    %get3A_1123 = memref.load %arg2[%get3A_1122] : memref<64xf32, #tpu.memory_space<smem>>
    %add3A_1124 = vector.broadcast %get3A_1123 : f32 to vector<128x128xf32>
    %add3A_1125 = arith.addf %add3A_1121, %add3A_1124 : vector<128x128xf32>
    %max3A_1126 = arith.constant 0.000000e+00 : f32
    %max3A_1127 = vector.broadcast %max3A_1126 : f32 to vector<128x128xf32>
    %max3A_1128 = arith.maximumf %add3A_1125, %max3A_1127 : vector<128x128xf32>
    %get3A_1129 = arith.constant 46 : index
    %get3A_1130 = arith.constant 0 : index
    %get3A_1131 = memref.load %arg3[%get3A_1129, %get3A_1130] : memref<64x1xf32, #tpu.memory_space<smem>>
    %mul3A_1132 = vector.broadcast %get3A_1131 : f32 to vector<128x128xf32>
    %mul3A_1133 = arith.mulf %max3A_1128, %mul3A_1132 : vector<128x128xf32>
    %add3A_1134 = arith.addf %add3A_1110, %mul3A_1133 : vector<128x128xf32>
    %get3A_1135 = arith.constant 0 : index
    %get3A_1136 = arith.constant 47 : index
    %get3A_1137 = memref.load %arg1[%get3A_1135, %get3A_1136] : memref<2x64xf32, #tpu.memory_space<smem>>
    %mul3A_1138 = vector.broadcast %get3A_1137 : f32 to vector<128x128xf32>
    %mul3A_1139 = arith.mulf %get3A_3, %mul3A_1138 : vector<128x128xf32>
    %get3A_1140 = arith.constant 1 : index
    %get3A_1141 = arith.constant 47 : index
    %get3A_1142 = memref.load %arg1[%get3A_1140, %get3A_1141] : memref<2x64xf32, #tpu.memory_space<smem>>
    %mul3A_1143 = vector.broadcast %get3A_1142 : f32 to vector<128x128xf32>
    %mul3A_1144 = arith.mulf %get3A_8, %mul3A_1143 : vector<128x128xf32>
    %add3A_1145 = arith.addf %mul3A_1139, %mul3A_1144 : vector<128x128xf32>
    %get3A_1146 = arith.constant 47 : index
    %get3A_1147 = memref.load %arg2[%get3A_1146] : memref<64xf32, #tpu.memory_space<smem>>
    %add3A_1148 = vector.broadcast %get3A_1147 : f32 to vector<128x128xf32>
    %add3A_1149 = arith.addf %add3A_1145, %add3A_1148 : vector<128x128xf32>
    %max3A_1150 = arith.constant 0.000000e+00 : f32
    %max3A_1151 = vector.broadcast %max3A_1150 : f32 to vector<128x128xf32>
    %max3A_1152 = arith.maximumf %add3A_1149, %max3A_1151 : vector<128x128xf32>
    %get3A_1153 = arith.constant 47 : index
    %get3A_1154 = arith.constant 0 : index
    %get3A_1155 = memref.load %arg3[%get3A_1153, %get3A_1154] : memref<64x1xf32, #tpu.memory_space<smem>>
    %mul3A_1156 = vector.broadcast %get3A_1155 : f32 to vector<128x128xf32>
    %mul3A_1157 = arith.mulf %max3A_1152, %mul3A_1156 : vector<128x128xf32>
    %add3A_1158 = arith.addf %add3A_1134, %mul3A_1157 : vector<128x128xf32>
    %get3A_1159 = arith.constant 0 : index
    %get3A_1160 = arith.constant 48 : index
    %get3A_1161 = memref.load %arg1[%get3A_1159, %get3A_1160] : memref<2x64xf32, #tpu.memory_space<smem>>
    %mul3A_1162 = vector.broadcast %get3A_1161 : f32 to vector<128x128xf32>
    %mul3A_1163 = arith.mulf %get3A_3, %mul3A_1162 : vector<128x128xf32>
    %get3A_1164 = arith.constant 1 : index
    %get3A_1165 = arith.constant 48 : index
    %get3A_1166 = memref.load %arg1[%get3A_1164, %get3A_1165] : memref<2x64xf32, #tpu.memory_space<smem>>
    %mul3A_1167 = vector.broadcast %get3A_1166 : f32 to vector<128x128xf32>
    %mul3A_1168 = arith.mulf %get3A_8, %mul3A_1167 : vector<128x128xf32>
    %add3A_1169 = arith.addf %mul3A_1163, %mul3A_1168 : vector<128x128xf32>
    %get3A_1170 = arith.constant 48 : index
    %get3A_1171 = memref.load %arg2[%get3A_1170] : memref<64xf32, #tpu.memory_space<smem>>
    %add3A_1172 = vector.broadcast %get3A_1171 : f32 to vector<128x128xf32>
    %add3A_1173 = arith.addf %add3A_1169, %add3A_1172 : vector<128x128xf32>
    %max3A_1174 = arith.constant 0.000000e+00 : f32
    %max3A_1175 = vector.broadcast %max3A_1174 : f32 to vector<128x128xf32>
    %max3A_1176 = arith.maximumf %add3A_1173, %max3A_1175 : vector<128x128xf32>
    %get3A_1177 = arith.constant 48 : index
    %get3A_1178 = arith.constant 0 : index
    %get3A_1179 = memref.load %arg3[%get3A_1177, %get3A_1178] : memref<64x1xf32, #tpu.memory_space<smem>>
    %mul3A_1180 = vector.broadcast %get3A_1179 : f32 to vector<128x128xf32>
    %mul3A_1181 = arith.mulf %max3A_1176, %mul3A_1180 : vector<128x128xf32>
    %add3A_1182 = arith.addf %add3A_1158, %mul3A_1181 : vector<128x128xf32>
    %get3A_1183 = arith.constant 0 : index
    %get3A_1184 = arith.constant 49 : index
    %get3A_1185 = memref.load %arg1[%get3A_1183, %get3A_1184] : memref<2x64xf32, #tpu.memory_space<smem>>
    %mul3A_1186 = vector.broadcast %get3A_1185 : f32 to vector<128x128xf32>
    %mul3A_1187 = arith.mulf %get3A_3, %mul3A_1186 : vector<128x128xf32>
    %get3A_1188 = arith.constant 1 : index
    %get3A_1189 = arith.constant 49 : index
    %get3A_1190 = memref.load %arg1[%get3A_1188, %get3A_1189] : memref<2x64xf32, #tpu.memory_space<smem>>
    %mul3A_1191 = vector.broadcast %get3A_1190 : f32 to vector<128x128xf32>
    %mul3A_1192 = arith.mulf %get3A_8, %mul3A_1191 : vector<128x128xf32>
    %add3A_1193 = arith.addf %mul3A_1187, %mul3A_1192 : vector<128x128xf32>
    %get3A_1194 = arith.constant 49 : index
    %get3A_1195 = memref.load %arg2[%get3A_1194] : memref<64xf32, #tpu.memory_space<smem>>
    %add3A_1196 = vector.broadcast %get3A_1195 : f32 to vector<128x128xf32>
    %add3A_1197 = arith.addf %add3A_1193, %add3A_1196 : vector<128x128xf32>
    %max3A_1198 = arith.constant 0.000000e+00 : f32
    %max3A_1199 = vector.broadcast %max3A_1198 : f32 to vector<128x128xf32>
    %max3A_1200 = arith.maximumf %add3A_1197, %max3A_1199 : vector<128x128xf32>
    %get3A_1201 = arith.constant 49 : index
    %get3A_1202 = arith.constant 0 : index
    %get3A_1203 = memref.load %arg3[%get3A_1201, %get3A_1202] : memref<64x1xf32, #tpu.memory_space<smem>>
    %mul3A_1204 = vector.broadcast %get3A_1203 : f32 to vector<128x128xf32>
    %mul3A_1205 = arith.mulf %max3A_1200, %mul3A_1204 : vector<128x128xf32>
    %add3A_1206 = arith.addf %add3A_1182, %mul3A_1205 : vector<128x128xf32>
    %get3A_1207 = arith.constant 0 : index
    %get3A_1208 = arith.constant 50 : index
    %get3A_1209 = memref.load %arg1[%get3A_1207, %get3A_1208] : memref<2x64xf32, #tpu.memory_space<smem>>
    %mul3A_1210 = vector.broadcast %get3A_1209 : f32 to vector<128x128xf32>
    %mul3A_1211 = arith.mulf %get3A_3, %mul3A_1210 : vector<128x128xf32>
    %get3A_1212 = arith.constant 1 : index
    %get3A_1213 = arith.constant 50 : index
    %get3A_1214 = memref.load %arg1[%get3A_1212, %get3A_1213] : memref<2x64xf32, #tpu.memory_space<smem>>
    %mul3A_1215 = vector.broadcast %get3A_1214 : f32 to vector<128x128xf32>
    %mul3A_1216 = arith.mulf %get3A_8, %mul3A_1215 : vector<128x128xf32>
    %add3A_1217 = arith.addf %mul3A_1211, %mul3A_1216 : vector<128x128xf32>
    %get3A_1218 = arith.constant 50 : index
    %get3A_1219 = memref.load %arg2[%get3A_1218] : memref<64xf32, #tpu.memory_space<smem>>
    %add3A_1220 = vector.broadcast %get3A_1219 : f32 to vector<128x128xf32>
    %add3A_1221 = arith.addf %add3A_1217, %add3A_1220 : vector<128x128xf32>
    %max3A_1222 = arith.constant 0.000000e+00 : f32
    %max3A_1223 = vector.broadcast %max3A_1222 : f32 to vector<128x128xf32>
    %max3A_1224 = arith.maximumf %add3A_1221, %max3A_1223 : vector<128x128xf32>
    %get3A_1225 = arith.constant 50 : index
    %get3A_1226 = arith.constant 0 : index
    %get3A_1227 = memref.load %arg3[%get3A_1225, %get3A_1226] : memref<64x1xf32, #tpu.memory_space<smem>>
    %mul3A_1228 = vector.broadcast %get3A_1227 : f32 to vector<128x128xf32>
    %mul3A_1229 = arith.mulf %max3A_1224, %mul3A_1228 : vector<128x128xf32>
    %add3A_1230 = arith.addf %add3A_1206, %mul3A_1229 : vector<128x128xf32>
    %get3A_1231 = arith.constant 0 : index
    %get3A_1232 = arith.constant 51 : index
    %get3A_1233 = memref.load %arg1[%get3A_1231, %get3A_1232] : memref<2x64xf32, #tpu.memory_space<smem>>
    %mul3A_1234 = vector.broadcast %get3A_1233 : f32 to vector<128x128xf32>
    %mul3A_1235 = arith.mulf %get3A_3, %mul3A_1234 : vector<128x128xf32>
    %get3A_1236 = arith.constant 1 : index
    %get3A_1237 = arith.constant 51 : index
    %get3A_1238 = memref.load %arg1[%get3A_1236, %get3A_1237] : memref<2x64xf32, #tpu.memory_space<smem>>
    %mul3A_1239 = vector.broadcast %get3A_1238 : f32 to vector<128x128xf32>
    %mul3A_1240 = arith.mulf %get3A_8, %mul3A_1239 : vector<128x128xf32>
    %add3A_1241 = arith.addf %mul3A_1235, %mul3A_1240 : vector<128x128xf32>
    %get3A_1242 = arith.constant 51 : index
    %get3A_1243 = memref.load %arg2[%get3A_1242] : memref<64xf32, #tpu.memory_space<smem>>
    %add3A_1244 = vector.broadcast %get3A_1243 : f32 to vector<128x128xf32>
    %add3A_1245 = arith.addf %add3A_1241, %add3A_1244 : vector<128x128xf32>
    %max3A_1246 = arith.constant 0.000000e+00 : f32
    %max3A_1247 = vector.broadcast %max3A_1246 : f32 to vector<128x128xf32>
    %max3A_1248 = arith.maximumf %add3A_1245, %max3A_1247 : vector<128x128xf32>
    %get3A_1249 = arith.constant 51 : index
    %get3A_1250 = arith.constant 0 : index
    %get3A_1251 = memref.load %arg3[%get3A_1249, %get3A_1250] : memref<64x1xf32, #tpu.memory_space<smem>>
    %mul3A_1252 = vector.broadcast %get3A_1251 : f32 to vector<128x128xf32>
    %mul3A_1253 = arith.mulf %max3A_1248, %mul3A_1252 : vector<128x128xf32>
    %add3A_1254 = arith.addf %add3A_1230, %mul3A_1253 : vector<128x128xf32>
    %get3A_1255 = arith.constant 0 : index
    %get3A_1256 = arith.constant 52 : index
    %get3A_1257 = memref.load %arg1[%get3A_1255, %get3A_1256] : memref<2x64xf32, #tpu.memory_space<smem>>
    %mul3A_1258 = vector.broadcast %get3A_1257 : f32 to vector<128x128xf32>
    %mul3A_1259 = arith.mulf %get3A_3, %mul3A_1258 : vector<128x128xf32>
    %get3A_1260 = arith.constant 1 : index
    %get3A_1261 = arith.constant 52 : index
    %get3A_1262 = memref.load %arg1[%get3A_1260, %get3A_1261] : memref<2x64xf32, #tpu.memory_space<smem>>
    %mul3A_1263 = vector.broadcast %get3A_1262 : f32 to vector<128x128xf32>
    %mul3A_1264 = arith.mulf %get3A_8, %mul3A_1263 : vector<128x128xf32>
    %add3A_1265 = arith.addf %mul3A_1259, %mul3A_1264 : vector<128x128xf32>
    %get3A_1266 = arith.constant 52 : index
    %get3A_1267 = memref.load %arg2[%get3A_1266] : memref<64xf32, #tpu.memory_space<smem>>
    %add3A_1268 = vector.broadcast %get3A_1267 : f32 to vector<128x128xf32>
    %add3A_1269 = arith.addf %add3A_1265, %add3A_1268 : vector<128x128xf32>
    %max3A_1270 = arith.constant 0.000000e+00 : f32
    %max3A_1271 = vector.broadcast %max3A_1270 : f32 to vector<128x128xf32>
    %max3A_1272 = arith.maximumf %add3A_1269, %max3A_1271 : vector<128x128xf32>
    %get3A_1273 = arith.constant 52 : index
    %get3A_1274 = arith.constant 0 : index
    %get3A_1275 = memref.load %arg3[%get3A_1273, %get3A_1274] : memref<64x1xf32, #tpu.memory_space<smem>>
    %mul3A_1276 = vector.broadcast %get3A_1275 : f32 to vector<128x128xf32>
    %mul3A_1277 = arith.mulf %max3A_1272, %mul3A_1276 : vector<128x128xf32>
    %add3A_1278 = arith.addf %add3A_1254, %mul3A_1277 : vector<128x128xf32>
    %get3A_1279 = arith.constant 0 : index
    %get3A_1280 = arith.constant 53 : index
    %get3A_1281 = memref.load %arg1[%get3A_1279, %get3A_1280] : memref<2x64xf32, #tpu.memory_space<smem>>
    %mul3A_1282 = vector.broadcast %get3A_1281 : f32 to vector<128x128xf32>
    %mul3A_1283 = arith.mulf %get3A_3, %mul3A_1282 : vector<128x128xf32>
    %get3A_1284 = arith.constant 1 : index
    %get3A_1285 = arith.constant 53 : index
    %get3A_1286 = memref.load %arg1[%get3A_1284, %get3A_1285] : memref<2x64xf32, #tpu.memory_space<smem>>
    %mul3A_1287 = vector.broadcast %get3A_1286 : f32 to vector<128x128xf32>
    %mul3A_1288 = arith.mulf %get3A_8, %mul3A_1287 : vector<128x128xf32>
    %add3A_1289 = arith.addf %mul3A_1283, %mul3A_1288 : vector<128x128xf32>
    %get3A_1290 = arith.constant 53 : index
    %get3A_1291 = memref.load %arg2[%get3A_1290] : memref<64xf32, #tpu.memory_space<smem>>
    %add3A_1292 = vector.broadcast %get3A_1291 : f32 to vector<128x128xf32>
    %add3A_1293 = arith.addf %add3A_1289, %add3A_1292 : vector<128x128xf32>
    %max3A_1294 = arith.constant 0.000000e+00 : f32
    %max3A_1295 = vector.broadcast %max3A_1294 : f32 to vector<128x128xf32>
    %max3A_1296 = arith.maximumf %add3A_1293, %max3A_1295 : vector<128x128xf32>
    %get3A_1297 = arith.constant 53 : index
    %get3A_1298 = arith.constant 0 : index
    %get3A_1299 = memref.load %arg3[%get3A_1297, %get3A_1298] : memref<64x1xf32, #tpu.memory_space<smem>>
    %mul3A_1300 = vector.broadcast %get3A_1299 : f32 to vector<128x128xf32>
    %mul3A_1301 = arith.mulf %max3A_1296, %mul3A_1300 : vector<128x128xf32>
    %add3A_1302 = arith.addf %add3A_1278, %mul3A_1301 : vector<128x128xf32>
    %get3A_1303 = arith.constant 0 : index
    %get3A_1304 = arith.constant 54 : index
    %get3A_1305 = memref.load %arg1[%get3A_1303, %get3A_1304] : memref<2x64xf32, #tpu.memory_space<smem>>
    %mul3A_1306 = vector.broadcast %get3A_1305 : f32 to vector<128x128xf32>
    %mul3A_1307 = arith.mulf %get3A_3, %mul3A_1306 : vector<128x128xf32>
    %get3A_1308 = arith.constant 1 : index
    %get3A_1309 = arith.constant 54 : index
    %get3A_1310 = memref.load %arg1[%get3A_1308, %get3A_1309] : memref<2x64xf32, #tpu.memory_space<smem>>
    %mul3A_1311 = vector.broadcast %get3A_1310 : f32 to vector<128x128xf32>
    %mul3A_1312 = arith.mulf %get3A_8, %mul3A_1311 : vector<128x128xf32>
    %add3A_1313 = arith.addf %mul3A_1307, %mul3A_1312 : vector<128x128xf32>
    %get3A_1314 = arith.constant 54 : index
    %get3A_1315 = memref.load %arg2[%get3A_1314] : memref<64xf32, #tpu.memory_space<smem>>
    %add3A_1316 = vector.broadcast %get3A_1315 : f32 to vector<128x128xf32>
    %add3A_1317 = arith.addf %add3A_1313, %add3A_1316 : vector<128x128xf32>
    %max3A_1318 = arith.constant 0.000000e+00 : f32
    %max3A_1319 = vector.broadcast %max3A_1318 : f32 to vector<128x128xf32>
    %max3A_1320 = arith.maximumf %add3A_1317, %max3A_1319 : vector<128x128xf32>
    %get3A_1321 = arith.constant 54 : index
    %get3A_1322 = arith.constant 0 : index
    %get3A_1323 = memref.load %arg3[%get3A_1321, %get3A_1322] : memref<64x1xf32, #tpu.memory_space<smem>>
    %mul3A_1324 = vector.broadcast %get3A_1323 : f32 to vector<128x128xf32>
    %mul3A_1325 = arith.mulf %max3A_1320, %mul3A_1324 : vector<128x128xf32>
    %add3A_1326 = arith.addf %add3A_1302, %mul3A_1325 : vector<128x128xf32>
    %get3A_1327 = arith.constant 0 : index
    %get3A_1328 = arith.constant 55 : index
    %get3A_1329 = memref.load %arg1[%get3A_1327, %get3A_1328] : memref<2x64xf32, #tpu.memory_space<smem>>
    %mul3A_1330 = vector.broadcast %get3A_1329 : f32 to vector<128x128xf32>
    %mul3A_1331 = arith.mulf %get3A_3, %mul3A_1330 : vector<128x128xf32>
    %get3A_1332 = arith.constant 1 : index
    %get3A_1333 = arith.constant 55 : index
    %get3A_1334 = memref.load %arg1[%get3A_1332, %get3A_1333] : memref<2x64xf32, #tpu.memory_space<smem>>
    %mul3A_1335 = vector.broadcast %get3A_1334 : f32 to vector<128x128xf32>
    %mul3A_1336 = arith.mulf %get3A_8, %mul3A_1335 : vector<128x128xf32>
    %add3A_1337 = arith.addf %mul3A_1331, %mul3A_1336 : vector<128x128xf32>
    %get3A_1338 = arith.constant 55 : index
    %get3A_1339 = memref.load %arg2[%get3A_1338] : memref<64xf32, #tpu.memory_space<smem>>
    %add3A_1340 = vector.broadcast %get3A_1339 : f32 to vector<128x128xf32>
    %add3A_1341 = arith.addf %add3A_1337, %add3A_1340 : vector<128x128xf32>
    %max3A_1342 = arith.constant 0.000000e+00 : f32
    %max3A_1343 = vector.broadcast %max3A_1342 : f32 to vector<128x128xf32>
    %max3A_1344 = arith.maximumf %add3A_1341, %max3A_1343 : vector<128x128xf32>
    %get3A_1345 = arith.constant 55 : index
    %get3A_1346 = arith.constant 0 : index
    %get3A_1347 = memref.load %arg3[%get3A_1345, %get3A_1346] : memref<64x1xf32, #tpu.memory_space<smem>>
    %mul3A_1348 = vector.broadcast %get3A_1347 : f32 to vector<128x128xf32>
    %mul3A_1349 = arith.mulf %max3A_1344, %mul3A_1348 : vector<128x128xf32>
    %add3A_1350 = arith.addf %add3A_1326, %mul3A_1349 : vector<128x128xf32>
    %get3A_1351 = arith.constant 0 : index
    %get3A_1352 = arith.constant 56 : index
    %get3A_1353 = memref.load %arg1[%get3A_1351, %get3A_1352] : memref<2x64xf32, #tpu.memory_space<smem>>
    %mul3A_1354 = vector.broadcast %get3A_1353 : f32 to vector<128x128xf32>
    %mul3A_1355 = arith.mulf %get3A_3, %mul3A_1354 : vector<128x128xf32>
    %get3A_1356 = arith.constant 1 : index
    %get3A_1357 = arith.constant 56 : index
    %get3A_1358 = memref.load %arg1[%get3A_1356, %get3A_1357] : memref<2x64xf32, #tpu.memory_space<smem>>
    %mul3A_1359 = vector.broadcast %get3A_1358 : f32 to vector<128x128xf32>
    %mul3A_1360 = arith.mulf %get3A_8, %mul3A_1359 : vector<128x128xf32>
    %add3A_1361 = arith.addf %mul3A_1355, %mul3A_1360 : vector<128x128xf32>
    %get3A_1362 = arith.constant 56 : index
    %get3A_1363 = memref.load %arg2[%get3A_1362] : memref<64xf32, #tpu.memory_space<smem>>
    %add3A_1364 = vector.broadcast %get3A_1363 : f32 to vector<128x128xf32>
    %add3A_1365 = arith.addf %add3A_1361, %add3A_1364 : vector<128x128xf32>
    %max3A_1366 = arith.constant 0.000000e+00 : f32
    %max3A_1367 = vector.broadcast %max3A_1366 : f32 to vector<128x128xf32>
    %max3A_1368 = arith.maximumf %add3A_1365, %max3A_1367 : vector<128x128xf32>
    %get3A_1369 = arith.constant 56 : index
    %get3A_1370 = arith.constant 0 : index
    %get3A_1371 = memref.load %arg3[%get3A_1369, %get3A_1370] : memref<64x1xf32, #tpu.memory_space<smem>>
    %mul3A_1372 = vector.broadcast %get3A_1371 : f32 to vector<128x128xf32>
    %mul3A_1373 = arith.mulf %max3A_1368, %mul3A_1372 : vector<128x128xf32>
    %add3A_1374 = arith.addf %add3A_1350, %mul3A_1373 : vector<128x128xf32>
    %get3A_1375 = arith.constant 0 : index
    %get3A_1376 = arith.constant 57 : index
    %get3A_1377 = memref.load %arg1[%get3A_1375, %get3A_1376] : memref<2x64xf32, #tpu.memory_space<smem>>
    %mul3A_1378 = vector.broadcast %get3A_1377 : f32 to vector<128x128xf32>
    %mul3A_1379 = arith.mulf %get3A_3, %mul3A_1378 : vector<128x128xf32>
    %get3A_1380 = arith.constant 1 : index
    %get3A_1381 = arith.constant 57 : index
    %get3A_1382 = memref.load %arg1[%get3A_1380, %get3A_1381] : memref<2x64xf32, #tpu.memory_space<smem>>
    %mul3A_1383 = vector.broadcast %get3A_1382 : f32 to vector<128x128xf32>
    %mul3A_1384 = arith.mulf %get3A_8, %mul3A_1383 : vector<128x128xf32>
    %add3A_1385 = arith.addf %mul3A_1379, %mul3A_1384 : vector<128x128xf32>
    %get3A_1386 = arith.constant 57 : index
    %get3A_1387 = memref.load %arg2[%get3A_1386] : memref<64xf32, #tpu.memory_space<smem>>
    %add3A_1388 = vector.broadcast %get3A_1387 : f32 to vector<128x128xf32>
    %add3A_1389 = arith.addf %add3A_1385, %add3A_1388 : vector<128x128xf32>
    %max3A_1390 = arith.constant 0.000000e+00 : f32
    %max3A_1391 = vector.broadcast %max3A_1390 : f32 to vector<128x128xf32>
    %max3A_1392 = arith.maximumf %add3A_1389, %max3A_1391 : vector<128x128xf32>
    %get3A_1393 = arith.constant 57 : index
    %get3A_1394 = arith.constant 0 : index
    %get3A_1395 = memref.load %arg3[%get3A_1393, %get3A_1394] : memref<64x1xf32, #tpu.memory_space<smem>>
    %mul3A_1396 = vector.broadcast %get3A_1395 : f32 to vector<128x128xf32>
    %mul3A_1397 = arith.mulf %max3A_1392, %mul3A_1396 : vector<128x128xf32>
    %add3A_1398 = arith.addf %add3A_1374, %mul3A_1397 : vector<128x128xf32>
    %get3A_1399 = arith.constant 0 : index
    %get3A_1400 = arith.constant 58 : index
    %get3A_1401 = memref.load %arg1[%get3A_1399, %get3A_1400] : memref<2x64xf32, #tpu.memory_space<smem>>
    %mul3A_1402 = vector.broadcast %get3A_1401 : f32 to vector<128x128xf32>
    %mul3A_1403 = arith.mulf %get3A_3, %mul3A_1402 : vector<128x128xf32>
    %get3A_1404 = arith.constant 1 : index
    %get3A_1405 = arith.constant 58 : index
    %get3A_1406 = memref.load %arg1[%get3A_1404, %get3A_1405] : memref<2x64xf32, #tpu.memory_space<smem>>
    %mul3A_1407 = vector.broadcast %get3A_1406 : f32 to vector<128x128xf32>
    %mul3A_1408 = arith.mulf %get3A_8, %mul3A_1407 : vector<128x128xf32>
    %add3A_1409 = arith.addf %mul3A_1403, %mul3A_1408 : vector<128x128xf32>
    %get3A_1410 = arith.constant 58 : index
    %get3A_1411 = memref.load %arg2[%get3A_1410] : memref<64xf32, #tpu.memory_space<smem>>
    %add3A_1412 = vector.broadcast %get3A_1411 : f32 to vector<128x128xf32>
    %add3A_1413 = arith.addf %add3A_1409, %add3A_1412 : vector<128x128xf32>
    %max3A_1414 = arith.constant 0.000000e+00 : f32
    %max3A_1415 = vector.broadcast %max3A_1414 : f32 to vector<128x128xf32>
    %max3A_1416 = arith.maximumf %add3A_1413, %max3A_1415 : vector<128x128xf32>
    %get3A_1417 = arith.constant 58 : index
    %get3A_1418 = arith.constant 0 : index
    %get3A_1419 = memref.load %arg3[%get3A_1417, %get3A_1418] : memref<64x1xf32, #tpu.memory_space<smem>>
    %mul3A_1420 = vector.broadcast %get3A_1419 : f32 to vector<128x128xf32>
    %mul3A_1421 = arith.mulf %max3A_1416, %mul3A_1420 : vector<128x128xf32>
    %add3A_1422 = arith.addf %add3A_1398, %mul3A_1421 : vector<128x128xf32>
    %get3A_1423 = arith.constant 0 : index
    %get3A_1424 = arith.constant 59 : index
    %get3A_1425 = memref.load %arg1[%get3A_1423, %get3A_1424] : memref<2x64xf32, #tpu.memory_space<smem>>
    %mul3A_1426 = vector.broadcast %get3A_1425 : f32 to vector<128x128xf32>
    %mul3A_1427 = arith.mulf %get3A_3, %mul3A_1426 : vector<128x128xf32>
    %get3A_1428 = arith.constant 1 : index
    %get3A_1429 = arith.constant 59 : index
    %get3A_1430 = memref.load %arg1[%get3A_1428, %get3A_1429] : memref<2x64xf32, #tpu.memory_space<smem>>
    %mul3A_1431 = vector.broadcast %get3A_1430 : f32 to vector<128x128xf32>
    %mul3A_1432 = arith.mulf %get3A_8, %mul3A_1431 : vector<128x128xf32>
    %add3A_1433 = arith.addf %mul3A_1427, %mul3A_1432 : vector<128x128xf32>
    %get3A_1434 = arith.constant 59 : index
    %get3A_1435 = memref.load %arg2[%get3A_1434] : memref<64xf32, #tpu.memory_space<smem>>
    %add3A_1436 = vector.broadcast %get3A_1435 : f32 to vector<128x128xf32>
    %add3A_1437 = arith.addf %add3A_1433, %add3A_1436 : vector<128x128xf32>
    %max3A_1438 = arith.constant 0.000000e+00 : f32
    %max3A_1439 = vector.broadcast %max3A_1438 : f32 to vector<128x128xf32>
    %max3A_1440 = arith.maximumf %add3A_1437, %max3A_1439 : vector<128x128xf32>
    %get3A_1441 = arith.constant 59 : index
    %get3A_1442 = arith.constant 0 : index
    %get3A_1443 = memref.load %arg3[%get3A_1441, %get3A_1442] : memref<64x1xf32, #tpu.memory_space<smem>>
    %mul3A_1444 = vector.broadcast %get3A_1443 : f32 to vector<128x128xf32>
    %mul3A_1445 = arith.mulf %max3A_1440, %mul3A_1444 : vector<128x128xf32>
    %add3A_1446 = arith.addf %add3A_1422, %mul3A_1445 : vector<128x128xf32>
    %get3A_1447 = arith.constant 0 : index
    %get3A_1448 = arith.constant 60 : index
    %get3A_1449 = memref.load %arg1[%get3A_1447, %get3A_1448] : memref<2x64xf32, #tpu.memory_space<smem>>
    %mul3A_1450 = vector.broadcast %get3A_1449 : f32 to vector<128x128xf32>
    %mul3A_1451 = arith.mulf %get3A_3, %mul3A_1450 : vector<128x128xf32>
    %get3A_1452 = arith.constant 1 : index
    %get3A_1453 = arith.constant 60 : index
    %get3A_1454 = memref.load %arg1[%get3A_1452, %get3A_1453] : memref<2x64xf32, #tpu.memory_space<smem>>
    %mul3A_1455 = vector.broadcast %get3A_1454 : f32 to vector<128x128xf32>
    %mul3A_1456 = arith.mulf %get3A_8, %mul3A_1455 : vector<128x128xf32>
    %add3A_1457 = arith.addf %mul3A_1451, %mul3A_1456 : vector<128x128xf32>
    %get3A_1458 = arith.constant 60 : index
    %get3A_1459 = memref.load %arg2[%get3A_1458] : memref<64xf32, #tpu.memory_space<smem>>
    %add3A_1460 = vector.broadcast %get3A_1459 : f32 to vector<128x128xf32>
    %add3A_1461 = arith.addf %add3A_1457, %add3A_1460 : vector<128x128xf32>
    %max3A_1462 = arith.constant 0.000000e+00 : f32
    %max3A_1463 = vector.broadcast %max3A_1462 : f32 to vector<128x128xf32>
    %max3A_1464 = arith.maximumf %add3A_1461, %max3A_1463 : vector<128x128xf32>
    %get3A_1465 = arith.constant 60 : index
    %get3A_1466 = arith.constant 0 : index
    %get3A_1467 = memref.load %arg3[%get3A_1465, %get3A_1466] : memref<64x1xf32, #tpu.memory_space<smem>>
    %mul3A_1468 = vector.broadcast %get3A_1467 : f32 to vector<128x128xf32>
    %mul3A_1469 = arith.mulf %max3A_1464, %mul3A_1468 : vector<128x128xf32>
    %add3A_1470 = arith.addf %add3A_1446, %mul3A_1469 : vector<128x128xf32>
    %get3A_1471 = arith.constant 0 : index
    %get3A_1472 = arith.constant 61 : index
    %get3A_1473 = memref.load %arg1[%get3A_1471, %get3A_1472] : memref<2x64xf32, #tpu.memory_space<smem>>
    %mul3A_1474 = vector.broadcast %get3A_1473 : f32 to vector<128x128xf32>
    %mul3A_1475 = arith.mulf %get3A_3, %mul3A_1474 : vector<128x128xf32>
    %get3A_1476 = arith.constant 1 : index
    %get3A_1477 = arith.constant 61 : index
    %get3A_1478 = memref.load %arg1[%get3A_1476, %get3A_1477] : memref<2x64xf32, #tpu.memory_space<smem>>
    %mul3A_1479 = vector.broadcast %get3A_1478 : f32 to vector<128x128xf32>
    %mul3A_1480 = arith.mulf %get3A_8, %mul3A_1479 : vector<128x128xf32>
    %add3A_1481 = arith.addf %mul3A_1475, %mul3A_1480 : vector<128x128xf32>
    %get3A_1482 = arith.constant 61 : index
    %get3A_1483 = memref.load %arg2[%get3A_1482] : memref<64xf32, #tpu.memory_space<smem>>
    %add3A_1484 = vector.broadcast %get3A_1483 : f32 to vector<128x128xf32>
    %add3A_1485 = arith.addf %add3A_1481, %add3A_1484 : vector<128x128xf32>
    %max3A_1486 = arith.constant 0.000000e+00 : f32
    %max3A_1487 = vector.broadcast %max3A_1486 : f32 to vector<128x128xf32>
    %max3A_1488 = arith.maximumf %add3A_1485, %max3A_1487 : vector<128x128xf32>
    %get3A_1489 = arith.constant 61 : index
    %get3A_1490 = arith.constant 0 : index
    %get3A_1491 = memref.load %arg3[%get3A_1489, %get3A_1490] : memref<64x1xf32, #tpu.memory_space<smem>>
    %mul3A_1492 = vector.broadcast %get3A_1491 : f32 to vector<128x128xf32>
    %mul3A_1493 = arith.mulf %max3A_1488, %mul3A_1492 : vector<128x128xf32>
    %add3A_1494 = arith.addf %add3A_1470, %mul3A_1493 : vector<128x128xf32>
    %get3A_1495 = arith.constant 0 : index
    %get3A_1496 = arith.constant 62 : index
    %get3A_1497 = memref.load %arg1[%get3A_1495, %get3A_1496] : memref<2x64xf32, #tpu.memory_space<smem>>
    %mul3A_1498 = vector.broadcast %get3A_1497 : f32 to vector<128x128xf32>
    %mul3A_1499 = arith.mulf %get3A_3, %mul3A_1498 : vector<128x128xf32>
    %get3A_1500 = arith.constant 1 : index
    %get3A_1501 = arith.constant 62 : index
    %get3A_1502 = memref.load %arg1[%get3A_1500, %get3A_1501] : memref<2x64xf32, #tpu.memory_space<smem>>
    %mul3A_1503 = vector.broadcast %get3A_1502 : f32 to vector<128x128xf32>
    %mul3A_1504 = arith.mulf %get3A_8, %mul3A_1503 : vector<128x128xf32>
    %add3A_1505 = arith.addf %mul3A_1499, %mul3A_1504 : vector<128x128xf32>
    %get3A_1506 = arith.constant 62 : index
    %get3A_1507 = memref.load %arg2[%get3A_1506] : memref<64xf32, #tpu.memory_space<smem>>
    %add3A_1508 = vector.broadcast %get3A_1507 : f32 to vector<128x128xf32>
    %add3A_1509 = arith.addf %add3A_1505, %add3A_1508 : vector<128x128xf32>
    %max3A_1510 = arith.constant 0.000000e+00 : f32
    %max3A_1511 = vector.broadcast %max3A_1510 : f32 to vector<128x128xf32>
    %max3A_1512 = arith.maximumf %add3A_1509, %max3A_1511 : vector<128x128xf32>
    %get3A_1513 = arith.constant 62 : index
    %get3A_1514 = arith.constant 0 : index
    %get3A_1515 = memref.load %arg3[%get3A_1513, %get3A_1514] : memref<64x1xf32, #tpu.memory_space<smem>>
    %mul3A_1516 = vector.broadcast %get3A_1515 : f32 to vector<128x128xf32>
    %mul3A_1517 = arith.mulf %max3A_1512, %mul3A_1516 : vector<128x128xf32>
    %add3A_1518 = arith.addf %add3A_1494, %mul3A_1517 : vector<128x128xf32>
    %get3A_1519 = arith.constant 0 : index
    %get3A_1520 = arith.constant 63 : index
    %get3A_1521 = memref.load %arg1[%get3A_1519, %get3A_1520] : memref<2x64xf32, #tpu.memory_space<smem>>
    %mul3A_1522 = vector.broadcast %get3A_1521 : f32 to vector<128x128xf32>
    %mul3A_1523 = arith.mulf %get3A_3, %mul3A_1522 : vector<128x128xf32>
    %get3A_1524 = arith.constant 1 : index
    %get3A_1525 = arith.constant 63 : index
    %get3A_1526 = memref.load %arg1[%get3A_1524, %get3A_1525] : memref<2x64xf32, #tpu.memory_space<smem>>
    %mul3A_1527 = vector.broadcast %get3A_1526 : f32 to vector<128x128xf32>
    %mul3A_1528 = arith.mulf %get3A_8, %mul3A_1527 : vector<128x128xf32>
    %add3A_1529 = arith.addf %mul3A_1523, %mul3A_1528 : vector<128x128xf32>
    %get3A_1530 = arith.constant 63 : index
    %get3A_1531 = memref.load %arg2[%get3A_1530] : memref<64xf32, #tpu.memory_space<smem>>
    %add3A_1532 = vector.broadcast %get3A_1531 : f32 to vector<128x128xf32>
    %add3A_1533 = arith.addf %add3A_1529, %add3A_1532 : vector<128x128xf32>
    %max3A_1534 = arith.constant 0.000000e+00 : f32
    %max3A_1535 = vector.broadcast %max3A_1534 : f32 to vector<128x128xf32>
    %max3A_1536 = arith.maximumf %add3A_1533, %max3A_1535 : vector<128x128xf32>
    %get3A_1537 = arith.constant 63 : index
    %get3A_1538 = arith.constant 0 : index
    %get3A_1539 = memref.load %arg3[%get3A_1537, %get3A_1538] : memref<64x1xf32, #tpu.memory_space<smem>>
    %mul3A_1540 = vector.broadcast %get3A_1539 : f32 to vector<128x128xf32>
    %mul3A_1541 = arith.mulf %max3A_1536, %mul3A_1540 : vector<128x128xf32>
    %add3A_1542 = arith.addf %add3A_1518, %mul3A_1541 : vector<128x128xf32>
    %get3A_1543 = arith.constant 0 : index
    %get3A_1544 = memref.load %arg4[%get3A_1543] : memref<1xf32, #tpu.memory_space<smem>>
    %add3A_1545 = vector.broadcast %get3A_1544 : f32 to vector<128x128xf32>
    %add3A_1546 = arith.addf %add3A_1542, %add3A_1545 : vector<128x128xf32>
    %neg3A = arith.constant 0.000000e+00 : f32
    %neg3A_1547 = vector.broadcast %neg3A : f32 to vector<128x128xf32>
    %neg3A_1548 = arith.subf %neg3A_1547, %add3A_1546 : vector<128x128xf32>
    %exp3A = math.exp %neg3A_1548 : vector<128x128xf32>
    %add3A_1549 = arith.constant 1.000000e+00 : f32
    %add3A_1550 = vector.broadcast %add3A_1549 : f32 to vector<128x128xf32>
    %add3A_1551 = arith.addf %add3A_1550, %exp3A : vector<128x128xf32>
    %div3A = arith.constant 1.000000e+00 : f32
    %div3A_1552 = vector.broadcast %div3A : f32 to vector<128x128xf32>
    %div3A_1553 = arith.divf %div3A_1552, %add3A_1551 : vector<128x128xf32>
    %swap3A = arith.constant 0 : index
    %swap3A_1554 = arith.constant 0 : index
    %swap3A_1555 = vector.load %arg5[%swap3A, %swap3A_1554] : memref<128x128xf32, #tpu.memory_space<vmem>>, vector<128x128xf32>
    tpu.vector_store %arg5[%swap3A, %swap3A_1554], %div3A_1553 {strides = array<i32>} : memref<128x128xf32, #tpu.memory_space<vmem>>, vector<128x128xf32>,
    return
  }
}

</mosaic_0001>

<sc_bundles>
// kernel: kernel.4.cloned.1.call-start
scs
__scs_entry_jumppad:
0x0: {  	(pc) =	sbr.rel $0x88, $3  }
0x1: {  	(tag) =	ssettag $0x0;
	lr =	simm.s32 $0x1  }
0x2: {  	[smem:$0x3F9C] =	sst lr;
	_ =	strace $0xD0000000  }
0x3: {  	_ = 	snop  }
0x4: {  	_ = 	snop  }
0x5: {  	_ = 	snop  }
0x6: {  	_ = 	snop  }
0x7: {  	_ = 	snop  }
__scs_overlays_trampoline_lowered:
0x8: {  	[smem:$0x3FAB] =	sst s0  }
0x9: {  	[smem:$0x3FAC] =	sst s1  }
0xa: {  	[smem:$0x3FAD] =	sst s2  }
0xb: {  	[smem:$0x3FAE] =	sst s3  }
0xc: {  	[smem:$0x3FAF] =	sst s4  }
0xd: {  	[smem:$0x3FB0] =	sst s5  }
0xe: {  	[smem:$0x3FB1] =	sst s6  }
0xf: {  	[smem:$0x3FB2] =	sst s7  }
0x10: {  	[smem:$0x3FB3] =	sst s8  }
0x11: {  	[smem:$0x3FB4] =	sst s9;
	s0 =	simm.s32 @!p0 $0x0  }
0x12: {  	s1 =	sld [smem:$0x3F9A];
	s0 =	simm.s32 @p0 $0x1  }
0x13: {  	[smem:$0x3FB5] =	sst s0;
	s0 =	simm.s32 @!p1 $0x0  }
0x14: {  	s2 =	sld [smem:$0x3F99];
	s0 =	simm.s32 @p1 $0x1  }
0x15: {  	[smem:$0x3FB6] =	sst s0;
	s0 =	simm.s32 @!p2 $0x0  }
0x16: {  	s3 =	sld [smem:$0x3FDB];
	s0 =	simm.s32 @p2 $0x1  }
0x17: {  	s4 =	simm.s32 $0x1BF5;
	[smem:$0x3FB8] =	sst s0  }
0x18: {  	s0 =	sld [smem:$0x3F9B];
	_ =	swait.ge [sflag:s4], $0x0  }
0x19: {  	s7 =	sld [smem:$0x3F9C]  }
0x1a: {  	s8 =	sadd.s32 $0xFFFFE003, lr  }
0x1b: {  	s9 =	sadd.s32 $0xFFFFFEF7, lr;
	s5 =	simm.s32 $0xFFFFFFFF;
	p2 =	slt.u32 s8, $0xFFFFF086  }
0x1c: {  	p1 =	slt.u32 s9, $0xF7A;
	s5 =	simm.s32 @!p2 $0x0  }
0x1d: {  	s5 =	simm.s32 @p1 $0x1;
	p0 =	seq.s32 s7, s2  }
0x1e: {  	s7 =	smul.u32 @!p0 $0xF7A, s2;
	p2 =	seq.s32 @!p0 s5, $0x0  }
0x1f: {  	s9 =	smul.u32 $0xF7A, s1;
	s8 =	simm.s32 @!p0 $0x1BF5;
	p2 =	por !p2, p0  }
0x20: {  	[sflag:s8] =	ssyncset.s32 @!p0 $0xFFFFF086;
	s6 =	sadd.s32 @!p0 s3, s7;
	s7 =	simm.s32 @!p0 $0x108  }
0x21: {  	s3 =	sadd.s32 s3, s9;
	s6 =	sadd.s32 @!p0 $0x88, s6;
	s7 =	simm.s32 @p2 $0x1082  }
0x22: {  	[simem:s7], [sflag:s8] =	dma.local @!p0 [hbm:s6], $0xF7A  }
0x23: {  	s9 =	sor.u32 $0xD0000000, s2;
	s6 =	simm.s32 $0x108;
	_ =	swait.ge @!p0 [sflag:s8], $0x0  }
0x24: {  	s3 =	sadd.s32 $0x88, s3;
	s6 =	simm.s32 @!p1 $0x1082;
	[sflag:s4] =	ssyncset.s32 $0xFFFFF086  }
0x25: {  	[simem:s6], [sflag:s4] =	dma.local [hbm:s3], $0xF7A  }
0x26: {  	[smem:$0x3F9C] =	sst s1;
	(tag) =	ssettag s2;
	_ =	strace s9  }
0x27: {  	s1 =	sld [smem:$0x3FAC]  }
0x28: {  	s2 =	sld [smem:$0x3FAD]  }
0x29: {  	s4 =	sld [smem:$0x3FAF]  }
0x2a: {  	p0 =	seq.s32 s5, $0x0;
	s5 =	sld [smem:$0x3FB0]  }
0x2b: {  	s6 =	sld [smem:$0x3FB1]  }
0x2c: {  	s7 =	sld [smem:$0x3FB2]  }
0x2d: {  	s3 =	simm.s32 $0x108;
	s8 =	sld [smem:$0x3FB3]  }
0x2e: {  	s3 =	simm.s32 @!p0 $0x1082;
	s9 =	sld [smem:$0x3FB4]  }
0x2f: {  	lr =	sadd.s32 s0, s3;
	s0 =	sld [smem:$0x3FAB]  }
0x30: {  	s3 =	sld [smem:$0x3FAE]  }
0x31: {  	[smem:$0x3FB7] =	sst s10  }
0x32: {  	s10 =	sld [smem:$0x3FB5];
	_ =	sdelay $0x3  }
0x33: {  	p0 =	seq.s32 s10, $0x1;
	s10 =	sld [smem:$0x3FB7];
	_ =	sdelay $0x3  }
0x34: {  	[smem:$0x3FB7] =	sst s10  }
0x35: {  	s10 =	sld [smem:$0x3FB6];
	_ =	sdelay $0x3  }
0x36: {  	p1 =	seq.s32 s10, $0x1;
	s10 =	sld [smem:$0x3FB7];
	_ =	sdelay $0x3  }
0x37: {  	[smem:$0x3FB7] =	sst s10  }
0x38: {  	s10 =	sld [smem:$0x3FB8]  }
0x39: {  	_ = 	snop;
	(pc) =	sbr.ind lr, $3  }
0x3a: {  	_ = 	snop  }
0x3b: {  	_ = 	snop  }
0x3c: {  	p2 =	seq.s32 s10, $0x1;
	s10 =	sld [smem:$0x3FB7]  }
0x3d: {  	_ =	shalt  }
0x3e: {  	_ =	shalt  }
0x3f: {  	_ =	shalt  }
0x40: {  	_ =	shalt  }
0x41: {  	_ =	shalt  }
0x42: {  	_ =	shalt  }
0x43: {  	_ =	shalt  }
0x44: {  	_ =	shalt  }
0x45: {  	_ =	shalt  }
0x46: {  	_ =	shalt  }
0x47: {  	_ =	shalt  }
0x48: {  	_ =	shalt  }
0x49: {  	_ =	shalt  }
0x4a: {  	_ =	shalt  }
0x4b: {  	_ =	shalt  }
0x4c: {  	_ =	shalt  }
0x4d: {  	_ =	shalt  }
0x4e: {  	_ =	shalt  }
0x4f: {  	_ =	shalt  }
0x50: {  	_ =	shalt  }
0x51: {  	_ =	shalt  }
0x52: {  	_ =	shalt  }
0x53: {  	_ =	shalt  }
0x54: {  	_ =	shalt  }
0x55: {  	_ =	shalt  }
0x56: {  	_ =	shalt  }
0x57: {  	_ =	shalt  }
0x58: {  	_ =	shalt  }
0x59: {  	_ =	shalt  }
0x5a: {  	_ =	shalt  }
0x5b: {  	_ =	shalt  }
0x5c: {  	_ =	shalt  }
0x5d: {  	_ =	shalt  }
0x5e: {  	_ =	shalt  }
0x5f: {  	_ =	shalt  }
0x60: {  	_ =	shalt  }
0x61: {  	_ =	shalt  }
0x62: {  	_ =	shalt  }
0x63: {  	_ =	shalt  }
0x64: {  	_ =	shalt  }
0x65: {  	_ =	shalt  }
0x66: {  	_ =	shalt  }
0x67: {  	_ =	shalt  }
0x68: {  	_ =	shalt  }
0x69: {  	_ =	shalt  }
0x6a: {  	_ =	shalt  }
0x6b: {  	_ =	shalt  }
0x6c: {  	_ =	shalt  }
0x6d: {  	_ =	shalt  }
0x6e: {  	_ =	shalt  }
0x6f: {  	_ =	shalt  }
0x70: {  	_ =	shalt  }
0x71: {  	_ =	shalt  }
0x72: {  	_ =	shalt  }
0x73: {  	_ =	shalt  }
0x74: {  	_ =	shalt  }
0x75: {  	_ =	shalt  }
0x76: {  	_ =	shalt  }
0x77: {  	_ =	shalt  }
0x78: {  	_ =	shalt  }
0x79: {  	_ =	shalt  }
0x7a: {  	_ =	shalt  }
0x7b: {  	_ =	shalt  }
0x7c: {  	_ =	shalt  }
0x7d: {  	_ =	shalt  }
0x7e: {  	_ =	shalt  }
0x7f: {  	_ =	shalt  }
0x80: {  	_ =	shalt  }
0x81: {  	_ =	shalt  }
0x82: {  	_ =	shalt  }
0x83: {  	_ =	shalt  }
0x84: {  	_ =	shalt  }
0x85: {  	_ =	shalt  }
0x86: {  	_ =	shalt  }
0x87: {  	_ =	shalt  }
.Lfunc_end0:
.L_simem_size_0:
called_computation_lowered:
.L_overlay_start_0:
0x88: {  	s2 =	sld [smem:$0x3FD9]  }
0x89: {  	s3 =	sld [smem:$0x3FFE];
	_ =	sdelay $0x1  }
0x8a: {  	s1 =	srdreg.scid  }
0x8b: {  	s0 =	sand.u32 $0x1, s1  }
0x8c: {  	s17 =	sshll.u32 s0, $0xA;
	s2 =	sadd.s32 s3, s2  }
0x8d: {  	s2 =	sadd.s32 s2, s17  }
0x8e: {  	[smem:$0x3FC3] =	sst s2  }
0x8f: {  	_ = 	snop  }
0x90: {  	s2 =	sld [smem:$0x3FC9]  }
0x91: {  	s18 =	sld [smem:$0x3FD0];
	(tm) =	ssettm $0x1  }
0x92: {  	s4 =	sld [smem:$0x3FFB];
	_ =	sdelay $0x3  }
0x93: {  	_ =	strace s4  }
0x94: {  	s4 =	sld [smem:$0x3FFC];
	_ =	sdelay $0x3  }
0x95: {  	_ =	strace s4  }
0x96: {  	s4 =	sld [smem:$0x3FFD];
	_ =	sdelay $0x3  }
0x97: {  	_ =	strace s4  }
0x98: {  	_ =	strace $0x8FFFFFFF  }
0x99: {  	s19 =	sld [smem:$0x3FDB];
	_ =	sdelay $0x1  }
0x9a: {  	s5 =	simm.s32 $_scs_section_size  }
0x9b: {  	s6 =	simm.s32 $_size__tile_overlayer_lowered;
	s7 =	simm.s32 $_tile_overlayer_lowered  }
0x9c: {  	s22 =	simm.s32 $0x1BFF;
	s21 =	sshll.u32 s7, $0x1;
	s4 =	sadd.s32 s5, s19  }
0x9d: {  	s8 =	simm.s32 $0x0;
	s20 =	sshll.u32 s6, $0x1;
	s6 =	sadd.s32 s21, s4  }
0x9e: {  	[timem:s8], [sflag:s22] =	dma.local [hbm:s6], s20  }
0x9f: {  	_ =	swait.ge [sflag:s22], s20  }
0xa0: {  	s5 =	ssub.s32 $0x0, s20;
	[sflag:s22] =	ssyncset.done $0x0  }
0xa1: {  	[sflag:s22] =	ssyncadd.s32 s5;
	_ =	sdelay $0x1  }
0xa2: {  	s23 =	simm.s32 $0x1B8B  }
0xa3: {  	_ =	swait.ge [sflag:s23], $0x1  }
0xa4: {  	[sflag:s23] =	ssyncset.done $0x0  }
0xa5: {  	s25 =	simm.s32 $0x1B8E;
	s24 =	sld [smem:$0x3FFE];
	[sflag:s23] =	ssyncadd.s32 $0xFFFFFFFF  }
0xa6: {  	s26 =	simm.s32 $execute0_lowered;
	[smem:$0x3FD2] =	sst s25  }
0xa7: {  	s6 =	sshll.u32 s26, $0x1;
	_ =	strace $0x80000046;
	[dreg:$0x1] =	wrdreg $0xFFFFFFFF  }
0xa8: {  	s28 =	simm.s32 $_size_execute0_lowered;
	s4 =	sadd.s32 s4, s6;
	[dreg:$0x0] =	wrdreg $0x0  }
0xa9: {  	s6 =	sshll.u32 s28, $0x1;
	[dreg:$0x2] =	wrdreg s4  }
0xaa: {  	[dreg:$0x3] =	wrdreg s6  }
0xab: {  	[dreg:$0x4] =	wrdreg $0xC0  }
0xac: {  	_ =	task [dreg:s8], $0x5FFFF  }
0xad: {  	[dreg:$0x1] =	wrdreg $0xFFFFFFFF  }
0xae: {  	[dreg:$0x0] =	wrdreg $0x60  }
0xaf: {  	[dreg:$0x2] =	wrdreg s2  }
0xb0: {  	[dreg:$0x3] =	wrdreg s24  }
0xb1: {  	[dreg:$0x4] =	wrdreg s18  }
0xb2: {  	[dreg:$0x5] =	wrdreg $0x9  }
0xb3: {  	_ =	task.clear_ibuf [dreg:s8], $0x6FFFF;
	_ =	strace $0x90000046  }
0xb4: {  	s29 =	simm.s32 $0x9;
	_ =	strace $0x80000048  }
0xb5: {  	_ =	swait.ge [sflag:s29], $0x1  }
0xb6: {  	[sflag:s29] =	ssyncadd.s32 $0xFFFFFFFF  }
0xb7: {  	_ =	strace $0x90000048  }
0xb8: {  	_ =	sfence  }
0xb9: {  	s30 =	sld [smem:$0x0];
	_ =	sdelay $0x2  }
0xba: {  	s31 =	sshll.u32 s1, $0xD;
	s1 =	sshrl.u32 s1, $0x2  }
0xbb: {  	s3 =	sand.u32 $0x4000, s31;
	s1 =	sadd.s32 s1, s30  }
0xbc: {  	s0 =	sor.u32 s3, s0;
	s1 =	sshll.u32 s1, $0x11  }
0xbd: {  	s0 =	sor.u32 s1, s0  }
0xbe: {  	s0 =	sadd.s32 $0x8F2B, s0  }
0xbf: {  	[sflag:s0] =	ssyncadd.remote.s32 $0x1  }
0xc0: {  	_ =	sfence.sel $0xFFFF  }
0xc1: {  	[dreg:$0x0] =	wrdreg $0xFFFFFFFF;
	(pc) =	sbr.abs _section_cstart, $3  }
0xc2: {  	[dreg:$0x1] =	wrdreg $0xFFFFFFFF  }
0xc3: {  	_ =	task.clear_ibuf [dreg:s8], $0x2FFFF;
	_ =	strace $0x9FFFFFFF  }
0xc4: {  	(tm) =	ssettm $0x7FFFFFFF  }
0xc5: {  	_ =	shalt  }
tec
execute0_lowered:
.L_overlay_start_1:
0x0: {  	(tag) =	ssettag $0x1  }
0x1: {  	s3 =	rddreg [dreg:$0x0]  }
0x2: {  	s4 =	rddreg [dreg:$0x1]  }
0x3: {  	s5 =	rddreg [dreg:$0x2];
	s2 =	srdreg.scid  }
0x4: {  	s0 =	rddreg [dreg:$0x3];
	s1 =	stileid.u32;
	s10 =	simm.s32 $0x3  }
0x5: {  	s11 =	simm.s32 $0x0;
	s6 =	sand.u32 $0x1, s2;
	s2 =	simm.s32 $0x0  }
0x6: {  	s7 =	sshll.u32 s1, $0xA;
	s8 =	sshll.u32 s6, $0x9;
	s6 =	ssub.s32 $0x2, s6  }
0x7: {  	[smem:$0x7FF] =	sst s2;
	s7 =	sor.u32 s8, s7;
	s9 =	sshrl.u32 s6, $0x1  }
0x8: {  	_ =	strace $0x80000047;
	s8 =	sshrl.u32 s7, $0x3;
	s6 =	ssub.s32 s6, s9  }
0x9: {  	s7 =	sshrl.u32 s7, $0x2;
	s9 =	simm.s32 $0x600;
	s4 =	sadd.s32 s8, s4  }
0xa: {  	s3 =	sadd.s32 s3, s7;
	s5 =	sadd.s32 s5, s7;
	s6 =	smax.u32 s6, $0x1  }
0xb: {  	v0 =	vimm.f32 $3.000000000e+00;
	v1 =	vimm.s32 $0x0;
	s7 =	simm.s32 $0x1;
	s8 =	simm.s32 $0x2;
	s4 =	sadd.s32 $0xC00, s4  }
.LBB2_1:
0xc: {  	[tilespmem:s2], [sflag:$0x1] =	stream.linear.gather [hbm4b:s3+s2], $0x400, $0x38;
	[tilespmem:$0xA00] =	vst v63  }
0xd: {  	s12 =	simm.s32 $0x400  }
0xe: {  	[tilespmem:s12], [sflag:$0x2] =	stream.linear.gather [hbm4b:s4+s2], $0x200, $0x38;
	[tilespmem:$0xA00] =	vst v63  }
0xf: {  	_ =	swait.ge [sflag:s7], $0x400  }
0x10: {  	[sflag:s7] =	ssyncset.done $0x0  }
0x11: {  	[sflag:s7] =	ssyncadd.s32 $0xFFFFFC00  }
0x12: {  	_ =	swait.ge [sflag:s8], $0x200  }
0x13: {  	[sflag:s8] =	ssyncset.done $0x0  }
0x14: {  	s13 =	sand.u32 $0x70, s2;
	s14 =	sand.u32 $0x300, s2;
	[sflag:s8] =	ssyncadd.s32 $0xFFFFFE00  }
0x15: {  	v2 =	vld [tilespmem:s12+$0x0];
	s12 =	sor.u32 s13, s14  }
0x16: {  	v3 =	vld [tilespmem:s12+$0x80];
	_ =	sdelay $0x4  }
0x17: {  	v4 =	vadd.f32 $-1.000000050e-03, v2;
	v3 =	vadd.f32 $9.999999770e-03, v3;
	_ =	sdelay $0x1  }
0x18: {  	vm0 =	vle.f32 v3, v4  }
0x19: {  	vm1 =	vle.f32 v3, v2;
	v5 =	vsel vm0, $0x40000000, v0  }
0x1a: {  	v5 =	vnsel vm1, $0x3F800000, v5  }
0x1b: {  	v3 =	vmul.f32 v5, v3;
	_ =	sdelay $0x1  }
0x1c: {  	v3 =	vadd.f32 $9.999999770e-03, v3  }
0x1d: {  	v5 =	vld [tilespmem:s12+$0x0]  }
0x1e: {  	vm0 =	vle.f32 v3, v4  }
0x1f: {  	vm1 =	vle.f32 v3, v2;
	v6 =	vsel vm0, $0x40000000, v0  }
0x20: {  	v6 =	vnsel vm1, $0x3F800000, v6  }
0x21: {  	v3 =	vmul.f32 v6, v3  }
0x22: {  	v5 =	vadd.f32 $9.999999770e-03, v5  }
0x23: {  	v3 =	vadd.f32 $9.999999770e-03, v3  }
0x24: {  	vm0 =	vle.f32 v5, v4  }
0x25: {  	v6 =	vsel vm0, $0x40000000, v0;
	vm0 =	vle.f32 v5, v2;
	vm1 =	vle.f32 v3, v4  }
0x26: {  	v6 =	vnsel vm0, $0x3F800000, v6;
	vm0 =	vle.f32 v3, v2;
	v7 =	vsel vm1, $0x40000000, v0  }
0x27: {  	v5 =	vmul.f32 v6, v5;
	v6 =	vnsel vm0, $0x3F800000, v7  }
0x28: {  	v3 =	vmul.f32 v6, v3  }
0x29: {  	v5 =	vadd.f32 $9.999999770e-03, v5  }
0x2a: {  	v3 =	vadd.f32 $9.999999770e-03, v3  }
0x2b: {  	vm0 =	vle.f32 v5, v4  }
0x2c: {  	v6 =	vsel vm0, $0x40000000, v0;
	vm0 =	vle.f32 v5, v2;
	vm1 =	vle.f32 v3, v4  }
0x2d: {  	v6 =	vnsel vm0, $0x3F800000, v6;
	vm0 =	vle.f32 v3, v2;
	v7 =	vsel vm1, $0x40000000, v0  }
0x2e: {  	v5 =	vmul.f32 v6, v5;
	v6 =	vnsel vm0, $0x3F800000, v7  }
0x2f: {  	v3 =	vmul.f32 v6, v3  }
0x30: {  	v5 =	vadd.f32 $9.999999770e-03, v5  }
0x31: {  	v3 =	vadd.f32 $9.999999770e-03, v3  }
0x32: {  	vm0 =	vle.f32 v5, v4  }
0x33: {  	vm1 =	vle.f32 v5, v2;
	v6 =	vsel vm0, $0x40000000, v0;
	vm0 =	vle.f32 v3, v4  }
0x34: {  	v6 =	vnsel vm1, $0x3F800000, v6;
	vm1 =	vle.f32 v3, v2;
	v7 =	vsel vm0, $0x40000000, v0  }
0x35: {  	v5 =	vmul.f32 v6, v5;
	v6 =	vnsel vm1, $0x3F800000, v7  }
0x36: {  	v3 =	vmul.f32 v6, v3  }
0x37: {  	v5 =	vadd.f32 $9.999999770e-03, v5  }
0x38: {  	v3 =	vadd.f32 $9.999999770e-03, v3  }
0x39: {  	vm0 =	vle.f32 v5, v4  }
0x3a: {  	vm1 =	vle.f32 v5, v2;
	v6 =	vsel vm0, $0x40000000, v0;
	vm0 =	vle.f32 v3, v4  }
0x3b: {  	v6 =	vnsel vm1, $0x3F800000, v6;
	vm1 =	vle.f32 v3, v2;
	v7 =	vsel vm0, $0x40000000, v0  }
0x3c: {  	v5 =	vmul.f32 v6, v5;
	v6 =	vnsel vm1, $0x3F800000, v7  }
0x3d: {  	v3 =	vmul.f32 v6, v3  }
0x3e: {  	v5 =	vadd.f32 $9.999999770e-03, v5  }
0x3f: {  	v3 =	vadd.f32 $9.999999770e-03, v3  }
0x40: {  	vm0 =	vle.f32 v5, v4  }
0x41: {  	vm1 =	vle.f32 v5, v2;
	v6 =	vsel vm0, $0x40000000, v0;
	vm0 =	vle.f32 v3, v4  }
0x42: {  	v6 =	vnsel vm1, $0x3F800000, v6;
	vm1 =	vle.f32 v3, v2;
	v7 =	vsel vm0, $0x40000000, v0  }
0x43: {  	v5 =	vmul.f32 v6, v5;
	v6 =	vnsel vm1, $0x3F800000, v7  }
0x44: {  	v3 =	vmul.f32 v6, v3  }
0x45: {  	v5 =	vadd.f32 $9.999999770e-03, v5  }
0x46: {  	v6 =	vmul.f32 $1.342177280e+08, v3  }
0x47: {  	vm0 =	vle.f32 v5, v4  }
0x48: {  	vm1 =	vle.f32 v5, v2;
	v7 =	vsel vm0, $0x40000000, v0;
	v6 =	vtrunc.f32 v6  }
0x49: {  	v7 =	vnsel vm1, $0x3F800000, v7;
	v6 =	vcvt.f32.s32 v6  }
0x4a: {  	v5 =	vmul.f32 v7, v5  }
0x4b: {  	v7 =	vsub.s32 $0xFFFFFF, v6  }
0x4c: {  	v5 =	vadd.f32 $9.999999770e-03, v5;
	v8 =	vcvt.s32.f32 v7;
	_ =	sdelay $0x1  }
0x4d: {  	vm0 =	vle.f32 v5, v4;
	v4 =	vmul.f32 $7.450583440e-07, v8  }
0x4e: {  	vm1 =	vle.f32 v5, v2;
	v2 =	vsel vm0, $0x40000000, v0  }
0x4f: {  	v2 =	vnsel vm1, $0x3F800000, v2;
	v4 =	vtrunc.f32 v4  }
0x50: {  	v5 =	vmul.f32 v2, v5;
	v2 =	vcvt.f32.s32 v4;
	_ =	sdelay $0x1  }
0x51: {  	v4 =	vmul.f32 $1.342177280e+08, v5;
	v8 =	vmul.u32 $0x147AE1, v2;
	_ =	sdelay $0x1  }
0x52: {  	v4 =	vtrunc.f32 v4;
	vm0 =	vgt.s32 v8, v7  }
0x53: {  	v4 =	vcvt.f32.s32 v4;
	v7 =	vsel vm0, $0xFFFFFFFF, v1  }
0x54: {  	v2 =	vadd.s32 v2, v7  }
0x55: {  	v7 =	vsub.s32 $0xFFFFFF, v4;
	v8 =	vmul.u32 $0x147AE1, v2  }
0x56: {  	v9 =	vcvt.s32.f32 v7  }
0x57: {  	v6 =	vadd.s32 v6, v8  }
0x58: {  	v8 =	vmul.f32 $7.450583440e-07, v9;
	v6 =	vcvt.s32.f32 v6;
	_ =	sdelay $0x1  }
0x59: {  	v8 =	vtrunc.f32 v8;
	v6 =	vmul.f32 $7.450580600e-09, v6  }
0x5a: {  	v8 =	vcvt.f32.s32 v8  }
0x5b: {  	v6 =	vadd.f32 $9.999999770e-03, v6  }
0x5c: {  	vm1 =	vlt.f32 v3, $1.250000000e-01;
	v9 =	vmul.u32 $0x147AE1, v8  }
0x5d: {  	v6 =	vsel vm1, v6, v3  }
0x5e: {  	vm0 =	vgt.s32 v9, v7;
	v7 =	vmul.f32 $6.710886400e+07, v6  }
0x5f: {  	v3 =	vsel vm0, $0xFFFFFFFF, v1  }
0x60: {  	v3 =	vadd.s32 v8, v3;
	v7 =	vtrunc.f32 v7  }
0x61: {  	v8 =	vmul.u32 $0x147AE1, v3;
	v7 =	vcvt.f32.s32 v7;
	_ =	sdelay $0x1  }
0x62: {  	v4 =	vadd.s32 v4, v8;
	v8 =	vsub.s32 $0xFFFFFF, v7  }
0x63: {  	v4 =	vcvt.s32.f32 v4;
	v9 =	vcvt.s32.f32 v8;
	_ =	sdelay $0x1  }
0x64: {  	v4 =	vmul.f32 $7.450580600e-09, v4;
	v9 =	vmul.f32 $1.490115550e-06, v9;
	_ =	sdelay $0x1  }
0x65: {  	v4 =	vadd.f32 $9.999999770e-03, v4;
	v9 =	vtrunc.f32 v9  }
0x66: {  	vm4 =	vlt.f32 v5, $1.250000000e-01;
	v9 =	vcvt.f32.s32 v9  }
0x67: {  	v10 =	vsel vm4, v4, v5  }
0x68: {  	v4 =	vmul.f32 $6.710886400e+07, v10;
	v5 =	vmul.u32 $0xA3D71, v9;
	_ =	sdelay $0x1  }
0x69: {  	v4 =	vtrunc.f32 v4;
	vm0 =	vgt.s32 v5, v8  }
0x6a: {  	v8 =	vcvt.f32.s32 v4;
	v4 =	vsel vm0, $0xFFFFFFFF, v1  }
0x6b: {  	v4 =	vadd.s32 v9, v4  }
0x6c: {  	v5 =	vsub.s32 $0xFFFFFF, v8;
	v9 =	vmul.u32 $0xA3D71, v4  }
0x6d: {  	v11 =	vcvt.s32.f32 v5  }
0x6e: {  	v7 =	vadd.s32 v7, v9  }
0x6f: {  	v9 =	vmul.f32 $1.490115550e-06, v11;
	v7 =	vcvt.s32.f32 v7;
	_ =	sdelay $0x1  }
0x70: {  	v9 =	vtrunc.f32 v9;
	v7 =	vmul.f32 $1.490116120e-08, v7  }
0x71: {  	v9 =	vcvt.f32.s32 v9  }
0x72: {  	v7 =	vadd.f32 $9.999999770e-03, v7  }
0x73: {  	vm3 =	vlt.f32 v6, $2.500000000e-01;
	v11 =	vmul.u32 $0xA3D71, v9  }
0x74: {  	v7 =	vsel vm3, v7, v6  }
0x75: {  	vm0 =	vgt.s32 v11, v5;
	v6 =	vmul.f32 $3.355443200e+07, v7  }
0x76: {  	v5 =	vsel vm0, $0xFFFFFFFF, v1  }
0x77: {  	v5 =	vadd.s32 v9, v5;
	v6 =	vtrunc.f32 v6  }
0x78: {  	v9 =	vmul.u32 $0xA3D71, v5;
	v11 =	vcvt.f32.s32 v6;
	_ =	sdelay $0x1  }
0x79: {  	v6 =	vadd.s32 v8, v9;
	v8 =	vsub.s32 $0xFFFFFF, v11  }
0x7a: {  	v6 =	vcvt.s32.f32 v6;
	v9 =	vcvt.s32.f32 v8;
	_ =	sdelay $0x1  }
0x7b: {  	v6 =	vmul.f32 $1.490116120e-08, v6;
	v9 =	vmul.f32 $2.980235650e-06, v9;
	_ =	sdelay $0x1  }
0x7c: {  	v6 =	vadd.f32 $9.999999770e-03, v6;
	v9 =	vtrunc.f32 v9  }
0x7d: {  	vm5 =	vlt.f32 v10, $2.500000000e-01;
	v9 =	vcvt.f32.s32 v9  }
0x7e: {  	v12 =	vsel vm5, v6, v10  }
0x7f: {  	v6 =	vmul.f32 $3.355443200e+07, v12;
	v10 =	vmul.u32 $0x51EB8, v9;
	_ =	sdelay $0x1  }
0x80: {  	v6 =	vtrunc.f32 v6;
	vm0 =	vgt.s32 v10, v8  }
0x81: {  	v8 =	vcvt.f32.s32 v6;
	v6 =	vsel vm0, $0xFFFFFFFF, v1  }
0x82: {  	v6 =	vadd.s32 v9, v6  }
0x83: {  	v9 =	vsub.s32 $0xFFFFFF, v8;
	v10 =	vmul.u32 $0x51EB8, v6  }
0x84: {  	v13 =	vcvt.s32.f32 v9  }
0x85: {  	v10 =	vadd.s32 v11, v10  }
0x86: {  	v11 =	vmul.f32 $2.980235650e-06, v13;
	v10 =	vcvt.s32.f32 v10;
	_ =	sdelay $0x1  }
0x87: {  	s26 =	simm.s32 $0x10;
	s28 =	simm.s32 $0x20;
	v11 =	vtrunc.f32 v11;
	v10 =	vmul.f32 $2.980232240e-08, v10  }
0x88: {  	s13 =	sand.u32 $0x70, s26;
	s14 =	sand.u32 $0x300, s28;
	v11 =	vcvt.f32.s32 v11  }
0x89: {  	s13 =	sor.u32 s13, s14;
	v13 =	vadd.f32 $9.999999770e-03, v10  }
0x8a: {  	s15 =	simm.s32 $0x410;
	v15 =	vld [tilespmem:s13+$0x80];
	vm0 =	vlt.f32 v7, $5.000000000e-01;
	v14 =	vmul.u32 $0x51EB8, v11  }
0x8b: {  	v10 =	vld [tilespmem:s15+$0x0];
	v13 =	vsel vm0, v13, v7  }
0x8c: {  	vm2 =	vgt.s32 v14, v9;
	v7 =	vmul.f32 $1.677721600e+07, v13  }
0x8d: {  	v14 =	vld [tilespmem:s13+$0x0];
	v9 =	vsel vm2, $0xFFFFFFFF, v1  }
0x8e: {  	v9 =	vadd.s32 v11, v9;
	v7 =	vtrunc.f32 v7  }
0x8f: {  	v16 =	vmul.u32 $0x51EB8, v9;
	v17 =	vcvt.f32.s32 v7  }
0x90: {  	v11 =	vadd.f32 $-1.000000050e-03, v10;
	v7 =	vadd.f32 $9.999999770e-03, v15  }
0x91: {  	v8 =	vadd.s32 v8, v16;
	v15 =	vsub.s32 $0xFFFFFF, v17  }
0x92: {  	v14 =	vadd.f32 $9.999999770e-03, v14;
	vm2 =	vle.f32 v7, v11;
	v16 =	vcvt.s32.f32 v15  }
0x93: {  	v8 =	vcvt.s32.f32 v8;
	vm6 =	vle.f32 v7, v10;
	v18 =	vsel vm2, $0x40000000, v0  }
0x94: {  	vm2 =	vle.f32 v14, v11;
	v18 =	vnsel vm6, $0x3F800000, v18;
	v16 =	vmul.f32 $5.960471300e-06, v16  }
0x95: {  	v19 =	vsel vm2, $0x40000000, v0;
	vm2 =	vle.f32 v14, v10;
	v7 =	vmul.f32 v18, v7  }
0x96: {  	v8 =	vmul.f32 $2.980232240e-08, v8;
	v18 =	vnsel vm2, $0x3F800000, v19;
	v16 =	vtrunc.f32 v16  }
0x97: {  	v14 =	vmul.f32 v18, v14;
	v7 =	vadd.f32 $9.999999770e-03, v7;
	v16 =	vcvt.f32.s32 v16  }
0x98: {  	vm7 =	vlt.f32 v12, $5.000000000e-01;
	v8 =	vadd.f32 $9.999999770e-03, v8  }
0x99: {  	v14 =	vadd.f32 $9.999999770e-03, v14;
	vm2 =	vle.f32 v7, v11;
	v18 =	vmul.u32 $0x28F5C, v16  }
0x9a: {  	v12 =	vsel vm7, v8, v12;
	vm6 =	vle.f32 v7, v10;
	v19 =	vsel vm2, $0x40000000, v0  }
0x9b: {  	vm2 =	vle.f32 v14, v11;
	v8 =	vnsel vm6, $0x3F800000, v19;
	vm6 =	vgt.s32 v18, v15  }
0x9c: {  	v15 =	vsel vm2, $0x40000000, v0;
	v8 =	vmul.f32 v8, v7;
	v7 =	vsel vm6, $0xFFFFFFFF, v1  }
0x9d: {  	vm2 =	vle.f32 v14, v10;
	v18 =	vmul.f32 $1.677721600e+07, v12;
	v7 =	vadd.s32 v16, v7  }
0x9e: {  	v15 =	vnsel vm2, $0x3F800000, v15;
	v8 =	vadd.f32 $9.999999770e-03, v8;
	v16 =	vmul.u32 $0x28F5C, v7  }
0x9f: {  	v14 =	vmul.f32 v15, v14  }
0xa0: {  	v15 =	vtrunc.f32 v18;
	vm2 =	vle.f32 v8, v11;
	v16 =	vadd.s32 v17, v16  }
0xa1: {  	vm6 =	vle.f32 v8, v10;
	v17 =	vsel vm2, $0x40000000, v0;
	v16 =	vcvt.s32.f32 v16  }
0xa2: {  	v15 =	vcvt.f32.s32 v15;
	v14 =	vadd.f32 $9.999999770e-03, v14;
	v17 =	vnsel vm6, $0x3F800000, v17  }
0xa3: {  	v8 =	vmul.f32 v17, v8;
	v16 =	vmul.f32 $5.960464480e-08, v16  }
0xa4: {  	vm2 =	vle.f32 v14, v10;
	vm6 =	vle.f32 v14, v11;
	v17 =	vsub.s32 $0xFFFFFF, v15  }
0xa5: {  	v18 =	vsel vm6, $0x40000000, v0;
	v8 =	vadd.f32 $9.999999770e-03, v8;
	v16 =	vadd.f32 $9.999999770e-03, v16  }
0xa6: {  	v19 =	vcvt.s32.f32 v17;
	v18 =	vnsel vm2, $0x3F800000, v18;
	vm2 =	vlt.f32 v13, $1.000000000e+00  }
0xa7: {  	v14 =	vmul.f32 v18, v14;
	vm6 =	vle.f32 v8, v11;
	v13 =	vsel vm2, v16, v13  }
0xa8: {  	vm8 =	vle.f32 v8, v10;
	v16 =	vsel vm6, $0x40000000, v0;
	v18 =	vmul.f32 $8.388608000e+06, v13  }
0xa9: {  	v19 =	vmul.f32 $5.960471300e-06, v19;
	v14 =	vadd.f32 $9.999999770e-03, v14;
	v16 =	vnsel vm8, $0x3F800000, v16  }
0xaa: {  	v8 =	vmul.f32 v16, v8;
	v16 =	vtrunc.f32 v18  }
0xab: {  	vm6 =	vle.f32 v14, v11;
	vm15 =	vle.f32 v14, v10;
	v16 =	vcvt.f32.s32 v16  }
0xac: {  	v18 =	vtrunc.f32 v19;
	v19 =	vsel vm6, $0x40000000, v0;
	v8 =	vadd.f32 $9.999999770e-03, v8  }
0xad: {  	v18 =	vcvt.f32.s32 v18;
	v19 =	vnsel vm15, $0x3F800000, v19;
	v20 =	vsub.s32 $0xFFFFFF, v16  }
0xae: {  	v14 =	vmul.f32 v19, v14;
	vm6 =	vle.f32 v8, v11;
	v19 =	vcvt.s32.f32 v20  }
0xaf: {  	vm12 =	vle.f32 v8, v10;
	v22 =	vmul.u32 $0x28F5C, v18;
	v21 =	vsel vm6, $0x40000000, v0  }
0xb0: {  	v14 =	vadd.f32 $9.999999770e-03, v14;
	v21 =	vnsel vm12, $0x3F800000, v21;
	v19 =	vmul.f32 $1.192094260e-05, v19  }
0xb1: {  	vm6 =	vgt.s32 v22, v17;
	v8 =	vmul.f32 v21, v8  }
0xb2: {  	vm13 =	vle.f32 v14, v10;
	vm9 =	vle.f32 v14, v11;
	v17 =	vtrunc.f32 v19  }
0xb3: {  	v19 =	vsel vm9, $0x40000000, v0;
	v8 =	vadd.f32 $9.999999770e-03, v8;
	v17 =	vcvt.f32.s32 v17  }
0xb4: {  	v21 =	vsel vm6, $0xFFFFFFFF, v1;
	v19 =	vnsel vm13, $0x3F800000, v19  }
0xb5: {  	v14 =	vmul.f32 v19, v14;
	vm6 =	vle.f32 v8, v11;
	v19 =	vmul.u32 $0x147AE, v17  }
0xb6: {  	v18 =	vadd.s32 v18, v21;
	vm14 =	vle.f32 v8, v10;
	v22 =	vsel vm6, $0x40000000, v0  }
0xb7: {  	v14 =	vadd.f32 $9.999999770e-03, v14;
	v21 =	vnsel vm14, $0x3F800000, v22;
	vm6 =	vgt.s32 v19, v20  }
0xb8: {  	v19 =	vmul.f32 v21, v8;
	v20 =	vmul.u32 $0x28F5C, v18;
	v8 =	vsel vm6, $0xFFFFFFFF, v1  }
0xb9: {  	vm6 =	vle.f32 v14, v10;
	vm15 =	vle.f32 v14, v11;
	v8 =	vadd.s32 v17, v8  }
0xba: {  	v17 =	vsel vm15, $0x40000000, v0;
	v19 =	vadd.f32 $9.999999770e-03, v19;
	v21 =	vmul.u32 $0x147AE, v8  }
0xbb: {  	v2 =	vadd.s32 $0x8, v2;
	v15 =	vadd.s32 v15, v20;
	v17 =	vnsel vm6, $0x3F800000, v17  }
0xbc: {  	v14 =	vmul.f32 v17, v14;
	vm6 =	vle.f32 v19, v11;
	v16 =	vadd.s32 v16, v21  }
0xbd: {  	vm12 =	vle.f32 v19, v10;
	v17 =	vsel vm6, $0x40000000, v0;
	v16 =	vcvt.s32.f32 v16  }
0xbe: {  	v15 =	vcvt.s32.f32 v15;
	v14 =	vadd.f32 $9.999999770e-03, v14;
	v17 =	vnsel vm12, $0x3F800000, v17  }
0xbf: {  	vm1 =	vmmov vm1;
	v17 =	vmul.f32 v17, v19;
	v16 =	vmul.f32 $1.192092900e-07, v16  }
0xc0: {  	vm6 =	vle.f32 v14, v10;
	vm13 =	vle.f32 v14, v11;
	v10 =	vmul.f32 $5.960464480e-08, v15  }
0xc1: {  	v11 =	vsel vm13, $0x40000000, v0;
	v15 =	vmul.f32 $1.342177280e+08, v17;
	v16 =	vadd.f32 $9.999999770e-03, v16  }
0xc2: {  	v11 =	vnsel vm6, $0x3F800000, v11;
	v10 =	vadd.f32 $9.999999770e-03, v10;
	vm6 =	vlt.f32 v13, $2.000000000e+00  }
0xc3: {  	v11 =	vmul.f32 v11, v14;
	v14 =	vtrunc.f32 v15;
	v13 =	vsel vm6, v16, v13  }
0xc4: {  	vm14 =	vlt.f32 v12, $1.000000000e+00;
	v14 =	vcvt.f32.s32 v14;
	v15 =	vmul.f32 $4.194304000e+06, v13  }
0xc5: {  	v2 =	vnsel vm1, $0x7, v2;
	v12 =	vsel vm14, v10, v12  }
0xc6: {  	v10 =	vmul.f32 $1.342177280e+08, v11;
	v19 =	vsub.s32 $0xFFFFFF, v14;
	v15 =	vtrunc.f32 v15  }
0xc7: {  	v3 =	vadd.s32 $0x8, v3;
	v20 =	vcvt.s32.f32 v19;
	v15 =	vcvt.f32.s32 v15  }
0xc8: {  	v28 =	vnsel vm4, $0x7, v3;
	v4 =	vadd.s32 $0x1, v4;
	v16 =	vmul.f32 $8.388608000e+06, v12  }
0xc9: {  	v10 =	vtrunc.f32 v10;
	v20 =	vmul.f32 $7.450583440e-07, v20;
	v21 =	vsub.s32 $0xFFFFFF, v15  }
0xca: {  	v5 =	vadd.s32 $0x1, v5;
	v22 =	vcvt.f32.s32 v10;
	v10 =	vcvt.s32.f32 v21  }
0xcb: {  	v5 =	vnsel vm5, $0x0, v5;
	v16 =	vtrunc.f32 v16;
	v20 =	vtrunc.f32 v20  }
0xcc: {  	v23 =	vsub.s32 $0xFFFFFF, v22;
	v20 =	vcvt.f32.s32 v20;
	v10 =	vmul.f32 $2.384188520e-05, v10  }
0xcd: {  	v5 =	vadd.s32 v28, v5;
	v16 =	vcvt.f32.s32 v16;
	v25 =	vcvt.s32.f32 v23  }
0xce: {  	vm5 =	vmmov vm3;
	v27 =	vmul.u32 $0x147AE1, v20;
	v10 =	vtrunc.f32 v10  }
0xcf: {  	v24 =	vsub.s32 $0xFFFFFF, v16;
	v3 =	vmul.f32 $7.450583440e-07, v25;
	v10 =	vcvt.f32.s32 v10  }
0xd0: {  	v4 =	vnsel vm5, $0x0, v4;
	v26 =	vcvt.s32.f32 v24;
	vm4 =	vgt.s32 v27, v19  }
0xd1: {  	v3 =	vtrunc.f32 v3;
	v37 =	vsel vm4, $0xFFFFFFFF, v1;
	v38 =	vmul.u32 $0xA3D7, v10  }
0xd2: {  	v19 =	vmul.f32 $1.192094260e-05, v26;
	v39 =	vcvt.f32.s32 v3;
	v3 =	vadd.s32 v20, v37  }
0xd3: {  	v2 =	vadd.s32 v2, v4;
	v20 =	vmul.u32 $0x147AE1, v3;
	vm4 =	vgt.s32 v38, v21  }
0xd4: {  	v19 =	vtrunc.f32 v19;
	v40 =	vmul.u32 $0x147AE1, v39;
	v21 =	vsel vm4, $0xFFFFFFFF, v1  }
0xd5: {  	v19 =	vcvt.f32.s32 v19;
	v14 =	vadd.s32 v14, v20;
	v10 =	vadd.s32 v10, v21  }
0xd6: {  	v4 =	vadd.s32 $0x1, v6;
	v14 =	vcvt.s32.f32 v14;
	v20 =	vmul.u32 $0xA3D7, v10  }
0xd7: {  	v4 =	vnsel vm0, $0x0, v4;
	vm4 =	vgt.s32 v40, v23;
	v21 =	vmul.u32 $0x147AE, v19  }
0xd8: {  	v23 =	vsel vm4, $0xFFFFFFFF, v1;
	v14 =	vmul.f32 $7.450580600e-09, v14;
	v15 =	vadd.s32 v15, v20  }
0xd9: {  	v9 =	vadd.s32 $0x1, v9;
	v20 =	vadd.s32 v39, v23;
	v15 =	vcvt.s32.f32 v15  }
0xda: {  	vm3 =	vgt.s32 v21, v24;
	v21 =	vmul.u32 $0x147AE1, v20;
	v14 =	vadd.f32 $9.999999770e-03, v14  }
0xdb: {  	v23 =	vsel vm3, $0xFFFFFFFF, v1;
	vm3 =	vlt.f32 v17, $1.250000000e-01;
	v15 =	vmul.f32 $2.384185790e-07, v15  }
0xdc: {  	v19 =	vadd.s32 v19, v23;
	v21 =	vadd.s32 v22, v21;
	v14 =	vsel vm3, v14, v17  }
0xdd: {  	v17 =	vcvt.s32.f32 v21;
	v21 =	vmul.f32 $6.710886400e+07, v14;
	v15 =	vadd.f32 $9.999999770e-03, v15  }
0xde: {  	v9 =	vnsel vm7, $0x0, v9;
	vm4 =	vlt.f32 v13, $4.000000000e+00;
	v22 =	vmul.u32 $0x147AE, v19  }
0xdf: {  	v17 =	vmul.f32 $7.450580600e-09, v17;
	v21 =	vtrunc.f32 v21;
	v13 =	vsel vm4, v15, v13  }
0xe0: {  	v15 =	vadd.s32 $0x1, v18;
	v18 =	vcvt.f32.s32 v21;
	v21 =	vmul.f32 $2.097152000e+06, v13  }
0xe1: {  	vm15 =	vlt.f32 v11, $1.250000000e-01;
	v16 =	vadd.s32 v16, v22;
	v17 =	vadd.f32 $9.999999770e-03, v17  }
0xe2: {  	v16 =	vcvt.s32.f32 v16;
	v22 =	vsub.s32 $0xFFFFFF, v18;
	v21 =	vtrunc.f32 v21  }
0xe3: {  	v11 =	vsel vm15, v17, v11;
	v17 =	vcvt.s32.f32 v22;
	v21 =	vcvt.f32.s32 v21  }
0xe4: {  	v5 =	vadd.s32 v9, v5;
	v16 =	vmul.f32 $1.192092900e-07, v16;
	v23 =	vmul.f32 $6.710886400e+07, v11  }
0xe5: {  	vm7 =	vlt.f32 v12, $2.000000000e+00;
	v17 =	vmul.f32 $1.490115550e-06, v17;
	v41 =	vsub.s32 $0xFFFFFF, v21  }
0xe6: {  	v16 =	vadd.f32 $9.999999770e-03, v16;
	v23 =	vtrunc.f32 v23;
	v42 =	vcvt.s32.f32 v41  }
0xe7: {  	v15 =	vnsel vm14, $0x0, v15;
	v23 =	vcvt.f32.s32 v23;
	v17 =	vtrunc.f32 v17  }
0xe8: {  	v9 =	vsel vm7, v16, v12;
	v12 =	vcvt.f32.s32 v17;
	v16 =	vmul.f32 $4.768263170e-05, v42  }
0xe9: {  	v15 =	vadd.s32 v15, v5;
	v5 =	vmul.f32 $4.194304000e+06, v9;
	v17 =	vsub.s32 $0xFFFFFF, v23  }
0xea: {  	v43 =	vcvt.s32.f32 v17;
	v44 =	vmul.u32 $0xA3D71, v12;
	v16 =	vtrunc.f32 v16  }
0xeb: {  	v2 =	vadd.s32 v4, v2;
	v5 =	vtrunc.f32 v5;
	v16 =	vcvt.f32.s32 v16  }
0xec: {  	v25 =	vmul.f32 $1.490115550e-06, v43;
	vm10 =	vgt.s32 v44, v22;
	v22 =	vcvt.f32.s32 v5  }
0xed: {  	v7 =	vadd.s32 $0x1, v7;
	v5 =	vsel vm10, $0xFFFFFFFF, v1;
	v45 =	vmul.u32 $0x51EC, v16  }
0xee: {  	v25 =	vtrunc.f32 v25;
	v5 =	vadd.s32 v12, v5;
	v12 =	vsub.s32 $0xFFFFFF, v22  }
0xef: {  	v25 =	vcvt.f32.s32 v25;
	v46 =	vmul.u32 $0xA3D71, v5;
	vm12 =	vgt.s32 v45, v41  }
0xf0: {  	v4 =	vnsel vm2, $0x0, v7;
	v47 =	vcvt.s32.f32 v12;
	v26 =	vsel vm12, $0xFFFFFFFF, v1  }
0xf1: {  	v48 =	vmul.u32 $0xA3D71, v25;
	v18 =	vadd.s32 v18, v46;
	v16 =	vadd.s32 v16, v26  }
0xf2: {  	v2 =	vadd.s32 v4, v2;
	v18 =	vcvt.s32.f32 v18;
	v26 =	vmul.u32 $0x51EC, v16  }
0xf3: {  	v19 =	vadd.s32 $0x1, v19;
	v24 =	vmul.f32 $2.384188520e-05, v47;
	vm14 =	vgt.s32 v48, v17  }
0xf4: {  	v17 =	vsel vm14, $0xFFFFFFFF, v1;
	v18 =	vmul.f32 $1.490116120e-08, v18;
	v21 =	vadd.s32 v21, v26  }
0xf5: {  	v19 =	vnsel vm7, $0x0, v19;
	v17 =	vadd.s32 v25, v17;
	v21 =	vcvt.s32.f32 v21  }
0xf6: {  	v24 =	vtrunc.f32 v24;
	v25 =	vmul.u32 $0xA3D71, v17;
	v18 =	vadd.f32 $9.999999770e-03, v18  }
0xf7: {  	vm7 =	vlt.f32 v14, $2.500000000e-01;
	v24 =	vcvt.f32.s32 v24;
	v21 =	vmul.f32 $4.768371580e-07, v21  }
0xf8: {  	v20 =	vadd.s32 $0x8, v20;
	v23 =	vadd.s32 v23, v25;
	v14 =	vsel vm7, v18, v14  }
0xf9: {  	v18 =	vmul.u32 $0xA3D7, v24;
	v23 =	vcvt.s32.f32 v23;
	v21 =	vadd.f32 $9.999999770e-03, v21  }
0xfa: {  	v20 =	vnsel vm15, $0x7, v20;
	vm15 =	vlt.f32 v13, $8.000000000e+00;
	v49 =	vmul.f32 $3.355443200e+07, v14  }
0xfb: {  	vm11 =	vgt.s32 v18, v12;
	v12 =	vmul.f32 $1.490116120e-08, v23;
	v13 =	vsel vm15, v21, v13  }
0xfc: {  	v4 =	vadd.s32 $0x1, v8;
	v18 =	vtrunc.f32 v49;
	v21 =	vmul.f32 $1.048576000e+06, v13  }
0xfd: {  	v4 =	vnsel vm6, $0x0, v4;
	v18 =	vcvt.f32.s32 v18;
	v12 =	vadd.f32 $9.999999770e-03, v12  }
0xfe: {  	v2 =	vadd.s32 v4, v2;
	vm8 =	vlt.f32 v11, $2.500000000e-01;
	v21 =	vtrunc.f32 v21  }
0xff: {  	v23 =	vsub.s32 $0xFFFFFF, v18;
	v50 =	vsel vm8, v12, v11;
	v12 =	vcvt.f32.s32 v21  }
0x100: {  	v3 =	vadd.s32 $0x8, v3;
	v17 =	vadd.s32 $0x1, v17;
	v11 =	vcvt.s32.f32 v23  }
0x101: {  	v8 =	vadd.s32 $0x1, v10;
	v17 =	vnsel vm8, $0x0, v17;
	v12 =	vsub.s32 $0xA00000, v12  }
0x102: {  	v51 =	vmul.f32 $2.980235650e-06, v11;
	v11 =	vadd.s32 v20, v17;
	v20 =	vcvt.s32.f32 v12  }
0x103: {  	v4 =	vnsel vm4, $0x0, v8;
	vm5 =	vmmov vm3;
	v21 =	vmul.f32 $3.355443200e+07, v50  }
0x104: {  	v2 =	vadd.s32 v4, v2;
	v3 =	vnsel vm5, $0x7, v3;
	v20 =	vmul.f32 $9.536526340e-05, v20  }
0x105: {  	v15 =	vadd.s32 v19, v15;
	v17 =	vtrunc.f32 v21;
	v21 =	vtrunc.f32 v51  }
0x106: {  	vm13 =	vlt.f32 v9, $4.000000000e+00;
	v21 =	vcvt.f32.s32 v21;
	v20 =	vtrunc.f32 v20  }
0x107: {  	v19 =	vsel vm11, $0xFFFFFFFF, v1;
	v17 =	vcvt.f32.s32 v17;
	v6 =	vcvt.f32.s32 v20  }
0x108: {  	v10 =	vadd.s32 $0x1, v16;
	v19 =	vadd.s32 v24, v19;
	v53 =	vmul.u32 $0x51EB8, v21  }
0x109: {  	v24 =	vmul.u32 $0xA3D7, v19;
	v52 =	vsub.s32 $0xFFFFFF, v17;
	v7 =	vmul.u32 $0x28F6, v6  }
0x10a: {  	v10 =	vnsel vm15, $0x0, v10;
	v4 =	vcvt.s32.f32 v52;
	vm1 =	vgt.s32 v53, v23  }
0x10b: {  	v22 =	vadd.s32 v22, v24;
	v20 =	vsel vm1, $0xFFFFFFFF, v1;
	vm0 =	vgt.s32 v7, v12  }
0x10c: {  	v4 =	vmul.f32 $2.980235650e-06, v4;
	v7 =	vadd.s32 v21, v20;
	v8 =	vsel vm0, $0xFFFFFFFF, v1  }
0x10d: {  	v22 =	vcvt.s32.f32 v22;
	v6 =	vadd.s32 v8, v6;
	v8 =	vmul.u32 $0x51EB8, v7  }
0x10e: {  	vm3 =	vmmov vm7;
	v2 =	vadd.s32 v10, v2;
	v4 =	vtrunc.f32 v4  }
0x10f: {  	v10 =	vcvt.f32.s32 v4;
	v12 =	vmul.f32 $2.384185790e-07, v22;
	v8 =	vadd.s32 v18, v8  }
0x110: {  	s29 =	simm.s32 $0x20;
	s30 =	simm.s32 $0x40;
	vm0 =	vle.f32 v13, $1.000000000e+01;
	v6 =	vadd.s32 $0x1, v6;
	v8 =	vcvt.s32.f32 v8  }
0x111: {  	s14 =	sand.u32 $0x70, s29;
	s15 =	sand.u32 $0x300, s30;
	v13 =	vmul.u32 $0x51EB8, v10;
	v12 =	vadd.f32 $9.999999770e-03, v12;
	v6 =	vnsel vm0, $0x0, v6  }
0x112: {  	s14 =	sor.u32 s14, s15;
	v5 =	vadd.s32 $0x1, v5;
	v2 =	vadd.s32 v6, v2;
	v6 =	vmul.f32 $2.980232240e-08, v8  }
0x113: {  	v5 =	vnsel vm3, $0x0, v5;
	vm1 =	vgt.s32 v13, v52;
	v13 =	vld [tilespmem:s14+$0x80];
	v4 =	vsel vm13, v12, v9  }
0x114: {  	s16 =	simm.s32 $0x420;
	v9 =	vadd.s32 $0x1, v19;
	v12 =	vmul.f32 $2.097152000e+06, v4;
	v6 =	vadd.f32 $9.999999770e-03, v6  }
0x115: {  	vm0 =	vlt.f32 v14, $5.000000000e-01;
	v9 =	vnsel vm13, $0x0, v9;
	v8 =	vcvt.s32.f32 v2;
	v2 =	vld [tilespmem:s16+$0x0]  }
0x116: {  	v9 =	vadd.s32 v9, v15;
	v12 =	vtrunc.f32 v12;
	v16 =	vsel vm0, v6, v14  }
0x117: {  	v6 =	vcvt.f32.s32 v12;
	v12 =	vsel vm1, $0xFFFFFFFF, v1;
	v14 =	vld [tilespmem:s14+$0x0];
	v15 =	vmul.f32 $1.677721600e+07, v16  }
0x118: {  	v3 =	vadd.s32 v3, v5;
	v13 =	vadd.f32 $9.999999770e-03, v13;
	v10 =	vadd.s32 v10, v12  }
0x119: {  	vm12 =	vlt.f32 v50, $5.000000000e-01;
	v19 =	vmul.u32 $0x51EB8, v10;
	v12 =	vtrunc.f32 v15  }
0x11a: {  	vm6 =	vle.f32 v13, v2;
	v20 =	vcvt.f32.s32 v12;
	v12 =	vadd.f32 $-1.000000050e-03, v2  }
0x11b: {  	v18 =	vsub.s32 $0xFFFFFF, v6;
	v10 =	vadd.s32 $0x1, v10;
	v17 =	vadd.s32 v17, v19  }
0x11c: {  	v14 =	vadd.f32 $9.999999770e-03, v14;
	v19 =	vsub.s32 $0xFFFFFF, v20;
	vm2 =	vle.f32 v13, v12  }
0x11d: {  	v17 =	vcvt.s32.f32 v17;
	v21 =	vcvt.s32.f32 v19;
	v22 =	vsel vm2, $0x40000000, v0  }
0x11e: {  	vm4 =	vle.f32 v14, v12;
	vm2 =	vle.f32 v14, v2;
	v22 =	vnsel vm6, $0x3F800000, v22  }
0x11f: {  	v23 =	vsel vm4, $0x40000000, v0;
	v21 =	vmul.f32 $5.960471300e-06, v21;
	v13 =	vmul.f32 v22, v13  }
0x120: {  	v15 =	vcvt.s32.f32 v18;
	v17 =	vmul.f32 $2.980232240e-08, v17;
	v22 =	vnsel vm2, $0x3F800000, v23  }
0x121: {  	v22 =	vmul.f32 v22, v14;
	v21 =	vtrunc.f32 v21;
	v13 =	vadd.f32 $9.999999770e-03, v13  }
0x122: {  	v15 =	vmul.f32 $4.768263170e-05, v15;
	v17 =	vadd.f32 $9.999999770e-03, v17;
	v21 =	vcvt.f32.s32 v21  }
0x123: {  	v14 =	vnsel vm12, $0x0, v10;
	v22 =	vadd.f32 $9.999999770e-03, v22;
	vm2 =	vle.f32 v13, v12  }
0x124: {  	vm4 =	vle.f32 v13, v2;
	v10 =	vmul.u32 $0x28F5C, v21;
	v23 =	vsel vm2, $0x40000000, v0  }
0x125: {  	v17 =	vsel vm12, v17, v50;
	vm2 =	vle.f32 v22, v12;
	v23 =	vnsel vm4, $0x3F800000, v23  }
0x126: {  	vm4 =	vgt.s32 v10, v19;
	v19 =	vsel vm2, $0x40000000, v0;
	v13 =	vmul.f32 v23, v13  }
0x127: {  	vm2 =	vle.f32 v22, v2;
	v23 =	vmul.f32 $1.677721600e+07, v17;
	v10 =	vsel vm4, $0xFFFFFFFF, v1  }
0x128: {  	v19 =	vnsel vm2, $0x3F800000, v19;
	v10 =	vadd.s32 v21, v10;
	v13 =	vadd.f32 $9.999999770e-03, v13  }
0x129: {  	v19 =	vmul.f32 v19, v22;
	v22 =	vtrunc.f32 v23;
	v21 =	vmul.u32 $0x28F5C, v10  }
0x12a: {  	v5 =	vadd.s32 $0x1, v7;
	v15 =	vtrunc.f32 v15;
	v22 =	vcvt.f32.s32 v22  }
0x12b: {  	vm4 =	vle.f32 v13, v12;
	vm6 =	vle.f32 v13, v2;
	v20 =	vadd.s32 v20, v21  }
0x12c: {  	v19 =	vadd.f32 $9.999999770e-03, v19;
	v21 =	vsel vm4, $0x40000000, v0;
	v20 =	vcvt.s32.f32 v20  }
0x12d: {  	v15 =	vcvt.f32.s32 v15;
	v23 =	vsub.s32 $0xFFFFFF, v22;
	v21 =	vnsel vm6, $0x3F800000, v21  }
0x12e: {  	vm4 =	vle.f32 v19, v2;
	v13 =	vmul.f32 v21, v13;
	v20 =	vmul.f32 $5.960464480e-08, v20  }
0x12f: {  	vm6 =	vle.f32 v19, v12;
	v54 =	vcvt.s32.f32 v23;
	v21 =	vmul.u32 $0x51EC, v15  }
0x130: {  	v55 =	vsel vm6, $0x40000000, v0;
	v13 =	vadd.f32 $9.999999770e-03, v13;
	v20 =	vadd.f32 $9.999999770e-03, v20  }
0x131: {  	vm6 =	vlt.f32 v16, $1.000000000e+00;
	v25 =	vnsel vm4, $0x3F800000, v55;
	v24 =	vmul.f32 $5.960471300e-06, v54  }
0x132: {  	v19 =	vmul.f32 v25, v19;
	vm4 =	vle.f32 v13, v12;
	v16 =	vsel vm6, v20, v16  }
0x133: {  	vm7 =	vle.f32 v13, v2;
	v20 =	vsel vm4, $0x40000000, v0;
	v56 =	vmul.f32 $8.388608000e+06, v16  }
0x134: {  	v24 =	vtrunc.f32 v24;
	v19 =	vadd.f32 $9.999999770e-03, v19;
	v20 =	vnsel vm7, $0x3F800000, v20  }
0x135: {  	vm4 =	vgt.s32 v21, v18;
	v13 =	vmul.f32 v20, v13;
	v20 =	vtrunc.f32 v56  }
0x136: {  	v21 =	vcvt.f32.s32 v24;
	vm13 =	vle.f32 v19, v12;
	v18 =	vcvt.f32.s32 v20  }
0x137: {  	vm7 =	vle.f32 v19, v2;
	v20 =	vsel vm13, $0x40000000, v0;
	v13 =	vadd.f32 $9.999999770e-03, v13  }
0x138: {  	v58 =	vsel vm4, $0xFFFFFFFF, v1;
	v20 =	vnsel vm7, $0x3F800000, v20;
	v57 =	vsub.s32 $0xFFFFFF, v18  }
0x139: {  	v19 =	vmul.f32 v20, v19;
	vm4 =	vle.f32 v13, v12;
	v20 =	vcvt.s32.f32 v57  }
0x13a: {  	v60 =	vmul.u32 $0x28F5C, v21;
	vm7 =	vle.f32 v13, v2;
	v59 =	vsel vm4, $0x40000000, v0  }
0x13b: {  	v19 =	vadd.f32 $9.999999770e-03, v19;
	v26 =	vnsel vm7, $0x3F800000, v59;
	v20 =	vmul.f32 $1.192094260e-05, v20  }
0x13c: {  	v5 =	vnsel vm0, $0x0, v5;
	vm4 =	vgt.s32 v60, v23;
	v13 =	vmul.f32 v26, v13  }
0x13d: {  	vm7 =	vle.f32 v19, v2;
	vm14 =	vle.f32 v19, v12;
	v20 =	vtrunc.f32 v20  }
0x13e: {  	v23 =	vsel vm14, $0x40000000, v0;
	v13 =	vadd.f32 $9.999999770e-03, v13;
	v20 =	vcvt.f32.s32 v20  }
0x13f: {  	vm2 =	vlt.f32 v17, $1.000000000e+00;
	v61 =	vsel vm4, $0xFFFFFFFF, v1;
	v23 =	vnsel vm7, $0x3F800000, v23  }
0x140: {  	v19 =	vmul.f32 v23, v19;
	vm4 =	vle.f32 v13, v12;
	v23 =	vmul.u32 $0x147AE, v20  }
0x141: {  	v21 =	vadd.s32 v21, v61;
	vm7 =	vle.f32 v13, v2;
	v63 =	vsel vm4, $0x40000000, v0  }
0x142: {  	v19 =	vadd.f32 $9.999999770e-03, v19;
	v29 =	vnsel vm7, $0x3F800000, v63;
	vm4 =	vgt.s32 v23, v57  }
0x143: {  	v30 =	vmul.u32 $0x28F5C, v21;
	v23 =	vmul.f32 v29, v13;
	v13 =	vsel vm4, $0xFFFFFFFF, v1  }
0x144: {  	vm4 =	vle.f32 v19, v2;
	vm7 =	vle.f32 v19, v12;
	v13 =	vadd.s32 v20, v13  }
0x145: {  	v20 =	vsel vm7, $0x40000000, v0;
	v23 =	vadd.f32 $9.999999770e-03, v23;
	v31 =	vmul.u32 $0x147AE, v13  }
0x146: {  	v15 =	vadd.s32 v15, v58;
	v22 =	vadd.s32 v22, v30;
	v20 =	vnsel vm4, $0x3F800000, v20  }
0x147: {  	v19 =	vmul.f32 v20, v19;
	vm4 =	vle.f32 v23, v12;
	v18 =	vadd.s32 v18, v31  }
0x148: {  	vm7 =	vle.f32 v23, v2;
	v20 =	vsel vm4, $0x40000000, v0;
	v18 =	vcvt.s32.f32 v18  }
0x149: {  	v22 =	vcvt.s32.f32 v22;
	v19 =	vadd.f32 $9.999999770e-03, v19;
	v20 =	vnsel vm7, $0x3F800000, v20  }
0x14a: {  	v62 =	vmul.u32 $0x51EC, v15;
	v20 =	vmul.f32 v20, v23;
	v18 =	vmul.f32 $1.192092900e-07, v18  }
0x14b: {  	vm4 =	vle.f32 v19, v2;
	vm7 =	vle.f32 v19, v12;
	v2 =	vmul.f32 $5.960464480e-08, v22  }
0x14c: {  	v12 =	vsel vm7, $0x40000000, v0;
	v22 =	vmul.f32 $1.342177280e+08, v20;
	v18 =	vadd.f32 $9.999999770e-03, v18  }
0x14d: {  	vm7 =	vlt.f32 v16, $2.000000000e+00;
	v12 =	vnsel vm4, $0x3F800000, v12;
	v2 =	vadd.f32 $9.999999770e-03, v2  }
0x14e: {  	v12 =	vmul.f32 v12, v19;
	v19 =	vtrunc.f32 v22;
	v18 =	vsel vm7, v18, v16  }
0x14f: {  	v16 =	vcvt.f32.s32 v19;
	v17 =	vsel vm2, v2, v17;
	v2 =	vmul.f32 $4.194304000e+06, v18  }
0x150: {  	v11 =	vadd.s32 v14, v11;
	v6 =	vadd.s32 v6, v62;
	v19 =	vmul.f32 $1.342177280e+08, v12  }
0x151: {  	v22 =	vmul.f32 $8.388608000e+06, v17;
	v23 =	vsub.s32 $0xFFFFFF, v16;
	v2 =	vtrunc.f32 v2  }
0x152: {  	v21 =	vadd.s32 $0x1, v21;
	v32 =	vcvt.s32.f32 v23;
	v33 =	vcvt.f32.s32 v2  }
0x153: {  	v21 =	vnsel vm2, $0x0, v21;
	v14 =	vtrunc.f32 v22;
	v2 =	vtrunc.f32 v19  }
0x154: {  	v19 =	vcvt.f32.s32 v2;
	v2 =	vmul.f32 $7.450583440e-07, v32;
	v22 =	vsub.s32 $0xFFFFFF, v33  }
0x155: {  	v6 =	vcvt.s32.f32 v6;
	v21 =	vadd.s32 v21, v11;
	v11 =	vcvt.s32.f32 v22  }
0x156: {  	vm1 =	vlt.f32 v4, $8.000000000e+00;
	v14 =	vcvt.f32.s32 v14;
	v2 =	vtrunc.f32 v2  }
0x157: {  	v34 =	vsub.s32 $0xFFFFFF, v19;
	v2 =	vcvt.f32.s32 v2;
	v11 =	vmul.f32 $2.384188520e-05, v11  }
0x158: {  	v6 =	vmul.f32 $4.768371580e-07, v6;
	v35 =	vsub.s32 $0xFFFFFF, v14;
	v36 =	vcvt.s32.f32 v34  }
0x159: {  	v37 =	vcvt.s32.f32 v35;
	v29 =	vmul.u32 $0x147AE1, v2;
	v11 =	vtrunc.f32 v11  }
0x15a: {  	v15 =	vadd.s32 $0x1, v15;
	v27 =	vmul.f32 $7.450583440e-07, v36;
	v30 =	vcvt.f32.s32 v11  }
0x15b: {  	v11 =	vnsel vm1, $0x0, v15;
	vm2 =	vgt.s32 v29, v23;
	v15 =	vmul.f32 $1.192094260e-05, v37  }
0x15c: {  	v23 =	vtrunc.f32 v27;
	v38 =	vsel vm2, $0xFFFFFFFF, v1;
	v39 =	vmul.u32 $0xA3D7, v30  }
0x15d: {  	v6 =	vadd.f32 $9.999999770e-03, v6;
	v23 =	vcvt.f32.s32 v23;
	v2 =	vadd.s32 v2, v38  }
0x15e: {  	v15 =	vtrunc.f32 v15;
	v27 =	vmul.u32 $0x147AE1, v2;
	vm2 =	vgt.s32 v39, v22  }
0x15f: {  	v40 =	vcvt.f32.s32 v15;
	v22 =	vmul.u32 $0x147AE1, v23;
	v28 =	vsel vm2, $0xFFFFFFFF, v1  }
0x160: {  	v15 =	vsel vm1, v6, v4;
	v4 =	vadd.s32 v16, v27;
	v16 =	vadd.s32 v30, v28  }
0x161: {  	vm1 =	vgt.s32 v22, v34;
	v4 =	vcvt.s32.f32 v4;
	v22 =	vmul.u32 $0xA3D7, v16  }
0x162: {  	v10 =	vadd.s32 $0x1, v10;
	v6 =	vmul.u32 $0x147AE, v40;
	v24 =	vsel vm1, $0xFFFFFFFF, v1  }
0x163: {  	v23 =	vadd.s32 v23, v24;
	v4 =	vmul.f32 $7.450580600e-09, v4;
	v22 =	vadd.s32 v33, v22  }
0x164: {  	vm1 =	vgt.s32 v6, v35;
	v24 =	vmul.u32 $0x147AE1, v23;
	v22 =	vcvt.s32.f32 v22  }
0x165: {  	v6 =	vmul.f32 $1.048576000e+06, v15;
	v41 =	vsel vm1, $0xFFFFFFFF, v1;
	v4 =	vadd.f32 $9.999999770e-03, v4  }
0x166: {  	vm1 =	vlt.f32 v20, $1.250000000e-01;
	v19 =	vadd.s32 v19, v24;
	v22 =	vmul.f32 $2.384185790e-07, v22  }
0x167: {  	v25 =	vadd.s32 v40, v41;
	v19 =	vcvt.s32.f32 v19;
	v20 =	vsel vm1, v4, v20  }
0x168: {  	v4 =	vmul.u32 $0x147AE, v25;
	v42 =	vmul.f32 $6.710886400e+07, v20;
	v22 =	vadd.f32 $9.999999770e-03, v22  }
0x169: {  	vm9 =	vlt.f32 v18, $4.000000000e+00;
	v6 =	vtrunc.f32 v6;
	v19 =	vmul.f32 $7.450580600e-09, v19  }
0x16a: {  	v4 =	vadd.s32 v14, v4;
	v14 =	vtrunc.f32 v42;
	v18 =	vsel vm9, v22, v18  }
0x16b: {  	v4 =	vcvt.s32.f32 v4;
	v19 =	vadd.f32 $9.999999770e-03, v19;
	v22 =	vmul.f32 $2.097152000e+06, v18  }
0x16c: {  	vm15 =	vlt.f32 v12, $1.250000000e-01;
	v6 =	vcvt.f32.s32 v6;
	v14 =	vcvt.f32.s32 v14  }
0x16d: {  	v4 =	vmul.f32 $1.192092900e-07, v4;
	v12 =	vsel vm15, v19, v12;
	v19 =	vtrunc.f32 v22  }
0x16e: {  	v3 =	vadd.s32 v5, v3;
	v5 =	vnsel vm6, $0x0, v10;
	v19 =	vcvt.f32.s32 v19  }
0x16f: {  	v43 =	vsub.s32 $0xA00000, v6;
	v6 =	vsub.s32 $0xFFFFFF, v14;
	v4 =	vadd.f32 $9.999999770e-03, v4  }
0x170: {  	vm4 =	vlt.f32 v17, $2.000000000e+00;
	v22 =	vcvt.s32.f32 v6;
	v46 =	vsub.s32 $0xFFFFFF, v19  }
0x171: {  	v44 =	vmul.f32 $6.710886400e+07, v12;
	v17 =	vsel vm4, v4, v17;
	v4 =	vcvt.s32.f32 v46  }
0x172: {  	v3 =	vadd.s32 v5, v3;
	v22 =	vmul.f32 $1.490115550e-06, v22  }
0x173: {  	v5 =	vadd.s32 $0x1, v13;
	v26 =	vtrunc.f32 v44;
	v4 =	vmul.f32 $4.768263170e-05, v4  }
0x174: {  	v5 =	vnsel vm7, $0x0, v5;
	v26 =	vcvt.f32.s32 v26;
	v22 =	vtrunc.f32 v22  }
0x175: {  	v3 =	vadd.s32 v5, v3;
	v22 =	vcvt.f32.s32 v22;
	v4 =	vtrunc.f32 v4  }
0x176: {  	v11 =	vadd.s32 v11, v9;
	v47 =	vsub.s32 $0xFFFFFF, v26;
	v33 =	vcvt.f32.s32 v4  }
0x177: {  	v48 =	vmul.f32 $4.194304000e+06, v17;
	v31 =	vcvt.s32.f32 v47;
	v32 =	vmul.u32 $0xA3D71, v22  }
0x178: {  	v13 =	vadd.s32 $0x1, v16;
	v23 =	vadd.s32 $0x8, v23;
	v49 =	vmul.u32 $0x51EC, v33  }
0x179: {  	v30 =	vtrunc.f32 v48;
	v4 =	vmul.f32 $1.490115550e-06, v31;
	vm2 =	vgt.s32 v32, v6  }
0x17a: {  	v30 =	vcvt.f32.s32 v30;
	v6 =	vsel vm2, $0xFFFFFFFF, v1;
	vm2 =	vgt.s32 v49, v46  }
0x17b: {  	v50 =	vtrunc.f32 v4;
	v4 =	vadd.s32 v22, v6;
	v31 =	vsel vm2, $0xFFFFFFFF, v1  }
0x17c: {  	v22 =	vcvt.f32.s32 v50;
	v51 =	vmul.u32 $0xA3D71, v4;
	v31 =	vadd.s32 v33, v31  }
0x17d: {  	v5 =	vnsel vm9, $0x0, v13;
	v23 =	vnsel vm15, $0x7, v23;
	v33 =	vmul.u32 $0x51EC, v31  }
0x17e: {  	v6 =	vsub.s32 $0xFFFFFF, v30;
	v14 =	vadd.s32 v14, v51;
	v53 =	vmul.u32 $0xA3D71, v22  }
0x17f: {  	v52 =	vcvt.s32.f32 v6;
	v14 =	vcvt.s32.f32 v14;
	v19 =	vadd.s32 v19, v33  }
0x180: {  	v25 =	vadd.s32 $0x1, v25;
	vm2 =	vgt.s32 v53, v47;
	v19 =	vcvt.s32.f32 v19  }
0x181: {  	v28 =	vmul.f32 $2.384188520e-05, v52;
	v29 =	vsel vm2, $0xFFFFFFFF, v1;
	v14 =	vmul.f32 $1.490116120e-08, v14  }
0x182: {  	v45 =	vcvt.s32.f32 v43;
	v22 =	vadd.s32 v22, v29;
	v19 =	vmul.f32 $4.768371580e-07, v19  }
0x183: {  	v28 =	vtrunc.f32 v28;
	v29 =	vmul.u32 $0xA3D71, v22;
	v14 =	vadd.f32 $9.999999770e-03, v14  }
0x184: {  	v28 =	vcvt.f32.s32 v28;
	vm2 =	vlt.f32 v20, $2.500000000e-01;
	v19 =	vadd.f32 $9.999999770e-03, v19  }
0x185: {  	vm14 =	vlt.f32 v18, $8.000000000e+00;
	v26 =	vadd.s32 v26, v29;
	v20 =	vsel vm2, v14, v20  }
0x186: {  	v14 =	vmul.u32 $0xA3D7, v28;
	v26 =	vcvt.s32.f32 v26;
	v18 =	vsel vm14, v19, v18  }
0x187: {  	v25 =	vnsel vm4, $0x0, v25;
	v55 =	vmul.f32 $3.355443200e+07, v20;
	v56 =	vmul.f32 $1.048576000e+06, v18  }
0x188: {  	v27 =	vmul.f32 $9.536526340e-05, v45;
	vm4 =	vgt.s32 v14, v6;
	v6 =	vmul.f32 $1.490116120e-08, v26  }
0x189: {  	vm12 =	vlt.f32 v12, $2.500000000e-01;
	v14 =	vtrunc.f32 v55;
	v26 =	vtrunc.f32 v56  }
0x18a: {  	v22 =	vadd.s32 $0x1, v22;
	v19 =	vcvt.f32.s32 v14;
	v26 =	vcvt.f32.s32 v26  }
0x18b: {  	v27 =	vtrunc.f32 v27;
	v22 =	vnsel vm12, $0x0, v22;
	v57 =	vadd.f32 $9.999999770e-03, v6  }
0x18c: {  	v6 =	vadd.s32 v23, v22;
	v23 =	vsub.s32 $0xFFFFFF, v19;
	v26 =	vsub.s32 $0xA00000, v26  }
0x18d: {  	v14 =	vsel vm4, $0xFFFFFFFF, v1;
	v58 =	vcvt.s32.f32 v23;
	v59 =	vcvt.s32.f32 v26  }
0x18e: {  	v3 =	vadd.s32 v5, v3;
	v27 =	vcvt.f32.s32 v27;
	v22 =	vadd.s32 v28, v14  }
0x18f: {  	v12 =	vsel vm12, v57, v12;
	v28 =	vmul.f32 $2.980235650e-06, v58;
	v61 =	vmul.f32 $9.536526340e-05, v59  }
0x190: {  	v21 =	vadd.s32 v25, v21;
	v14 =	vmul.u32 $0xA3D7, v22;
	v29 =	vmul.f32 $3.355443200e+07, v12  }
0x191: {  	v54 =	vmul.u32 $0x28F6, v27;
	v60 =	vtrunc.f32 v28;
	v28 =	vtrunc.f32 v61  }
0x192: {  	v14 =	vadd.s32 v30, v14;
	v24 =	vcvt.f32.s32 v60;
	v7 =	vcvt.f32.s32 v28  }
0x193: {  	vm13 =	vlt.f32 v17, $4.000000000e+00;
	vm15 =	vgt.s32 v54, v43;
	v30 =	vcvt.s32.f32 v14  }
0x194: {  	v14 =	vtrunc.f32 v29;
	v63 =	vmul.u32 $0x51EB8, v24;
	v10 =	vmul.u32 $0x28F6, v7  }
0x195: {  	v25 =	vsel vm15, $0xFFFFFFFF, v1;
	v5 =	vadd.s32 $0x1, v31;
	v14 =	vcvt.f32.s32 v14  }
0x196: {  	v16 =	vadd.s32 $0x1, v22;
	vm3 =	vgt.s32 v63, v23;
	vm0 =	vgt.s32 v10, v26  }
0x197: {  	v62 =	vsub.s32 $0xFFFFFF, v14;
	v23 =	vsel vm3, $0xFFFFFFFF, v1;
	v10 =	vsel vm0, $0xFFFFFFFF, v1  }
0x198: {  	vm0 =	vle.f32 v18, $1.000000000e+01;
	v7 =	vadd.s32 v10, v7;
	v10 =	vnsel vm14, $0x0, v5  }
0x199: {  	v5 =	vadd.s32 v24, v23;
	v7 =	vadd.s32 $0x1, v7;
	v3 =	vadd.s32 v10, v3  }
0x19a: {  	v10 =	vcvt.s32.f32 v62;
	v13 =	vmul.u32 $0x51EB8, v5;
	v7 =	vnsel vm0, $0x0, v7  }
0x19b: {  	v16 =	vnsel vm13, $0x0, v16;
	v3 =	vadd.s32 v7, v3;
	v7 =	vmul.f32 $2.384185790e-07, v30  }
0x19c: {  	v22 =	vcvt.s32.f32 v3;
	v3 =	vmul.f32 $2.980235650e-06, v10;
	v10 =	vadd.s32 v19, v13  }
0x19d: {  	vm4 =	vlt.f32 v12, $5.000000000e-01;
	v10 =	vcvt.s32.f32 v10;
	v7 =	vadd.f32 $9.999999770e-03, v7  }
0x19e: {  	vm0 =	vle.f32 v15, $1.000000000e+01;
	v13 =	vadd.s32 v25, v27;
	v3 =	vtrunc.f32 v3  }
0x19f: {  	v15 =	vcvt.f32.s32 v3;
	v10 =	vmul.f32 $2.980232240e-08, v10;
	v7 =	vsel vm13, v7, v17  }
0x1a0: {  	s31 =	simm.s32 $0x30;
	s16 =	simm.s32 $0x60;
	v13 =	vadd.s32 $0x1, v13;
	v3 =	vadd.s32 v16, v21;
	v16 =	vmul.f32 $2.097152000e+06, v7  }
0x1a1: {  	s15 =	sand.u32 $0x70, s31;
	s18 =	sand.u32 $0x300, s16;
	v13 =	vnsel vm0, $0x0, v13;
	v17 =	vmul.u32 $0x51EB8, v15;
	v10 =	vadd.f32 $9.999999770e-03, v10  }
0x1a2: {  	s15 =	sor.u32 s15, s18;
	vm0 =	vlt.f32 v20, $5.000000000e-01;
	v11 =	vadd.s32 v13, v11;
	v18 =	vtrunc.f32 v16  }
0x1a3: {  	s17 =	simm.s32 $0x430;
	v21 =	vld [tilespmem:s15+$0x80];
	vm5 =	vgt.s32 v17, v62;
	v16 =	vsel vm0, v10, v20;
	v9 =	vcvt.f32.s32 v18  }
0x1a4: {  	vm3 =	vlt.f32 v7, $8.000000000e+00;
	v10 =	vld [tilespmem:s17+$0x0];
	v17 =	vsel vm5, $0xFFFFFFFF, v1;
	v23 =	vmul.f32 $1.677721600e+07, v16  }
0x1a5: {  	[tilespmem:s12+$0x680] =	vst v8;
	v19 =	vld [tilespmem:s15+$0x0];
	v8 =	vcvt.s32.f32 v11;
	v18 =	vadd.s32 v15, v17;
	v13 =	vsub.s32 $0xFFFFFF, v9  }
0x1a6: {  	s18 =	simm.s32 $0x40;
	[tilespmem:s13+$0x680] =	vst v22;
	v20 =	vmul.u32 $0x51EB8, v18;
	v11 =	vtrunc.f32 v23;
	v17 =	vcvt.s32.f32 v13  }
.LBB2_2:
0x1a7: {  	p0 =	sne.s32 s18, $0x1F0;
	v18 =	vadd.s32 $0x1, v18  }
0x1a8: {  	v11 =	vcvt.f32.s32 v11;
	[tilespmem:s12+$0x600] =	vst v8;
	vm6 =	vmmov vm1;
	vm5 =	vmmov vm2;
	s12 =	smov.u32 s13;
	s13 =	smov.u32 s14;
	s14 =	smov.u32 s15  }
0x1a9: {  	v15 =	vadd.f32 $-1.000000050e-03, v10;
	v8 =	vadd.f32 $9.999999770e-03, v21;
	v14 =	vadd.s32 v14, v20  }
0x1aa: {  	v19 =	vadd.f32 $9.999999770e-03, v19;
	v14 =	vcvt.s32.f32 v14;
	v20 =	vsub.s32 $0xFFFFFF, v11  }
0x1ab: {  	v17 =	vmul.f32 $4.768263170e-05, v17;
	vm1 =	vle.f32 v8, v15;
	v21 =	vcvt.s32.f32 v20  }
0x1ac: {  	vm7 =	vle.f32 v8, v10;
	vm2 =	vle.f32 v19, v15;
	v22 =	vsel vm1, $0x40000000, v0  }
0x1ad: {  	v23 =	vsel vm2, $0x40000000, v0;
	v22 =	vnsel vm7, $0x3F800000, v22;
	v21 =	vmul.f32 $5.960471300e-06, v21  }
0x1ae: {  	vm1 =	vle.f32 v19, v10;
	v14 =	vmul.f32 $2.980232240e-08, v14;
	v8 =	vmul.f32 v22, v8  }
0x1af: {  	v17 =	vtrunc.f32 v17;
	v22 =	vnsel vm1, $0x3F800000, v23;
	v21 =	vtrunc.f32 v21  }
0x1b0: {  	v19 =	vmul.f32 v22, v19;
	v8 =	vadd.f32 $9.999999770e-03, v8;
	v21 =	vcvt.f32.s32 v21  }
0x1b1: {  	v17 =	vcvt.f32.s32 v17;
	v22 =	vadd.f32 $9.999999770e-03, v14;
	v14 =	vnsel vm4, $0x0, v18  }
0x1b2: {  	v18 =	vadd.f32 $9.999999770e-03, v19;
	vm1 =	vle.f32 v8, v15;
	v19 =	vmul.u32 $0x28F5C, v21  }
0x1b3: {  	v12 =	vsel vm4, v22, v12;
	vm2 =	vle.f32 v8, v10;
	v23 =	vsel vm1, $0x40000000, v0  }
0x1b4: {  	vm1 =	vle.f32 v18, v15;
	v22 =	vnsel vm2, $0x3F800000, v23;
	vm2 =	vgt.s32 v19, v20  }
0x1b5: {  	v19 =	vsel vm1, $0x40000000, v0;
	v20 =	vmul.f32 v22, v8;
	v8 =	vsel vm2, $0xFFFFFFFF, v1  }
0x1b6: {  	vm1 =	vle.f32 v18, v10;
	v22 =	vmul.f32 $1.677721600e+07, v12;
	v8 =	vadd.s32 v21, v8  }
0x1b7: {  	v19 =	vnsel vm1, $0x3F800000, v19;
	v20 =	vadd.f32 $9.999999770e-03, v20;
	v21 =	vmul.u32 $0x28F5C, v8  }
0x1b8: {  	vm1 =	vlt.f32 v12, $1.000000000e+00;
	v18 =	vmul.f32 v19, v18;
	v19 =	vtrunc.f32 v22  }
0x1b9: {  	v19 =	vcvt.f32.s32 v19;
	vm2 =	vle.f32 v20, v15;
	v11 =	vadd.s32 v11, v21  }
0x1ba: {  	vm4 =	vle.f32 v20, v10;
	v21 =	vsel vm2, $0x40000000, v0;
	v11 =	vcvt.s32.f32 v11  }
0x1bb: {  	v18 =	vadd.f32 $9.999999770e-03, v18;
	v22 =	vsub.s32 $0xFFFFFF, v19;
	v21 =	vnsel vm4, $0x3F800000, v21  }
0x1bc: {  	v20 =	vmul.f32 v21, v20;
	v11 =	vmul.f32 $5.960464480e-08, v11;
	v21 =	vmul.u32 $0x51EC, v17  }
0x1bd: {  	vm2 =	vle.f32 v18, v10;
	vm4 =	vle.f32 v18, v15;
	v23 =	vcvt.s32.f32 v22  }
0x1be: {  	v24 =	vsel vm4, $0x40000000, v0;
	v20 =	vadd.f32 $9.999999770e-03, v20;
	v11 =	vadd.f32 $9.999999770e-03, v11  }
0x1bf: {  	vm7 =	vlt.f32 v16, $1.000000000e+00;
	v24 =	vnsel vm2, $0x3F800000, v24;
	v23 =	vmul.f32 $5.960471300e-06, v23  }
0x1c0: {  	v18 =	vmul.f32 v24, v18;
	vm2 =	vle.f32 v20, v15;
	v16 =	vsel vm7, v11, v16  }
0x1c1: {  	vm4 =	vle.f32 v20, v10;
	v11 =	vsel vm2, $0x40000000, v0;
	v24 =	vmul.f32 $8.388608000e+06, v16  }
0x1c2: {  	v23 =	vtrunc.f32 v23;
	v18 =	vadd.f32 $9.999999770e-03, v18;
	v11 =	vnsel vm4, $0x3F800000, v11  }
0x1c3: {  	vm2 =	vgt.s32 v21, v13;
	v11 =	vmul.f32 v11, v20;
	v20 =	vtrunc.f32 v24  }
0x1c4: {  	vm4 =	vle.f32 v18, v10;
	vm8 =	vle.f32 v18, v15;
	v13 =	vcvt.f32.s32 v20  }
0x1c5: {  	v21 =	vcvt.f32.s32 v23;
	v20 =	vsel vm8, $0x40000000, v0;
	v11 =	vadd.f32 $9.999999770e-03, v11  }
0x1c6: {  	v24 =	vsel vm2, $0xFFFFFFFF, v1;
	v20 =	vnsel vm4, $0x3F800000, v20;
	v23 =	vsub.s32 $0xFFFFFF, v13  }
0x1c7: {  	v18 =	vmul.f32 v20, v18;
	vm2 =	vle.f32 v11, v15;
	v20 =	vcvt.s32.f32 v23  }
0x1c8: {  	v26 =	vmul.u32 $0x28F5C, v21;
	vm4 =	vle.f32 v11, v10;
	v25 =	vsel vm2, $0x40000000, v0  }
0x1c9: {  	v18 =	vadd.f32 $9.999999770e-03, v18;
	v25 =	vnsel vm4, $0x3F800000, v25;
	v20 =	vmul.f32 $1.192094260e-05, v20  }
0x1ca: {  	v17 =	vadd.s32 v17, v24;
	vm2 =	vgt.s32 v26, v22;
	v11 =	vmul.f32 v25, v11  }
0x1cb: {  	vm4 =	vle.f32 v18, v10;
	vm8 =	vle.f32 v18, v15;
	v20 =	vtrunc.f32 v20  }
0x1cc: {  	v22 =	vsel vm8, $0x40000000, v0;
	v11 =	vadd.f32 $9.999999770e-03, v11;
	v20 =	vcvt.f32.s32 v20  }
0x1cd: {  	v24 =	vsel vm2, $0xFFFFFFFF, v1;
	v25 =	vmul.u32 $0x51EC, v17;
	v22 =	vnsel vm4, $0x3F800000, v22  }
0x1ce: {  	v18 =	vmul.f32 v22, v18;
	vm2 =	vle.f32 v11, v15;
	v22 =	vmul.u32 $0x147AE, v20  }
0x1cf: {  	v21 =	vadd.s32 v21, v24;
	vm4 =	vle.f32 v11, v10;
	v26 =	vsel vm2, $0x40000000, v0  }
0x1d0: {  	v18 =	vadd.f32 $9.999999770e-03, v18;
	v24 =	vnsel vm4, $0x3F800000, v26;
	vm2 =	vgt.s32 v22, v23  }
0x1d1: {  	v23 =	vmul.u32 $0x28F5C, v21;
	v22 =	vmul.f32 v24, v11;
	v11 =	vsel vm2, $0xFFFFFFFF, v1  }
0x1d2: {  	vm2 =	vle.f32 v18, v10;
	vm4 =	vle.f32 v18, v15;
	v11 =	vadd.s32 v20, v11  }
0x1d3: {  	v20 =	vsel vm4, $0x40000000, v0;
	v22 =	vadd.f32 $9.999999770e-03, v22;
	v24 =	vmul.u32 $0x147AE, v11  }
0x1d4: {  	v9 =	vadd.s32 v9, v25;
	v19 =	vadd.s32 v19, v23;
	v20 =	vnsel vm2, $0x3F800000, v20  }
0x1d5: {  	v18 =	vmul.f32 v20, v18;
	vm2 =	vle.f32 v22, v15;
	v13 =	vadd.s32 v13, v24  }
0x1d6: {  	vm4 =	vle.f32 v22, v10;
	v20 =	vsel vm2, $0x40000000, v0;
	v13 =	vcvt.s32.f32 v13  }
0x1d7: {  	v19 =	vcvt.s32.f32 v19;
	v18 =	vadd.f32 $9.999999770e-03, v18;
	v20 =	vnsel vm4, $0x3F800000, v20  }
0x1d8: {  	v21 =	vadd.s32 $0x1, v21;
	v20 =	vmul.f32 v20, v22;
	v13 =	vmul.f32 $1.192092900e-07, v13  }
0x1d9: {  	vm2 =	vle.f32 v18, v10;
	vm4 =	vle.f32 v18, v15;
	v10 =	vmul.f32 $5.960464480e-08, v19  }
0x1da: {  	v15 =	vsel vm4, $0x40000000, v0;
	v19 =	vmul.f32 $1.342177280e+08, v20;
	v13 =	vadd.f32 $9.999999770e-03, v13  }
0x1db: {  	vm8 =	vlt.f32 v16, $2.000000000e+00;
	v15 =	vnsel vm2, $0x3F800000, v15;
	v10 =	vadd.f32 $9.999999770e-03, v10  }
0x1dc: {  	v15 =	vmul.f32 v15, v18;
	v18 =	vtrunc.f32 v19;
	v16 =	vsel vm8, v13, v16  }
0x1dd: {  	v12 =	vsel vm1, v10, v12;
	v18 =	vcvt.f32.s32 v18;
	v10 =	vmul.f32 $4.194304000e+06, v16  }
0x1de: {  	vm4 =	vlt.f32 v15, $1.250000000e-01;
	v13 =	vmul.f32 $1.342177280e+08, v15;
	v19 =	vmul.f32 $8.388608000e+06, v12  }
0x1df: {  	vm2 =	vlt.f32 v12, $2.000000000e+00;
	v22 =	vsub.s32 $0xFFFFFF, v18;
	v10 =	vtrunc.f32 v10  }
0x1e0: {  	v21 =	vnsel vm1, $0x0, v21;
	v23 =	vcvt.s32.f32 v22;
	v24 =	vcvt.f32.s32 v10  }
0x1e1: {  	v6 =	vadd.s32 v14, v6;
	v10 =	vtrunc.f32 v13;
	v13 =	vtrunc.f32 v19  }
0x1e2: {  	v14 =	vcvt.f32.s32 v10;
	v10 =	vmul.f32 $7.450583440e-07, v23;
	v19 =	vsub.s32 $0xFFFFFF, v24  }
0x1e3: {  	v6 =	vadd.s32 v21, v6;
	v21 =	vcvt.f32.s32 v13;
	v13 =	vcvt.s32.f32 v19  }
0x1e4: {  	v9 =	vcvt.s32.f32 v9;
	v23 =	vsub.s32 $0xFFFFFF, v14;
	v10 =	vtrunc.f32 v10  }
0x1e5: {  	v25 =	vsub.s32 $0xFFFFFF, v21;
	v10 =	vcvt.f32.s32 v10;
	v13 =	vmul.f32 $2.384188520e-05, v13  }
0x1e6: {  	v17 =	vadd.s32 $0x1, v17;
	v26 =	vcvt.s32.f32 v23;
	v27 =	vcvt.s32.f32 v25  }
0x1e7: {  	v29 =	vmul.f32 $4.768371580e-07, v9;
	v28 =	vmul.u32 $0x147AE1, v10;
	v13 =	vtrunc.f32 v13  }
0x1e8: {  	v9 =	vnsel vm3, $0x0, v17;
	v26 =	vmul.f32 $7.450583440e-07, v26;
	v30 =	vcvt.f32.s32 v13  }
0x1e9: {  	v17 =	vmul.f32 $1.192094260e-05, v27;
	vm1 =	vgt.s32 v28, v22;
	v22 =	vadd.f32 $9.999999770e-03, v29  }
0x1ea: {  	v13 =	vtrunc.f32 v26;
	v26 =	vsel vm1, $0xFFFFFFFF, v1;
	v27 =	vmul.u32 $0xA3D7, v30  }
0x1eb: {  	v28 =	vcvt.f32.s32 v13;
	v13 =	vadd.s32 v10, v26;
	v10 =	vtrunc.f32 v17  }
0x1ec: {  	v17 =	vmul.u32 $0x147AE1, v13;
	v26 =	vcvt.f32.s32 v10;
	vm1 =	vgt.s32 v27, v19  }
0x1ed: {  	v7 =	vsel vm3, v22, v7;
	v19 =	vmul.u32 $0x147AE1, v28;
	v10 =	vsel vm1, $0xFFFFFFFF, v1  }
0x1ee: {  	v17 =	vadd.s32 v18, v17;
	v18 =	vmul.u32 $0x147AE, v26;
	v10 =	vadd.s32 v30, v10  }
0x1ef: {  	vm1 =	vgt.s32 v19, v23;
	v17 =	vcvt.s32.f32 v17;
	v19 =	vmul.u32 $0xA3D7, v10  }
0x1f0: {  	v22 =	vsel vm1, $0xFFFFFFFF, v1;
	vm1 =	vgt.s32 v18, v25;
	v18 =	vmul.f32 $1.048576000e+06, v7  }
0x1f1: {  	v22 =	vadd.s32 v28, v22;
	v17 =	vmul.f32 $7.450580600e-09, v17;
	v19 =	vadd.s32 v24, v19  }
0x1f2: {  	v23 =	vmul.u32 $0x147AE1, v22;
	v24 =	vsel vm1, $0xFFFFFFFF, v1;
	v19 =	vcvt.s32.f32 v19  }
0x1f3: {  	v24 =	vadd.s32 v26, v24;
	v18 =	vtrunc.f32 v18;
	v17 =	vadd.f32 $9.999999770e-03, v17  }
0x1f4: {  	vm1 =	vlt.f32 v20, $1.250000000e-01;
	v14 =	vadd.s32 v14, v23;
	v19 =	vmul.f32 $2.384185790e-07, v19  }
0x1f5: {  	v14 =	vcvt.s32.f32 v14;
	v17 =	vsel vm1, v17, v20;
	v20 =	vmul.u32 $0x147AE, v24  }
0x1f6: {  	v18 =	vcvt.f32.s32 v18;
	v23 =	vmul.f32 $6.710886400e+07, v17;
	v19 =	vadd.f32 $9.999999770e-03, v19  }
0x1f7: {  	vm9 =	vlt.f32 v16, $4.000000000e+00;
	v14 =	vmul.f32 $7.450580600e-09, v14;
	v20 =	vadd.s32 v21, v20  }
0x1f8: {  	v21 =	vtrunc.f32 v23;
	v20 =	vcvt.s32.f32 v20;
	v19 =	vsel vm9, v19, v16  }
0x1f9: {  	v16 =	vadd.f32 $9.999999770e-03, v14;
	v21 =	vcvt.f32.s32 v21;
	v23 =	vmul.f32 $2.097152000e+06, v19  }
0x1fa: {  	v22 =	vadd.s32 $0x8, v22;
	v14 =	vsub.s32 $0xA00000, v18;
	v20 =	vmul.f32 $1.192092900e-07, v20  }
0x1fb: {  	v25 =	vsel vm4, v16, v15;
	v16 =	vsub.s32 $0xFFFFFF, v21;
	v15 =	vtrunc.f32 v23  }
0x1fc: {  	vm10 =	vlt.f32 v25, $2.500000000e-01;
	v18 =	vcvt.s32.f32 v16;
	v23 =	vcvt.f32.s32 v15  }
0x1fd: {  	v26 =	vcvt.s32.f32 v14;
	v15 =	vmul.f32 $6.710886400e+07, v25;
	v20 =	vadd.f32 $9.999999770e-03, v20  }
0x1fe: {  	v22 =	vnsel vm4, $0x7, v22;
	v18 =	vmul.f32 $1.490115550e-06, v18;
	v27 =	vsub.s32 $0xFFFFFF, v23  }
0x1ff: {  	v28 =	vtrunc.f32 v15;
	v15 =	vsel vm2, v20, v12;
	v12 =	vcvt.s32.f32 v27  }
0x200: {  	v20 =	vcvt.f32.s32 v28;
	vm3 =	vlt.f32 v15, $4.000000000e+00;
	v18 =	vtrunc.f32 v18  }
0x201: {  	v24 =	vadd.s32 $0x1, v24;
	v18 =	vcvt.f32.s32 v18;
	v12 =	vmul.f32 $4.768263170e-05, v12  }
0x202: {  	v26 =	vmul.f32 $9.536526340e-05, v26;
	v29 =	vmul.f32 $4.194304000e+06, v15;
	v28 =	vsub.s32 $0xFFFFFF, v20  }
0x203: {  	v30 =	vcvt.s32.f32 v28;
	v31 =	vmul.u32 $0xA3D71, v18;
	v12 =	vtrunc.f32 v12  }
0x204: {  	v24 =	vnsel vm2, $0x0, v24;
	v29 =	vtrunc.f32 v29;
	v12 =	vcvt.f32.s32 v12  }
0x205: {  	v29 =	vcvt.f32.s32 v29;
	v30 =	vmul.f32 $1.490115550e-06, v30;
	vm2 =	vgt.s32 v31, v16  }
0x206: {  	v26 =	vtrunc.f32 v26;
	v16 =	vsel vm2, $0xFFFFFFFF, v1;
	v31 =	vmul.u32 $0x51EC, v12  }
0x207: {  	v33 =	vsub.s32 $0xFFFFFF, v29;
	v30 =	vtrunc.f32 v30;
	v32 =	vadd.s32 v18, v16  }
0x208: {  	v30 =	vcvt.f32.s32 v30;
	v16 =	vmul.u32 $0xA3D71, v32;
	vm2 =	vgt.s32 v31, v27  }
0x209: {  	v18 =	vcvt.f32.s32 v26;
	v27 =	vcvt.s32.f32 v33;
	v31 =	vsel vm2, $0xFFFFFFFF, v1  }
0x20a: {  	v26 =	vmul.u32 $0xA3D71, v30;
	v16 =	vadd.s32 v21, v16;
	v21 =	vadd.s32 v12, v31  }
0x20b: {  	v27 =	vmul.f32 $2.384188520e-05, v27;
	v12 =	vcvt.s32.f32 v16;
	v31 =	vmul.u32 $0x51EC, v21  }
0x20c: {  	vm2 =	vgt.s32 v26, v28;
	v16 =	vadd.s32 v24, v6;
	v24 =	vmul.u32 $0x28F6, v18  }
0x20d: {  	v6 =	vsel vm2, $0xFFFFFFFF, v1;
	v12 =	vmul.f32 $1.490116120e-08, v12;
	v23 =	vadd.s32 v23, v31  }
0x20e: {  	v26 =	vtrunc.f32 v27;
	v6 =	vadd.s32 v30, v6;
	v23 =	vcvt.s32.f32 v23  }
0x20f: {  	v26 =	vcvt.f32.s32 v26;
	v27 =	vmul.u32 $0xA3D71, v6;
	v12 =	vadd.f32 $9.999999770e-03, v12  }
0x210: {  	vm2 =	vlt.f32 v17, $2.500000000e-01;
	v6 =	vadd.s32 $0x1, v6;
	v23 =	vmul.f32 $4.768371580e-07, v23  }
0x211: {  	v20 =	vadd.s32 v20, v27;
	v17 =	vsel vm2, v12, v17;
	v12 =	vmul.u32 $0xA3D7, v26  }
0x212: {  	v20 =	vcvt.s32.f32 v20;
	v27 =	vmul.f32 $3.355443200e+07, v17;
	v23 =	vadd.f32 $9.999999770e-03, v23  }
0x213: {  	vm11 =	vlt.f32 v19, $8.000000000e+00;
	v6 =	vnsel vm10, $0x0, v6;
	vm4 =	vgt.s32 v12, v33  }
0x214: {  	v12 =	vmul.f32 $1.490116120e-08, v20;
	v20 =	vtrunc.f32 v27;
	v19 =	vsel vm11, v23, v19  }
0x215: {  	v23 =	vsel vm4, $0xFFFFFFFF, v1;
	v20 =	vcvt.f32.s32 v20;
	v27 =	vmul.f32 $1.048576000e+06, v19  }
0x216: {  	v6 =	vadd.s32 v22, v6;
	v12 =	vadd.f32 $9.999999770e-03, v12;
	v22 =	vadd.s32 v26, v23  }
0x217: {  	v26 =	vmul.u32 $0xA3D7, v22;
	v23 =	vsub.s32 $0xFFFFFF, v20;
	v27 =	vtrunc.f32 v27  }
0x218: {  	v12 =	vsel vm10, v12, v25;
	v25 =	vcvt.s32.f32 v23;
	v27 =	vcvt.f32.s32 v27  }
0x219: {  	vm4 =	vlt.f32 v12, $5.000000000e-01;
	v28 =	vmul.f32 $3.355443200e+07, v12;
	v26 =	vadd.s32 v29, v26  }
0x21a: {  	v26 =	vcvt.s32.f32 v26;
	v25 =	vmul.f32 $2.980235650e-06, v25;
	v27 =	vsub.s32 $0xA00000, v27  }
0x21b: {  	vm10 =	vgt.s32 v24, v14;
	v28 =	vtrunc.f32 v28;
	v29 =	vcvt.s32.f32 v27  }
0x21c: {  	v14 =	vcvt.f32.s32 v28;
	v24 =	vtrunc.f32 v25;
	v25 =	vsel vm10, $0xFFFFFFFF, v1  }
0x21d: {  	v28 =	vadd.s32 $0x8, v2;
	v2 =	vmovc v13;
	v24 =	vcvt.f32.s32 v24;
	v29 =	vmul.f32 $9.536526340e-05, v29  }
0x21e: {  	v30 =	vadd.s32 $0x1, v4;
	v4 =	vmovc v32;
	v28 =	vnsel vm6, $0x7, v28;
	v13 =	vsub.s32 $0xFFFFFF, v14  }
0x21f: {  	v30 =	vnsel vm5, $0x0, v30;
	v31 =	vmul.u32 $0x51EB8, v24;
	v29 =	vtrunc.f32 v29  }
0x220: {  	v5 =	vadd.s32 $0x1, v5;
	v28 =	vadd.s32 v28, v30;
	v29 =	vcvt.f32.s32 v29  }
0x221: {  	v5 =	vnsel vm0, $0x0, v5;
	v8 =	vadd.s32 $0x1, v8;
	vm5 =	vgt.s32 v31, v23  }
0x222: {  	v8 =	vnsel vm7, $0x0, v8;
	v5 =	vadd.s32 v5, v28;
	v23 =	vmul.u32 $0x28F6, v29  }
0x223: {  	v5 =	vadd.s32 v8, v5;
	v8 =	vadd.s32 $0x1, v11;
	v28 =	vsel vm5, $0xFFFFFFFF, v1  }
0x224: {  	v10 =	vadd.s32 $0x1, v10;
	v8 =	vnsel vm8, $0x0, v8;
	vm0 =	vgt.s32 v23, v27  }
0x225: {  	v5 =	vadd.s32 v8, v5;
	v8 =	vnsel vm9, $0x0, v10;
	v10 =	vsel vm0, $0xFFFFFFFF, v1  }
0x226: {  	v8 =	vadd.s32 v8, v5;
	v5 =	vadd.s32 $0x1, v21;
	v10 =	vadd.s32 v10, v29  }
0x227: {  	v11 =	vnsel vm11, $0x0, v5;
	vm0 =	vle.f32 v19, $1.000000000e+01;
	v10 =	vadd.s32 $0x1, v10  }
0x228: {  	v5 =	vadd.s32 v24, v28;
	v8 =	vadd.s32 v11, v8;
	v10 =	vnsel vm0, $0x0, v10  }
0x229: {  	v11 =	vcvt.s32.f32 v13;
	v19 =	vmul.u32 $0x51EB8, v5;
	v8 =	vadd.s32 v10, v8  }
0x22a: {  	v21 =	vadd.s32 $0x1, v22;
	v10 =	vmul.f32 $2.384185790e-07, v26;
	v8 =	vcvt.s32.f32 v8  }
0x22b: {  	v18 =	vadd.s32 v25, v18;
	v11 =	vmul.f32 $2.980235650e-06, v11;
	v19 =	vadd.s32 v20, v19  }
0x22c: {  	v20 =	vnsel vm3, $0x0, v21;
	v19 =	vcvt.s32.f32 v19;
	v10 =	vadd.f32 $9.999999770e-03, v10;
	[tilespmem:s13+$0x680] =	vst v8  }
0x22d: {  	vm0 =	vle.f32 v7, $1.000000000e+01;
	v8 =	vtrunc.f32 v11;
	v11 =	vadd.s32 $0x1, v18  }
0x22e: {  	v18 =	vmul.f32 $2.980232240e-08, v19;
	v8 =	vcvt.f32.s32 v8;
	v7 =	vsel vm3, v10, v15  }
0x22f: {  	s16 =	sadd.s32 $0x20, s16;
	v15 =	vadd.s32 v20, v16;
	vm3 =	vlt.f32 v7, $8.000000000e+00;
	v16 =	vmul.f32 $2.097152000e+06, v7  }
0x230: {  	s15 =	sand.u32 $0x70, s18;
	s17 =	sadd.s32 $0x10, s17;
	s19 =	sand.u32 $0x300, s16;
	v11 =	vnsel vm0, $0x0, v11;
	v18 =	vadd.f32 $9.999999770e-03, v18;
	v19 =	vmul.u32 $0x51EB8, v8  }
.Ltmp0:
0x231: {  	s15 =	sor.u32 s15, s19;
	v22 =	vadd.s32 v9, v3;
	vm0 =	vlt.f32 v17, $5.000000000e-01;
	v3 =	vmovc v15;
	v20 =	vtrunc.f32 v16;
	v10 =	vld [tilespmem:s17+$0x0];
	(pc) =	sbr.rel @p0 .LBB2_2-.Ltmp0, $4  }
0x232: {  	v16 =	vsel vm0, v18, v17;
	vm5 =	vgt.s32 v19, v13;
	v9 =	vcvt.f32.s32 v20;
	v21 =	vld [tilespmem:s15+$0x80]  }
0x233: {  	v11 =	vadd.s32 v11, v22;
	v15 =	vmul.f32 $1.677721600e+07, v16;
	v13 =	vsel vm5, $0xFFFFFFFF, v1;
	v19 =	vld [tilespmem:s15+$0x0]  }
0x234: {  	v18 =	vadd.s32 v8, v13;
	v13 =	vsub.s32 $0xFFFFFF, v9;
	v8 =	vcvt.s32.f32 v11  }
0x235: {  	s18 =	sadd.s32 $0x10, s18;
	v11 =	vtrunc.f32 v15;
	v20 =	vmul.u32 $0x51EB8, v18;
	v17 =	vcvt.s32.f32 v13  }
0x236: {  	_ = 	snop  }
0x237: {  	v15 =	vadd.f32 $-1.000000050e-03, v10;
	v21 =	vadd.f32 $9.999999770e-03, v21;
	_ =	sdelay $0x1  }
0x238: {  	vm5 =	vle.f32 v21, v15  }
0x239: {  	vm6 =	vle.f32 v21, v10;
	v22 =	vsel vm5, $0x40000000, v0  }
0x23a: {  	v22 =	vnsel vm6, $0x3F800000, v22  }
0x23b: {  	v21 =	vmul.f32 v22, v21;
	_ =	sdelay $0x1  }
0x23c: {  	v21 =	vadd.f32 $9.999999770e-03, v21;
	_ =	sdelay $0x1  }
0x23d: {  	vm14 =	vle.f32 v21, v15  }
0x23e: {  	vm15 =	vle.f32 v21, v10;
	v26 =	vsel vm14, $0x40000000, v0  }
0x23f: {  	v19 =	vadd.f32 $9.999999770e-03, v19;
	v22 =	vnsel vm15, $0x3F800000, v26  }
0x240: {  	v21 =	vmul.f32 v22, v21  }
0x241: {  	vm9 =	vle.f32 v19, v15  }
0x242: {  	vm10 =	vle.f32 v19, v10;
	v27 =	vsel vm9, $0x40000000, v0;
	v21 =	vadd.f32 $9.999999770e-03, v21  }
0x243: {  	v22 =	vnsel vm10, $0x3F800000, v27  }
0x244: {  	v19 =	vmul.f32 v22, v19;
	vm11 =	vle.f32 v21, v15  }
0x245: {  	vm12 =	vle.f32 v21, v10;
	v23 =	vsel vm11, $0x40000000, v0  }
0x246: {  	v19 =	vadd.f32 $9.999999770e-03, v19;
	v28 =	vnsel vm12, $0x3F800000, v23  }
0x247: {  	v21 =	vmul.f32 v28, v21  }
0x248: {  	vm13 =	vle.f32 v19, v15  }
0x249: {  	vm14 =	vle.f32 v19, v10;
	v29 =	vsel vm13, $0x40000000, v0;
	v21 =	vadd.f32 $9.999999770e-03, v21  }
0x24a: {  	v22 =	vnsel vm14, $0x3F800000, v29  }
0x24b: {  	v19 =	vmul.f32 v22, v19;
	vm15 =	vle.f32 v21, v15  }
0x24c: {  	vm8 =	vle.f32 v21, v10;
	v30 =	vsel vm15, $0x40000000, v0  }
0x24d: {  	v19 =	vadd.f32 $9.999999770e-03, v19;
	v31 =	vnsel vm8, $0x3F800000, v30  }
0x24e: {  	v21 =	vmul.f32 v31, v21  }
0x24f: {  	vm9 =	vle.f32 v19, v15  }
0x250: {  	vm10 =	vle.f32 v19, v10;
	v32 =	vsel vm9, $0x40000000, v0;
	v21 =	vadd.f32 $9.999999770e-03, v21  }
0x251: {  	v22 =	vnsel vm10, $0x3F800000, v32  }
0x252: {  	v19 =	vmul.f32 v22, v19;
	vm11 =	vle.f32 v21, v15  }
0x253: {  	vm12 =	vle.f32 v21, v10;
	v33 =	vsel vm11, $0x40000000, v0  }
0x254: {  	v19 =	vadd.f32 $9.999999770e-03, v19;
	v34 =	vnsel vm12, $0x3F800000, v33  }
0x255: {  	v21 =	vmul.f32 v34, v21  }
0x256: {  	vm13 =	vle.f32 v19, v15  }
0x257: {  	vm14 =	vle.f32 v19, v10;
	v35 =	vsel vm13, $0x40000000, v0;
	v21 =	vadd.f32 $9.999999770e-03, v21  }
0x258: {  	v22 =	vnsel vm14, $0x3F800000, v35  }
0x259: {  	v19 =	vmul.f32 v22, v19;
	vm15 =	vle.f32 v21, v15  }
0x25a: {  	vm9 =	vle.f32 v21, v10;
	v36 =	vsel vm15, $0x40000000, v0  }
0x25b: {  	v19 =	vadd.f32 $9.999999770e-03, v19;
	v37 =	vnsel vm9, $0x3F800000, v36  }
0x25c: {  	v21 =	vmul.f32 v37, v21  }
0x25d: {  	vm10 =	vle.f32 v19, v15  }
0x25e: {  	vm11 =	vle.f32 v19, v10;
	v38 =	vsel vm10, $0x40000000, v0;
	v21 =	vadd.f32 $9.999999770e-03, v21  }
0x25f: {  	v22 =	vnsel vm11, $0x3F800000, v38  }
0x260: {  	v19 =	vmul.f32 v22, v19;
	vm12 =	vle.f32 v21, v15  }
0x261: {  	vm13 =	vle.f32 v21, v10;
	v39 =	vsel vm12, $0x40000000, v0  }
0x262: {  	v19 =	vadd.f32 $9.999999770e-03, v19;
	v40 =	vnsel vm13, $0x3F800000, v39  }
0x263: {  	v21 =	vmul.f32 v40, v21  }
0x264: {  	vm14 =	vle.f32 v19, v15  }
0x265: {  	vm15 =	vle.f32 v19, v10;
	v41 =	vsel vm14, $0x40000000, v0;
	v22 =	vmul.f32 $1.342177280e+08, v21  }
0x266: {  	v23 =	vnsel vm15, $0x3F800000, v41  }
0x267: {  	v19 =	vmul.f32 v23, v19;
	v22 =	vtrunc.f32 v22  }
0x268: {  	v22 =	vcvt.f32.s32 v22  }
0x269: {  	v19 =	vadd.f32 $9.999999770e-03, v19  }
0x26a: {  	v42 =	vsub.s32 $0xFFFFFF, v22  }
0x26b: {  	vm9 =	vle.f32 v19, v15;
	v24 =	vcvt.s32.f32 v42  }
0x26c: {  	vm10 =	vle.f32 v19, v10;
	v44 =	vsel vm9, $0x40000000, v0  }
0x26d: {  	v10 =	vnsel vm10, $0x3F800000, v44;
	v43 =	vmul.f32 $7.450583440e-07, v24  }
0x26e: {  	v45 =	vmul.f32 v10, v19  }
0x26f: {  	v15 =	vtrunc.f32 v43  }
0x270: {  	v47 =	vmul.f32 $1.342177280e+08, v45;
	v46 =	vcvt.f32.s32 v15;
	_ =	sdelay $0x1  }
0x271: {  	v15 =	vtrunc.f32 v47;
	v48 =	vmul.u32 $0x147AE1, v46  }
0x272: {  	v15 =	vcvt.f32.s32 v15  }
0x273: {  	vm11 =	vgt.s32 v48, v42  }
0x274: {  	v49 =	vsub.s32 $0xFFFFFF, v15;
	v19 =	vsel vm11, $0xFFFFFFFF, v1  }
0x275: {  	v25 =	vcvt.s32.f32 v49;
	v10 =	vadd.s32 v46, v19  }
0x276: {  	v50 =	vmul.u32 $0x147AE1, v10  }
0x277: {  	v51 =	vmul.f32 $7.450583440e-07, v25  }
0x278: {  	v22 =	vadd.s32 v22, v50  }
0x279: {  	v23 =	vtrunc.f32 v51;
	v22 =	vcvt.s32.f32 v22  }
0x27a: {  	v23 =	vcvt.f32.s32 v23  }
0x27b: {  	v11 =	vcvt.f32.s32 v11;
	v22 =	vmul.f32 $7.450580600e-09, v22  }
0x27c: {  	v52 =	vmul.u32 $0x147AE1, v23  }
0x27d: {  	v26 =	vsub.s32 $0xFFFFFF, v11;
	v22 =	vadd.f32 $9.999999770e-03, v22  }
0x27e: {  	v53 =	vcvt.s32.f32 v26;
	vm5 =	vlt.f32 v21, $1.250000000e-01;
	vm12 =	vgt.s32 v52, v49  }
0x27f: {  	v19 =	vsel vm12, $0xFFFFFFFF, v1;
	v21 =	vsel vm5, v22, v21  }
0x280: {  	v19 =	vadd.s32 v23, v19;
	v22 =	vmul.f32 $5.960471300e-06, v53;
	v54 =	vmul.f32 $6.710886400e+07, v21  }
0x281: {  	v56 =	vmul.u32 $0x147AE1, v19  }
0x282: {  	v22 =	vtrunc.f32 v22;
	v55 =	vtrunc.f32 v54  }
0x283: {  	v15 =	vadd.s32 v15, v56;
	v22 =	vcvt.f32.s32 v22;
	v23 =	vcvt.f32.s32 v55  }
0x284: {  	v15 =	vcvt.s32.f32 v15  }
0x285: {  	v28 =	vmul.u32 $0x28F5C, v22;
	v57 =	vsub.s32 $0xFFFFFF, v23  }
0x286: {  	v15 =	vmul.f32 $7.450580600e-09, v15;
	v27 =	vcvt.s32.f32 v57  }
0x287: {  	vm13 =	vgt.s32 v28, v26  }
0x288: {  	v58 =	vadd.f32 $9.999999770e-03, v15;
	v26 =	vsel vm13, $0xFFFFFFFF, v1;
	v27 =	vmul.f32 $1.490115550e-06, v27  }
0x289: {  	vm10 =	vlt.f32 v45, $1.250000000e-01;
	v15 =	vadd.s32 v22, v26  }
0x28a: {  	v24 =	vsel vm10, v58, v45;
	v26 =	vmul.u32 $0x28F5C, v15;
	v27 =	vtrunc.f32 v27  }
0x28b: {  	v60 =	vmul.f32 $6.710886400e+07, v24;
	v59 =	vcvt.f32.s32 v27  }
0x28c: {  	v11 =	vadd.s32 v11, v26  }
0x28d: {  	v62 =	vtrunc.f32 v60;
	v11 =	vcvt.s32.f32 v11;
	v61 =	vmul.u32 $0xA3D71, v59  }
0x28e: {  	v63 =	vcvt.f32.s32 v62  }
0x28f: {  	v32 =	vmul.f32 $5.960464480e-08, v11;
	vm14 =	vgt.s32 v61, v57  }
0x290: {  	v14 =	vadd.s32 v14, v20;
	v33 =	vsub.s32 $0xFFFFFF, v63;
	v31 =	vsel vm14, $0xFFFFFFFF, v1  }
0x291: {  	v35 =	vcvt.s32.f32 v33;
	v34 =	vadd.f32 $9.999999770e-03, v32;
	v11 =	vadd.s32 v59, v31  }
0x292: {  	v14 =	vcvt.s32.f32 v14;
	vm9 =	vlt.f32 v16, $1.000000000e+00;
	v26 =	vmul.u32 $0xA3D71, v11  }
0x293: {  	v37 =	vmul.f32 $1.490115550e-06, v35;
	v36 =	vsel vm9, v34, v16  }
0x294: {  	v14 =	vmul.f32 $2.980232240e-08, v14;
	v39 =	vmul.f32 $8.388608000e+06, v36;
	v23 =	vadd.s32 v23, v26  }
0x295: {  	v16 =	vtrunc.f32 v37;
	v38 =	vcvt.s32.f32 v23  }
0x296: {  	v16 =	vcvt.f32.s32 v16;
	v23 =	vtrunc.f32 v39  }
0x297: {  	v23 =	vcvt.f32.s32 v23;
	v20 =	vmul.f32 $1.490116120e-08, v38  }
0x298: {  	v14 =	vadd.f32 $9.999999770e-03, v14;
	v40 =	vmul.u32 $0xA3D71, v16  }
0x299: {  	vm6 =	vlt.f32 v21, $2.500000000e-01;
	v41 =	vsub.s32 $0xFFFFFF, v23;
	v20 =	vadd.f32 $9.999999770e-03, v20  }
0x29a: {  	v28 =	vsel vm4, v14, v12;
	vm7 =	vgt.s32 v40, v33;
	v43 =	vcvt.s32.f32 v41  }
0x29b: {  	v44 =	vmul.f32 $1.677721600e+07, v28;
	v27 =	vsel vm7, $0xFFFFFFFF, v1;
	v42 =	vsel vm6, v20, v21  }
0x29c: {  	v29 =	vmul.f32 $1.192094260e-05, v43;
	v20 =	vadd.s32 v16, v27;
	v21 =	vmul.f32 $3.355443200e+07, v42  }
0x29d: {  	v46 =	vtrunc.f32 v44;
	v47 =	vmul.u32 $0xA3D71, v20  }
0x29e: {  	v49 =	vtrunc.f32 v29;
	v45 =	vtrunc.f32 v21  }
0x29f: {  	v21 =	vcvt.f32.s32 v46;
	v16 =	vcvt.f32.s32 v49;
	v22 =	vadd.s32 v63, v47  }
0x2a0: {  	v48 =	vcvt.f32.s32 v45;
	v22 =	vcvt.s32.f32 v22  }
0x2a1: {  	v51 =	vsub.s32 $0xFFFFFF, v21;
	v32 =	vmul.u32 $0x147AE, v16  }
0x2a2: {  	v50 =	vsub.s32 $0xFFFFFF, v48;
	v31 =	vcvt.s32.f32 v51;
	v22 =	vmul.f32 $1.490116120e-08, v22  }
0x2a3: {  	v30 =	vcvt.s32.f32 v50;
	vm15 =	vgt.s32 v32, v41  }
0x2a4: {  	v31 =	vmul.f32 $5.960471300e-06, v31;
	v12 =	vsel vm15, $0xFFFFFFFF, v1;
	v22 =	vadd.f32 $9.999999770e-03, v22  }
0x2a5: {  	vm13 =	vlt.f32 v24, $2.500000000e-01;
	v30 =	vmul.f32 $2.980235650e-06, v30;
	v16 =	vadd.s32 v16, v12  }
0x2a6: {  	v53 =	vmul.u32 $0x147AE, v16;
	v22 =	vsel vm13, v22, v24;
	v54 =	vtrunc.f32 v31  }
0x2a7: {  	v30 =	vtrunc.f32 v30;
	v55 =	vmul.f32 $3.355443200e+07, v22  }
0x2a8: {  	v24 =	vcvt.f32.s32 v54;
	v52 =	vcvt.f32.s32 v30;
	v23 =	vadd.s32 v23, v53  }
0x2a9: {  	v23 =	vcvt.s32.f32 v23;
	v57 =	vtrunc.f32 v55  }
0x2aa: {  	v58 =	vmul.u32 $0x28F5C, v24;
	v56 =	vmul.u32 $0x51EB8, v52;
	v30 =	vcvt.f32.s32 v57  }
0x2ab: {  	v23 =	vmul.f32 $1.192092900e-07, v23  }
0x2ac: {  	vm12 =	vgt.s32 v58, v51;
	vm11 =	vgt.s32 v56, v50;
	v60 =	vsub.s32 $0xFFFFFF, v30  }
0x2ad: {  	v62 =	vsel vm12, $0xFFFFFFFF, v1;
	v59 =	vsel vm11, $0xFFFFFFFF, v1;
	v63 =	vcvt.s32.f32 v60  }
0x2ae: {  	v23 =	vadd.f32 $9.999999770e-03, v23;
	v24 =	vadd.s32 v24, v62;
	v12 =	vadd.s32 v52, v59  }
0x2af: {  	vm11 =	vlt.f32 v36, $2.000000000e+00;
	v61 =	vmul.u32 $0x51EB8, v12;
	v33 =	vmul.f32 $2.980235650e-06, v63  }
0x2b0: {  	v34 =	vmul.u32 $0x28F5C, v24;
	v23 =	vsel vm11, v23, v36  }
0x2b1: {  	v35 =	vmul.f32 $4.194304000e+06, v23;
	v27 =	vadd.s32 v48, v61;
	v26 =	vtrunc.f32 v33  }
0x2b2: {  	v27 =	vcvt.s32.f32 v27;
	v26 =	vcvt.f32.s32 v26  }
0x2b3: {  	v18 =	vadd.s32 $0x1, v18;
	v21 =	vadd.s32 v21, v34;
	v36 =	vtrunc.f32 v35  }
0x2b4: {  	v29 =	vcvt.f32.s32 v36;
	v27 =	vmul.f32 $2.980232240e-08, v27;
	v37 =	vmul.u32 $0x51EB8, v26  }
0x2b5: {  	vm1 =	vmmov vm1;
	v2 =	vadd.s32 $0x8, v2;
	v21 =	vcvt.s32.f32 v21  }
0x2b6: {  	v38 =	vsub.s32 $0xFFFFFF, v29;
	v27 =	vadd.f32 $9.999999770e-03, v27;
	vm8 =	vgt.s32 v37, v60  }
0x2b7: {  	vm7 =	vlt.f32 v42, $5.000000000e-01;
	v39 =	vcvt.s32.f32 v38;
	v31 =	vsel vm8, $0xFFFFFFFF, v1  }
0x2b8: {  	v21 =	vmul.f32 $5.960464480e-08, v21;
	v27 =	vsel vm7, v27, v42;
	v14 =	vadd.s32 v26, v31  }
0x2b9: {  	v33 =	vmul.f32 $2.384188520e-05, v39;
	v40 =	vmul.f32 $1.677721600e+07, v27;
	v26 =	vmul.u32 $0x51EB8, v14  }
0x2ba: {  	v17 =	vmul.f32 $4.768263170e-05, v17;
	vm12 =	vlt.f32 v28, $1.000000000e+00;
	v21 =	vadd.f32 $9.999999770e-03, v21  }
0x2bb: {  	v41 =	vtrunc.f32 v33;
	v25 =	vtrunc.f32 v40;
	v26 =	vadd.s32 v30, v26  }
0x2bc: {  	v21 =	vsel vm12, v21, v28;
	v31 =	vcvt.f32.s32 v41;
	v26 =	vcvt.s32.f32 v26  }
0x2bd: {  	v4 =	vadd.s32 $0x1, v4;
	v28 =	vmul.f32 $8.388608000e+06, v21;
	v25 =	vcvt.f32.s32 v25  }
0x2be: {  	v35 =	vtrunc.f32 v17;
	v34 =	vmul.u32 $0xA3D7, v31;
	v26 =	vmul.f32 $2.980232240e-08, v26  }
0x2bf: {  	v47 =	vcvt.f32.s32 v35;
	v28 =	vtrunc.f32 v28;
	v42 =	vsub.s32 $0xFFFFFF, v25  }
0x2c0: {  	v43 =	vcvt.s32.f32 v42;
	vm14 =	vgt.s32 v34, v38;
	v26 =	vadd.f32 $9.999999770e-03, v26  }
0x2c1: {  	vm8 =	vlt.f32 v22, $5.000000000e-01;
	v28 =	vcvt.f32.s32 v28;
	v44 =	vsel vm14, $0xFFFFFFFF, v1  }
0x2c2: {  	v33 =	vmul.f32 $5.960471300e-06, v43;
	v17 =	vadd.s32 v31, v44;
	v22 =	vsel vm8, v26, v22  }
0x2c3: {  	v49 =	vsub.s32 $0xFFFFFF, v28;
	v48 =	vmul.u32 $0xA3D7, v17;
	v51 =	vmul.f32 $1.677721600e+07, v22  }
0x2c4: {  	v36 =	vmul.u32 $0x51EC, v47;
	v37 =	vcvt.s32.f32 v49;
	v45 =	vtrunc.f32 v33  }
0x2c5: {  	v46 =	vcvt.f32.s32 v45;
	v29 =	vadd.s32 v29, v48;
	v52 =	vtrunc.f32 v51  }
0x2c6: {  	v5 =	vadd.s32 $0x1, v5;
	v29 =	vcvt.s32.f32 v29;
	v30 =	vcvt.f32.s32 v52  }
0x2c7: {  	v10 =	vadd.s32 $0x8, v10;
	vm15 =	vgt.s32 v36, v13;
	v50 =	vmul.u32 $0x28F5C, v46  }
0x2c8: {  	v54 =	vmul.f32 $1.192094260e-05, v37;
	v29 =	vmul.f32 $2.384185790e-07, v29;
	v57 =	vsub.s32 $0xFFFFFF, v30  }
0x2c9: {  	v55 =	vsel vm15, $0xFFFFFFFF, v1;
	vm14 =	vgt.s32 v50, v42;
	v58 =	vcvt.s32.f32 v57  }
0x2ca: {  	v33 =	vtrunc.f32 v54;
	v53 =	vsel vm14, $0xFFFFFFFF, v1;
	v29 =	vadd.f32 $9.999999770e-03, v29  }
0x2cb: {  	vm14 =	vlt.f32 v23, $4.000000000e+00;
	v13 =	vadd.s32 v46, v53;
	v59 =	vmul.f32 $5.960471300e-06, v58  }
0x2cc: {  	v33 =	vcvt.f32.s32 v33;
	v56 =	vmul.u32 $0x28F5C, v13;
	v23 =	vsel vm14, v29, v23  }
0x2cd: {  	v60 =	vadd.s32 v47, v55;
	v61 =	vmul.f32 $2.097152000e+06, v23;
	v29 =	vtrunc.f32 v59  }
0x2ce: {  	v63 =	vmul.u32 $0x51EC, v60;
	v25 =	vadd.s32 v25, v56;
	v29 =	vcvt.f32.s32 v29  }
0x2cf: {  	v62 =	vmul.u32 $0x147AE, v33;
	v25 =	vcvt.s32.f32 v25;
	v31 =	vtrunc.f32 v61  }
0x2d0: {  	v34 =	vnsel vm4, $0x0, v18;
	v40 =	vcvt.f32.s32 v31;
	v42 =	vmul.u32 $0x28F5C, v29  }
0x2d1: {  	vm4 =	vlt.f32 v27, $1.000000000e+00;
	vm15 =	vgt.s32 v62, v49;
	v25 =	vmul.f32 $5.960464480e-08, v25  }
0x2d2: {  	v41 =	vsel vm15, $0xFFFFFFFF, v1;
	v43 =	vsub.s32 $0xFFFFFF, v40;
	vm15 =	vgt.s32 v42, v57  }
0x2d3: {  	v25 =	vadd.f32 $9.999999770e-03, v25;
	v44 =	vcvt.s32.f32 v43;
	v48 =	vsel vm15, $0xFFFFFFFF, v1  }
0x2d4: {  	v46 =	vadd.s32 v9, v63;
	v31 =	vadd.s32 v33, v41;
	v9 =	vadd.s32 v29, v48  }
0x2d5: {  	v25 =	vsel vm4, v25, v27;
	v27 =	vmul.f32 $4.768263170e-05, v44;
	v51 =	vmul.u32 $0x28F5C, v9  }
0x2d6: {  	v19 =	vadd.s32 $0x8, v19;
	v15 =	vadd.s32 $0x1, v15;
	v47 =	vmul.u32 $0x147AE, v31  }
0x2d7: {  	v45 =	vmul.f32 $8.388608000e+06, v25;
	v27 =	vtrunc.f32 v27;
	v30 =	vadd.s32 v30, v51  }
0x2d8: {  	v28 =	vadd.s32 v28, v47;
	v27 =	vcvt.f32.s32 v27;
	v30 =	vcvt.s32.f32 v30  }
0x2d9: {  	v15 =	vnsel vm9, $0x0, v15;
	v24 =	vadd.s32 $0x1, v24;
	v28 =	vcvt.s32.f32 v28  }
0x2da: {  	v49 =	vtrunc.f32 v45;
	v53 =	vmul.u32 $0x51EC, v27;
	v30 =	vmul.f32 $5.960464480e-08, v30  }
0x2db: {  	v24 =	vnsel vm12, $0x0, v24;
	v32 =	vcvt.s32.f32 v46;
	v50 =	vcvt.f32.s32 v49  }
0x2dc: {  	v28 =	vmul.f32 $1.192092900e-07, v28;
	vm12 =	vgt.s32 v53, v43;
	v30 =	vadd.f32 $9.999999770e-03, v30  }
0x2dd: {  	v36 =	vsub.s32 $0xFFFFFF, v50;
	v55 =	vsel vm12, $0xFFFFFFFF, v1;
	vm12 =	vlt.f32 v22, $1.000000000e+00  }
0x2de: {  	v32 =	vmul.f32 $4.768371580e-07, v32;
	v52 =	vcvt.s32.f32 v36;
	v30 =	vsel vm12, v30, v22  }
0x2df: {  	v11 =	vadd.s32 $0x1, v11;
	v28 =	vadd.f32 $9.999999770e-03, v28;
	v38 =	vmul.f32 $8.388608000e+06, v30  }
0x2e0: {  	v32 =	vadd.f32 $9.999999770e-03, v32;
	vm15 =	vlt.f32 v21, $2.000000000e+00;
	v35 =	vmul.f32 $1.192094260e-05, v52  }
0x2e1: {  	vm6 =	vmmov vm6;
	v28 =	vsel vm15, v28, v21;
	v58 =	vtrunc.f32 v38  }
0x2e2: {  	v21 =	vsel vm3, v32, v7;
	v54 =	vtrunc.f32 v35;
	v32 =	vcvt.f32.s32 v58  }
0x2e3: {  	v20 =	vadd.s32 $0x1, v20;
	v11 =	vnsel vm6, $0x0, v11;
	v33 =	vcvt.f32.s32 v54  }
0x2e4: {  	v20 =	vnsel vm13, $0x0, v20;
	v18 =	vadd.s32 $0x1, v60;
	v61 =	vsub.s32 $0xFFFFFF, v32  }
0x2e5: {  	v57 =	vmul.f32 $4.194304000e+06, v28;
	v56 =	vmul.u32 $0x147AE, v33;
	v63 =	vcvt.s32.f32 v61  }
0x2e6: {  	v16 =	vadd.s32 $0x1, v16;
	v18 =	vnsel vm3, $0x0, v18;
	v41 =	vadd.s32 $0x1, v31  }
0x2e7: {  	v7 =	vtrunc.f32 v57;
	vm3 =	vgt.s32 v56, v36;
	v42 =	vmul.f32 $1.192094260e-05, v63  }
0x2e8: {  	v22 =	vadd.s32 v27, v55;
	v36 =	vcvt.f32.s32 v7;
	v59 =	vsel vm3, $0xFFFFFFFF, v1  }
0x2e9: {  	v27 =	vmul.u32 $0x51EC, v22;
	v7 =	vadd.s32 v33, v59;
	v31 =	vtrunc.f32 v42  }
0x2ea: {  	v62 =	vsub.s32 $0xFFFFFF, v36;
	v60 =	vmul.u32 $0x147AE, v7;
	v31 =	vcvt.f32.s32 v31  }
0x2eb: {  	v16 =	vnsel vm11, $0x0, v16;
	v26 =	vadd.s32 v40, v27;
	v40 =	vcvt.s32.f32 v62  }
0x2ec: {  	v39 =	vnsel vm1, $0x7, v2;
	v27 =	vadd.s32 v50, v60;
	v47 =	vmul.u32 $0x147AE, v31  }
0x2ed: {  	v14 =	vadd.s32 $0x1, v14;
	v44 =	vmul.f32 $2.384188520e-05, v40;
	v27 =	vcvt.s32.f32 v27  }
0x2ee: {  	v29 =	vnsel vm15, $0x0, v41;
	v43 =	vnsel vm10, $0x7, v19;
	vm15 =	vgt.s32 v47, v61  }
0x2ef: {  	v19 =	vtrunc.f32 v44;
	v27 =	vmul.f32 $1.192092900e-07, v27;
	v33 =	vsel vm15, $0xFFFFFFFF, v1  }
0x2f0: {  	v6 =	vadd.s32 v34, v6;
	v45 =	vcvt.f32.s32 v19;
	v19 =	vadd.s32 v31, v33  }
0x2f1: {  	v26 =	vcvt.s32.f32 v26;
	v46 =	vadd.f32 $9.999999770e-03, v27;
	v31 =	vmul.u32 $0x147AE, v19  }
0x2f2: {  	v14 =	vnsel vm8, $0x0, v14;
	v6 =	vadd.s32 v24, v6;
	vm3 =	vlt.f32 v25, $2.000000000e+00  }
0x2f3: {  	v26 =	vmul.f32 $4.768371580e-07, v26;
	v25 =	vsel vm3, v46, v25;
	v31 =	vadd.s32 v32, v31  }
0x2f4: {  	v17 =	vadd.s32 $0x1, v17;
	v49 =	vmul.f32 $4.194304000e+06, v25;
	v31 =	vcvt.s32.f32 v31  }
0x2f5: {  	v3 =	vadd.s32 v18, v3;
	v17 =	vnsel vm14, $0x0, v17;
	v13 =	vadd.s32 $0x1, v13  }
0x2f6: {  	v26 =	vadd.f32 $9.999999770e-03, v26;
	v27 =	vtrunc.f32 v49;
	v31 =	vmul.f32 $1.192092900e-07, v31  }
0x2f7: {  	v6 =	vadd.s32 v29, v6;
	vm10 =	vlt.f32 v23, $8.000000000e+00;
	v27 =	vcvt.f32.s32 v27  }
0x2f8: {  	v55 =	vnsel vm0, $0x0, v5;
	v23 =	vsel vm10, v26, v23;
	v31 =	vadd.f32 $9.999999770e-03, v31  }
0x2f9: {  	vm0 =	vlt.f32 v30, $2.000000000e+00;
	v26 =	vmul.f32 $1.048576000e+06, v23;
	v52 =	vsub.s32 $0xFFFFFF, v27  }
0x2fa: {  	v48 =	vmul.u32 $0xA3D7, v45;
	v2 =	vcvt.s32.f32 v52;
	v30 =	vsel vm0, v31, v30  }
0x2fb: {  	v9 =	vadd.s32 $0x1, v9;
	v56 =	vmul.f32 $1.048576000e+06, v21;
	v58 =	vmul.f32 $4.194304000e+06, v30  }
0x2fc: {  	v26 =	vtrunc.f32 v26;
	vm13 =	vgt.s32 v48, v62;
	v2 =	vmul.f32 $2.384188520e-05, v2  }
0x2fd: {  	v26 =	vcvt.f32.s32 v26;
	v50 =	vsel vm13, $0xFFFFFFFF, v1;
	v60 =	vtrunc.f32 v58  }
0x2fe: {  	v33 =	vadd.s32 v45, v50;
	v2 =	vtrunc.f32 v2;
	v31 =	vcvt.f32.s32 v60  }
0x2ff: {  	v5 =	vtrunc.f32 v56;
	v61 =	vmul.u32 $0xA3D7, v33;
	v2 =	vcvt.f32.s32 v2  }
0x300: {  	v63 =	vcvt.f32.s32 v5;
	v26 =	vsub.s32 $0xA00000, v26;
	v37 =	vsub.s32 $0xFFFFFF, v31  }
0x301: {  	v36 =	vadd.s32 v36, v61;
	v57 =	vmul.u32 $0xA3D7, v2;
	v38 =	vcvt.s32.f32 v37  }
0x302: {  	v5 =	vadd.s32 v43, v20;
	v51 =	vcvt.s32.f32 v26;
	v20 =	vcvt.s32.f32 v36  }
0x303: {  	vm15 =	vmmov vm2;
	vm13 =	vgt.s32 v57, v52;
	v32 =	vmul.f32 $2.384188520e-05, v38  }
0x304: {  	v4 =	vnsel vm15, $0x0, v4;
	v20 =	vmul.f32 $2.384185790e-07, v20;
	v62 =	vsel vm13, $0xFFFFFFFF, v1  }
0x305: {  	v4 =	vadd.s32 v39, v4;
	v2 =	vadd.s32 v2, v62;
	v32 =	vtrunc.f32 v32  }
0x306: {  	v20 =	vadd.f32 $9.999999770e-03, v20;
	v35 =	vmul.u32 $0xA3D7, v2;
	v32 =	vcvt.f32.s32 v32  }
0x307: {  	vm9 =	vlt.f32 v28, $4.000000000e+00;
	v53 =	vmul.f32 $9.536526340e-05, v51;
	v4 =	vadd.s32 v55, v4  }
0x308: {  	v20 =	vsel vm9, v20, v28;
	v40 =	vadd.s32 v27, v35;
	v42 =	vmul.u32 $0xA3D7, v32  }
0x309: {  	v4 =	vadd.s32 v15, v4;
	v43 =	vmul.f32 $2.097152000e+06, v20;
	v15 =	vcvt.s32.f32 v40  }
0x30a: {  	v54 =	vtrunc.f32 v53;
	v16 =	vadd.s32 v16, v4;
	vm11 =	vgt.s32 v42, v37  }
0x30b: {  	v4 =	vtrunc.f32 v43;
	v15 =	vmul.f32 $2.384185790e-07, v15;
	v28 =	vsel vm11, $0xFFFFFFFF, v1  }
0x30c: {  	v24 =	vcvt.f32.s32 v54;
	v44 =	vcvt.f32.s32 v4;
	v4 =	vadd.s32 v32, v28  }
0x30d: {  	v9 =	vnsel vm12, $0x0, v9;
	v15 =	vadd.f32 $9.999999770e-03, v15;
	v46 =	vmul.u32 $0xA3D7, v4  }
0x30e: {  	v22 =	vadd.s32 $0x1, v22;
	vm1 =	vlt.f32 v25, $4.000000000e+00;
	v59 =	vmul.u32 $0x28F6, v24  }
0x30f: {  	v22 =	vnsel vm10, $0x0, v22;
	v15 =	vsel vm1, v15, v25;
	v25 =	vadd.s32 v31, v46  }
0x310: {  	v7 =	vadd.s32 $0x1, v7;
	vm15 =	vgt.s32 v59, v26;
	v25 =	vcvt.s32.f32 v25  }
0x311: {  	v5 =	vadd.s32 v14, v5;
	v45 =	vsel vm15, $0xFFFFFFFF, v1;
	v47 =	vsub.s32 $0xFFFFFF, v44  }
0x312: {  	v24 =	vadd.s32 v45, v24;
	v49 =	vcvt.s32.f32 v47;
	v52 =	vmul.f32 $2.384185790e-07, v25  }
0x313: {  	v7 =	vnsel vm3, $0x0, v7;
	v16 =	vadd.s32 v17, v16;
	v51 =	vadd.s32 $0x1, v24  }
0x314: {  	v48 =	vmul.f32 $2.097152000e+06, v15;
	v31 =	vmul.f32 $4.768263170e-05, v49;
	v24 =	vadd.f32 $9.999999770e-03, v52  }
0x315: {  	v16 =	vadd.s32 v22, v16;
	v26 =	vsub.s32 $0xA00000, v63;
	vm2 =	vlt.f32 v30, $4.000000000e+00  }
0x316: {  	v50 =	vtrunc.f32 v48;
	v53 =	vtrunc.f32 v31;
	v24 =	vsel vm2, v24, v30  }
0x317: {  	vm13 =	vle.f32 v23, $1.000000000e+01;
	v22 =	vcvt.f32.s32 v53;
	v58 =	vmul.f32 $2.097152000e+06, v24  }
0x318: {  	v39 =	vcvt.s32.f32 v26;
	v23 =	vnsel vm13, $0x0, v51;
	v28 =	vcvt.f32.s32 v50  }
0x319: {  	v16 =	vadd.s32 v23, v16;
	v57 =	vmul.u32 $0x51EC, v22;
	v23 =	vtrunc.f32 v58  }
0x31a: {  	v41 =	vmul.f32 $9.536526340e-05, v39;
	v54 =	vsub.s32 $0xFFFFFF, v28;
	v23 =	vcvt.f32.s32 v23  }
0x31b: {  	v19 =	vadd.s32 $0x1, v19;
	v55 =	vcvt.s32.f32 v54;
	vm15 =	vgt.s32 v57, v47  }
0x31c: {  	v27 =	vtrunc.f32 v41;
	v30 =	vsel vm15, $0xFFFFFFFF, v1;
	v63 =	vsub.s32 $0xFFFFFF, v23  }
0x31d: {  	v31 =	vmul.f32 $4.768263170e-05, v55;
	v22 =	vadd.s32 v22, v30;
	v30 =	vcvt.s32.f32 v63  }
0x31e: {  	v5 =	vadd.s32 v9, v5;
	v19 =	vnsel vm0, $0x0, v19;
	v27 =	vcvt.f32.s32 v27  }
0x31f: {  	v5 =	vadd.s32 v19, v5;
	v59 =	vtrunc.f32 v31;
	v25 =	vmul.f32 $4.768263170e-05, v30  }
0x320: {  	v60 =	vadd.s32 $0x1, v33;
	v56 =	vmul.u32 $0x28F6, v27;
	v17 =	vcvt.f32.s32 v59  }
0x321: {  	v51 =	vnsel vm4, $0x0, v13;
	v2 =	vadd.s32 $0x1, v2;
	v35 =	vtrunc.f32 v25  }
0x322: {  	vm14 =	vgt.s32 v56, v26;
	v62 =	vmul.u32 $0x51EC, v17;
	v18 =	vcvt.f32.s32 v35  }
0x323: {  	v16 =	vcvt.s32.f32 v16;
	v2 =	vnsel vm1, $0x0, v2;
	v26 =	vsel vm14, $0xFFFFFFFF, v1  }
0x324: {  	v61 =	vmul.u32 $0x51EC, v22;
	vm13 =	vgt.s32 v62, v54;
	v37 =	vmul.u32 $0x51EC, v18  }
0x325: {  	vm14 =	vle.f32 v21, $1.000000000e+01;
	v26 =	vadd.s32 v26, v27;
	v34 =	vsel vm13, $0xFFFFFFFF, v1  }
0x326: {  	v27 =	vadd.s32 v44, v61;
	v17 =	vadd.s32 v17, v34;
	vm13 =	vgt.s32 v37, v63  }
0x327: {  	v33 =	vcvt.s32.f32 v27;
	v27 =	vmul.u32 $0x51EC, v17;
	v40 =	vsel vm13, $0xFFFFFFFF, v1  }
0x328: {  	v26 =	vadd.s32 $0x1, v26;
	v4 =	vadd.s32 $0x1, v4;
	v18 =	vadd.s32 v18, v40  }
0x329: {  	v26 =	vnsel vm14, $0x0, v26;
	v36 =	vadd.s32 v28, v27;
	v41 =	vmul.u32 $0x51EC, v18  }
0x32a: {  	vm14 =	vlt.f32 v15, $8.000000000e+00;
	v21 =	vmul.f32 $4.768371580e-07, v33;
	v25 =	vcvt.s32.f32 v36  }
0x32b: {  	v4 =	vnsel vm2, $0x0, v4;
	v3 =	vadd.s32 v26, v3;
	v23 =	vadd.s32 v23, v41  }
0x32c: {  	v21 =	vadd.f32 $9.999999770e-03, v21;
	v25 =	vmul.f32 $4.768371580e-07, v25;
	v23 =	vcvt.s32.f32 v23  }
0x32d: {  	v48 =	vadd.s32 $0x1, v12;
	v4 =	vadd.s32 v4, v5;
	vm15 =	vlt.f32 v20, $8.000000000e+00  }
0x32e: {  	v20 =	vsel vm15, v21, v20;
	v25 =	vadd.f32 $9.999999770e-03, v25;
	v23 =	vmul.f32 $4.768371580e-07, v23  }
0x32f: {  	v31 =	vnsel vm9, $0x0, v60;
	v22 =	vadd.s32 $0x1, v22;
	v38 =	vmul.f32 $1.048576000e+06, v20  }
0x330: {  	v22 =	vnsel vm15, $0x0, v22;
	v15 =	vsel vm14, v25, v15;
	v23 =	vadd.f32 $9.999999770e-03, v23  }
0x331: {  	vm15 =	vlt.f32 v24, $8.000000000e+00;
	v39 =	vtrunc.f32 v38;
	v42 =	vmul.f32 $1.048576000e+06, v15  }
0x332: {  	vm9 =	vmmov vm5;
	v21 =	vcvt.f32.s32 v39;
	v23 =	vsel vm15, v23, v24  }
0x333: {  	v10 =	vnsel vm9, $0x7, v10;
	v44 =	vtrunc.f32 v42;
	v24 =	vmul.f32 $1.048576000e+06, v23  }
0x334: {  	v3 =	vcvt.s32.f32 v3;
	v10 =	vadd.s32 v10, v11;
	v14 =	vcvt.f32.s32 v44  }
0x335: {  	v11 =	vnsel vm7, $0x0, v48;
	v21 =	vsub.s32 $0xA00000, v21;
	v49 =	vtrunc.f32 v24  }
0x336: {  	v43 =	vcvt.s32.f32 v21;
	v14 =	vsub.s32 $0xA00000, v14;
	v12 =	vcvt.f32.s32 v49  }
0x337: {  	v6 =	vadd.s32 v31, v6;
	v10 =	vadd.s32 v11, v10;
	v46 =	vcvt.s32.f32 v14  }
0x338: {  	v10 =	vadd.s32 v51, v10;
	v45 =	vmul.f32 $9.536526340e-05, v43;
	v12 =	vsub.s32 $0xA00000, v12  }
0x339: {  	v7 =	vadd.s32 v7, v10;
	v25 =	vmul.f32 $9.536526340e-05, v46;
	v53 =	vcvt.s32.f32 v12  }
0x33a: {  	v6 =	vadd.s32 v22, v6;
	v2 =	vadd.s32 v2, v7;
	v9 =	vtrunc.f32 v45  }
0x33b: {  	v56 =	vadd.s32 $0x1, v17;
	v25 =	vtrunc.f32 v25;
	v54 =	vmul.f32 $9.536526340e-05, v53  }
0x33c: {  	v7 =	vnsel vm14, $0x0, v56;
	v9 =	vcvt.f32.s32 v9;
	v50 =	vcvt.f32.s32 v25  }
0x33d: {  	v2 =	vadd.s32 v7, v2;
	v61 =	vadd.s32 $0x1, v18;
	v10 =	vtrunc.f32 v54  }
0x33e: {  	v47 =	vmul.u32 $0x28F6, v9;
	v52 =	vmul.u32 $0x28F6, v50;
	v10 =	vcvt.f32.s32 v10  }
0x33f: {  	vm13 =	vle.f32 v20, $1.000000000e+01;
	vm12 =	vle.f32 v15, $1.000000000e+01;
	v62 =	vnsel vm15, $0x0, v61  }
0x340: {  	vm10 =	vgt.s32 v47, v21;
	vm11 =	vgt.s32 v52, v14;
	v59 =	vmul.u32 $0x28F6, v10  }
0x341: {  	v4 =	vadd.s32 v62, v4;
	v57 =	vsel vm10, $0xFFFFFFFF, v1;
	v55 =	vsel vm11, $0xFFFFFFFF, v1  }
0x342: {  	vm15 =	vle.f32 v23, $1.000000000e+01;
	v11 =	vadd.s32 v55, v50;
	vm14 =	vgt.s32 v59, v12  }
0x343: {  	v9 =	vadd.s32 v57, v9;
	v11 =	vadd.s32 $0x1, v11;
	v7 =	vsel vm14, $0xFFFFFFFF, v1  }
0x344: {  	v9 =	vadd.s32 $0x1, v9;
	v58 =	vnsel vm12, $0x0, v11;
	v7 =	vadd.s32 v7, v10  }
0x345: {  	[tilespmem:s12+$0x600] =	vst v8;
	v60 =	vnsel vm13, $0x0, v9;
	v2 =	vadd.s32 v58, v2;
	v7 =	vadd.s32 $0x1, v7  }
0x346: {  	[tilespmem:s14+$0x680] =	vst v16;
	v5 =	vadd.s32 v60, v6;
	v2 =	vcvt.s32.f32 v2;
	v63 =	vnsel vm15, $0x0, v7  }
0x347: {  	[tilespmem:s13+$0x600] =	vst v3;
	v3 =	vcvt.s32.f32 v5;
	v4 =	vadd.s32 v63, v4  }
0x348: {  	s11 =	sadd.s32 $0x1, s11;
	[tilespmem:s15+$0x680] =	vst v2;
	v2 =	vcvt.s32.f32 v4  }
0x349: {  	p0 =	sne.s32 s11, s6;
	[tilespmem:s14+$0x600] =	vst v3  }
.Ltmp1:
0x34a: {  	[tilespmem:s15+$0x600] =	vst v2;
	(pc) =	sbr.rel @p0 .LBB2_1-.Ltmp1, $4  }
0x34b: {  	[hbm4b:s5+s2] =	stream.linear.scatter [tilespmem:s9], [sflag:$0x3], $0x400, $0x38;
	[tilespmem:$0xA00] =	vst v63  }
0x34c: {  	_ =	swait.ge [sflag:s10], $0x400  }
0x34d: {  	[sflag:s10] =	ssyncset.done $0x0  }
0x34e: {  	[sflag:s10] =	ssyncadd.s32 $0xFFFFFC00  }
0x34f: {  	_ =	sfence.sel $0x180000  }
0x350: {  	[bflag:$0x0] =	sbarrier.arrive $0xFFFF  }
0x351: {  	p0 =	sne.s32 s1, $0x0;
	_ =	strace $0x90000047  }
0x352: {  	s0 =	sadd.s32 @!p0 $0x100000, s0;
	[bflag:$0x2] =	sbarrier.arrive $0xFFFF  }
0x353: {  	[sflag:s0] =	ssyncadd.tile.s32 @!p0 $0x1;
	_ =	shalt  }
.Lfunc_end2:
_tile_overlayer_lowered:
.L_overlay_start_2:
0x354: {  	(tag) =	ssettag $0x2  }
0x355: {  	s0 =	rddreg [dreg:$0x0];
	s2 =	stileid.u32  }
0x356: {  	s1 =	rddreg [dreg:$0x1];
	p0 =	sne.s32 s2, $0x0  }
0x357: {  	s3 =	rddreg [dreg:$0x2];
	[bflag:$0x3] =	sbarrier.arrive $0xFFFF;
	s2 =	simm.s32 @!p0 $0x1C03  }
0x358: {  	[timem:s3], [sflag:s2] =	dma.local @!p0 [hbm:s0], s1  }
0x359: {  	s0 =	simm.s32 @!p0 $0x3  }
0x35a: {  	_ =	swait.ge @!p0 [sflag:s0], s1  }
0x35b: {  	s1 =	ssub.s32 @!p0 $0x0, s1;
	[sflag:s0] =	ssyncset.done @!p0 $0x0  }
0x35c: {  	[sflag:s0] =	ssyncadd.s32 @!p0 s1  }
0x35d: {  	[bflag:$0x3] =	sbarrier.arrive $0xFFFF  }
0x35e: {  	_ =	shalt  }

</sc_bundles>
